<compile_context>
chip_gen: v7x
topology: tpu7x:2x2x1
jax: 0.10.2.dev20260603
libtpu: 0.0.44.dev20260713+nightly
codegen_flags: <defaults>
</compile_context>

<pallas_src>
import functools

import jax
import jax.numpy as jnp
from jax import lax
from jax.experimental import pallas as pl
from jax.experimental.pallas import tpu as pltpu
from jax.experimental.pallas import tpu_sc as plsc

_N = 16384
_C = 1000
_NC = 2
_NS = 16
_NW = _NC * _NS
_RPW = _N // _NW
_LANES = 16
_TILE_W = 128
_CHUNK = 128


def _sc_body(vt_hbm, idx_hbm, out_hbm, idx_v, lines_v, out_v,
             sem0, sem1, sem2, sem3):
    wid = lax.axis_index("s") * _NC + lax.axis_index("c")
    base = wid * _RPW
    sems = (sem0, sem1, sem2, sem3)

    pltpu.sync_copy(idx_hbm.at[pl.ds(base, _RPW)], idx_v)

    copies = []
    for c in range(_RPW // _CHUNK):
        win = pl.multiple_of(base + c * _CHUNK, _TILE_W)
        copies.append(pltpu.async_copy(
            vt_hbm.at[idx_v.at[pl.ds(c * _CHUNK, _CHUNK)],
                      pl.ds(win, _TILE_W)],
            lines_v.at[pl.ds(c * _CHUNK, _CHUNK), :],
            sems[c],
        ))

    lane = lax.iota(jnp.int32, _LANES)
    for c, cp in enumerate(copies):
        cp.wait()
        for k in range(_CHUNK // _LANES):
            o = lane + (c * _CHUNK + k * _LANES)
            col = jnp.bitwise_and(o, _TILE_W - 1)
            out_v[pl.ds(c * _CHUNK + k * _LANES, _LANES)] = (
                plsc.load_gather(lines_v, [o, col]))

    pltpu.sync_copy(out_v, out_hbm.at[pl.ds(base, _RPW)])


@jax.jit
def kernel(value, index):
    mesh = plsc.VectorSubcoreMesh(core_axis_name="c", subcore_axis_name="s")
    run = functools.partial(
        pl.kernel,
        out_type=jax.ShapeDtypeStruct((_N,), jnp.float32),
        mesh=mesh,
        compiler_params=pltpu.CompilerParams(needs_layout_passes=False),
        scratch_types=[
            pltpu.VMEM((_RPW,), jnp.int32),
            pltpu.VMEM((_RPW, _TILE_W), jnp.float32),
            pltpu.VMEM((_RPW,), jnp.float32),
            pltpu.SemaphoreType.DMA,
            pltpu.SemaphoreType.DMA,
            pltpu.SemaphoreType.DMA,
            pltpu.SemaphoreType.DMA,
        ],
    )(_sc_body)
    flat = run(value.T, index.reshape(_N).astype(jnp.int32))
    return flat.reshape(_N, 1)

# --- scband reference (transcript-rebuilt; emitter-appended) ---
"""Pipeline reference for scband-extract-index-layer-66597762892634 (READ-ONLY COPY).

The authoritative reference and input builder live on the scoring server;
editing this copy changes nothing except your own understanding.
"""

import jax, jax.numpy as jnp
import numpy as np


def setup_inputs(seed: int = 0) -> dict:
    key = jax.random.key(seed)
    k1, k2 = jax.random.split(key)
    value = jax.random.normal(k1, (16384, 1000), dtype=jnp.float32)
    index = jax.random.randint(k2, (16384, 1), 0, 1000, dtype=jnp.int64 if jax.config.jax_enable_x64 else jnp.int32)
    return {"value": value, "index": index}


def reference(value, index):
    # Faithful translation of ExtractIndexLayer.call:
    # one_hot over index [N,1] -> [N,1,C], squeeze axis 1 -> [N,C],
    # multiply elementwise with value and reduce-sum over axis 1 keepdims.
    num_cols = value.shape[-1]
    by_index = jnp.squeeze(jax.nn.one_hot(index, num_cols, dtype=value.dtype), axis=1)
    return jnp.sum(value * by_index, axis=1, keepdims=True)

if __name__ == "__main__":
    import jax
    _d = setup_inputs()
    print(jax.jit(kernel)(*tuple(_d.values())))

</pallas_src>

<mosaic_0001>
#map = affine_map<(d0, d1) -> (0, 0)>
#map1 = affine_map<(d0, d1) -> (0)>
module attributes {stable_mosaic.version = 14 : i64} {
  func.func @_sc_body(%arg0: i32, %arg1: i32, %arg2: memref<1000x16384xf32, #tpu.memory_space<hbm>>, %arg3: memref<16384xi32, #tpu.memory_space<hbm>>, %arg4: memref<16384xf32, #tpu.memory_space<hbm>>, %arg5: memref<512xi32, #tpu.memory_space<vmem>>, %arg6: memref<512x128xf32, #tpu.memory_space<vmem>>, %arg7: memref<512xf32, #tpu.memory_space<vmem>>, %arg8: memref<!tpu.dma_semaphore, #tpu.memory_space<semaphore_mem>>, %arg9: memref<!tpu.dma_semaphore, #tpu.memory_space<semaphore_mem>>, %arg10: memref<!tpu.dma_semaphore, #tpu.memory_space<semaphore_mem>>, %arg11: memref<!tpu.dma_semaphore, #tpu.memory_space<semaphore_mem>>) attributes {dimension_semantics = [#tpu.dimension_semantics<core_parallel>, #tpu.dimension_semantics<subcore_parallel>], iteration_bounds = array<i64: 2, 16>, scalar_prefetch = 0 : i64, scratch_operands = 7 : i64, tpu.core_type = #tpu.core_type<sc_vector_subcore>, window_params = [{transform_indices = #map}, {transform_indices = #map1}, {transform_indices = #map1}]} {
    %mul3A = arith.constant 2 : i32
    %mul3A_0 = arith.muli %arg1, %mul3A : i32
    %add3A = arith.addi %mul3A_0, %arg0 : i32
    %mul3A_1 = arith.constant 512 : i32
    %mul3A_2 = arith.muli %add3A, %mul3A_1 : i32
    "tpu.region"() ({
      %run_scoped3A = tpu.sem_alloc : memref<!tpu.dma_semaphore, #tpu.memory_space<semaphore_mem>>
      %dma_start3A_353 = tpu.memref_slice %arg3[%mul3A_2] : memref<16384xi32, #tpu.memory_space<hbm>> -> memref<512xi32, #tpu.memory_space<hbm>>
      %dma_start3A_354 = tpu.memref_slice %arg3[%mul3A_2] : memref<16384xi32, #tpu.memory_space<hbm>> -> memref<512xi32, #tpu.memory_space<hbm>>
      tpu.enqueue_dma source(%dma_start3A_354 : memref<512xi32, #tpu.memory_space<hbm>>) target(%arg5 : memref<512xi32, #tpu.memory_space<vmem>>) target_semaphore(%run_scoped3A : memref<!tpu.dma_semaphore, #tpu.memory_space<semaphore_mem>>)
      %dma_wait3A_355 = tpu.memref_slice %arg3[%mul3A_2] : memref<16384xi32, #tpu.memory_space<hbm>> -> memref<512xi32, #tpu.memory_space<hbm>>
      %dma_wait3A_356 = tpu.memref_slice %arg3[%mul3A_2] : memref<16384xi32, #tpu.memory_space<hbm>> -> memref<512xi32, #tpu.memory_space<hbm>>
      tpu.wait_dma2 semaphore(%run_scoped3A : memref<!tpu.dma_semaphore, #tpu.memory_space<semaphore_mem>>) src(%dma_wait3A_356 : memref<512xi32, #tpu.memory_space<hbm>>) dst(%arg5 : memref<512xi32, #tpu.memory_space<vmem>>)
      tpu.yield
    }) : () -> ()
    %add3A_3 = arith.constant 0 : i32
    %add3A_4 = arith.addi %mul3A_2, %add3A_3 : i32
    %multiple_of3A = tpu.assume_multiple %add3A_4, 128 : i32
    %dma_start3A = arith.constant 0 : i32
    %dma_start3A_5 = arith.constant 0 : i32
    %dma_start3A_6 = tpu.memref_slice %arg6[%dma_start3A, %dma_start3A_5] : memref<512x128xf32, #tpu.memory_space<vmem>> -> memref<128x128xf32, #tpu.memory_space<vmem>>
    %dma_start3A_7 = arith.constant 0 : i32
    %dma_start3A_8 = tpu.memref_slice %arg5[%dma_start3A_7] : memref<512xi32, #tpu.memory_space<vmem>> -> memref<128xi32, #tpu.memory_space<vmem>>
    %dma_start3A_9 = arith.constant 0 : i32
    %dma_start3A_10 = tpu.memref_slice %arg2[%dma_start3A_9, %multiple_of3A] : memref<1000x16384xf32, #tpu.memory_space<hbm>> -> memref<1000x128xf32, #tpu.memory_space<hbm>>
    tpu.enqueue_indirect_dma source(%dma_start3A_10 : memref<1000x128xf32, #tpu.memory_space<hbm>>) target(%dma_start3A_6 : memref<128x128xf32, #tpu.memory_space<vmem>>) offsets(%dma_start3A_8 : memref<128xi32, #tpu.memory_space<vmem>>) semaphore(%arg8 : memref<!tpu.dma_semaphore, #tpu.memory_space<semaphore_mem>>)
    %add3A_11 = arith.constant 128 : i32
    %add3A_12 = arith.addi %mul3A_2, %add3A_11 : i32
    %multiple_of3A_13 = tpu.assume_multiple %add3A_12, 128 : i32
    %dma_start3A_14 = arith.constant 128 : i32
    %dma_start3A_15 = arith.constant 0 : i32
    %dma_start3A_16 = tpu.memref_slice %arg6[%dma_start3A_14, %dma_start3A_15] : memref<512x128xf32, #tpu.memory_space<vmem>> -> memref<128x128xf32, #tpu.memory_space<vmem>>
    %dma_start3A_17 = arith.constant 128 : i32
    %dma_start3A_18 = tpu.memref_slice %arg5[%dma_start3A_17] : memref<512xi32, #tpu.memory_space<vmem>> -> memref<128xi32, #tpu.memory_space<vmem>>
    %dma_start3A_19 = arith.constant 0 : i32
    %dma_start3A_20 = tpu.memref_slice %arg2[%dma_start3A_19, %multiple_of3A_13] : memref<1000x16384xf32, #tpu.memory_space<hbm>> -> memref<1000x128xf32, #tpu.memory_space<hbm>>
    tpu.enqueue_indirect_dma source(%dma_start3A_20 : memref<1000x128xf32, #tpu.memory_space<hbm>>) target(%dma_start3A_16 : memref<128x128xf32, #tpu.memory_space<vmem>>) offsets(%dma_start3A_18 : memref<128xi32, #tpu.memory_space<vmem>>) semaphore(%arg9 : memref<!tpu.dma_semaphore, #tpu.memory_space<semaphore_mem>>)
    %add3A_21 = arith.constant 256 : i32
    %add3A_22 = arith.addi %mul3A_2, %add3A_21 : i32
    %multiple_of3A_23 = tpu.assume_multiple %add3A_22, 128 : i32
    %dma_start3A_24 = arith.constant 256 : i32
    %dma_start3A_25 = arith.constant 0 : i32
    %dma_start3A_26 = tpu.memref_slice %arg6[%dma_start3A_24, %dma_start3A_25] : memref<512x128xf32, #tpu.memory_space<vmem>> -> memref<128x128xf32, #tpu.memory_space<vmem>>
    %dma_start3A_27 = arith.constant 256 : i32
    %dma_start3A_28 = tpu.memref_slice %arg5[%dma_start3A_27] : memref<512xi32, #tpu.memory_space<vmem>> -> memref<128xi32, #tpu.memory_space<vmem>>
    %dma_start3A_29 = arith.constant 0 : i32
    %dma_start3A_30 = tpu.memref_slice %arg2[%dma_start3A_29, %multiple_of3A_23] : memref<1000x16384xf32, #tpu.memory_space<hbm>> -> memref<1000x128xf32, #tpu.memory_space<hbm>>
    tpu.enqueue_indirect_dma source(%dma_start3A_30 : memref<1000x128xf32, #tpu.memory_space<hbm>>) target(%dma_start3A_26 : memref<128x128xf32, #tpu.memory_space<vmem>>) offsets(%dma_start3A_28 : memref<128xi32, #tpu.memory_space<vmem>>) semaphore(%arg10 : memref<!tpu.dma_semaphore, #tpu.memory_space<semaphore_mem>>)
    %add3A_31 = arith.constant 384 : i32
    %add3A_32 = arith.addi %mul3A_2, %add3A_31 : i32
    %multiple_of3A_33 = tpu.assume_multiple %add3A_32, 128 : i32
    %dma_start3A_34 = arith.constant 384 : i32
    %dma_start3A_35 = arith.constant 0 : i32
    %dma_start3A_36 = tpu.memref_slice %arg6[%dma_start3A_34, %dma_start3A_35] : memref<512x128xf32, #tpu.memory_space<vmem>> -> memref<128x128xf32, #tpu.memory_space<vmem>>
    %dma_start3A_37 = arith.constant 384 : i32
    %dma_start3A_38 = tpu.memref_slice %arg5[%dma_start3A_37] : memref<512xi32, #tpu.memory_space<vmem>> -> memref<128xi32, #tpu.memory_space<vmem>>
    %dma_start3A_39 = arith.constant 0 : i32
    %dma_start3A_40 = tpu.memref_slice %arg2[%dma_start3A_39, %multiple_of3A_33] : memref<1000x16384xf32, #tpu.memory_space<hbm>> -> memref<1000x128xf32, #tpu.memory_space<hbm>>
    tpu.enqueue_indirect_dma source(%dma_start3A_40 : memref<1000x128xf32, #tpu.memory_space<hbm>>) target(%dma_start3A_36 : memref<128x128xf32, #tpu.memory_space<vmem>>) offsets(%dma_start3A_38 : memref<128xi32, #tpu.memory_space<vmem>>) semaphore(%arg11 : memref<!tpu.dma_semaphore, #tpu.memory_space<semaphore_mem>>)
    %iota3A = tpu.iota {dimensions = array<i32: 0>} : vector<16xi32>
    %dma_wait3A = arith.constant 0 : i32
    %dma_wait3A_41 = arith.constant 0 : i32
    %dma_wait3A_42 = tpu.memref_slice %arg6[%dma_wait3A, %dma_wait3A_41] : memref<512x128xf32, #tpu.memory_space<vmem>> -> memref<128x128xf32, #tpu.memory_space<vmem>>
    %dma_wait3A_43 = arith.constant 0 : i32
    %dma_wait3A_44 = tpu.memref_slice %arg5[%dma_wait3A_43] : memref<512xi32, #tpu.memory_space<vmem>> -> memref<128xi32, #tpu.memory_space<vmem>>
    %dma_wait3A_45 = arith.constant 0 : i32
    %dma_wait3A_46 = tpu.memref_slice %arg2[%dma_wait3A_45, %multiple_of3A] : memref<1000x16384xf32, #tpu.memory_space<hbm>> -> memref<1000x128xf32, #tpu.memory_space<hbm>>
    tpu.wait_indirect_dma semaphore(%arg8 : memref<!tpu.dma_semaphore, #tpu.memory_space<semaphore_mem>>) src(%dma_wait3A_46 : memref<1000x128xf32, #tpu.memory_space<hbm>>) dst(%dma_wait3A_42 : memref<128x128xf32, #tpu.memory_space<vmem>>)
    %add3A_47 = arith.constant 0 : i32
    %add3A_48 = vector.broadcast %add3A_47 : i32 to vector<16xi32>
    %add3A_49 = arith.addi %iota3A, %add3A_48 : vector<16xi32>
    %and3A = arith.constant 127 : i32
    %and3A_50 = vector.broadcast %and3A : i32 to vector<16xi32>
    %and3A_51 = arith.andi %add3A_49, %and3A_50 : vector<16xi32>
    %gather3A = tpu.vector_load_idx %arg6[%add3A_49, %and3A_51] : memref<512x128xf32, #tpu.memory_space<vmem>>[vector<16xi32>, vector<16xi32>], vector<16xf32>,
    %swap3A = arith.constant 0 : index
    %swap3A_52 = tpu.vector_load %arg7[%swap3A] {strides = array<i32>} : memref<512xf32, #tpu.memory_space<vmem>>, vector<16xf32>,
    tpu.vector_store %arg7[%swap3A], %gather3A {strides = array<i32>} : memref<512xf32, #tpu.memory_space<vmem>>, vector<16xf32>,
    %add3A_53 = arith.constant 16 : i32
    %add3A_54 = vector.broadcast %add3A_53 : i32 to vector<16xi32>
    %add3A_55 = arith.addi %iota3A, %add3A_54 : vector<16xi32>
    %and3A_56 = arith.constant 127 : i32
    %and3A_57 = vector.broadcast %and3A_56 : i32 to vector<16xi32>
    %and3A_58 = arith.andi %add3A_55, %and3A_57 : vector<16xi32>
    %gather3A_59 = tpu.vector_load_idx %arg6[%add3A_55, %and3A_58] : memref<512x128xf32, #tpu.memory_space<vmem>>[vector<16xi32>, vector<16xi32>], vector<16xf32>,
    %swap3A_60 = arith.constant 16 : index
    %swap3A_61 = tpu.vector_load %arg7[%swap3A_60] {strides = array<i32>} : memref<512xf32, #tpu.memory_space<vmem>>, vector<16xf32>,
    tpu.vector_store %arg7[%swap3A_60], %gather3A_59 {strides = array<i32>} : memref<512xf32, #tpu.memory_space<vmem>>, vector<16xf32>,
    %add3A_62 = arith.constant 32 : i32
    %add3A_63 = vector.broadcast %add3A_62 : i32 to vector<16xi32>
    %add3A_64 = arith.addi %iota3A, %add3A_63 : vector<16xi32>
    %and3A_65 = arith.constant 127 : i32
    %and3A_66 = vector.broadcast %and3A_65 : i32 to vector<16xi32>
    %and3A_67 = arith.andi %add3A_64, %and3A_66 : vector<16xi32>
    %gather3A_68 = tpu.vector_load_idx %arg6[%add3A_64, %and3A_67] : memref<512x128xf32, #tpu.memory_space<vmem>>[vector<16xi32>, vector<16xi32>], vector<16xf32>,
    %swap3A_69 = arith.constant 32 : index
    %swap3A_70 = tpu.vector_load %arg7[%swap3A_69] {strides = array<i32>} : memref<512xf32, #tpu.memory_space<vmem>>, vector<16xf32>,
    tpu.vector_store %arg7[%swap3A_69], %gather3A_68 {strides = array<i32>} : memref<512xf32, #tpu.memory_space<vmem>>, vector<16xf32>,
    %add3A_71 = arith.constant 48 : i32
    %add3A_72 = vector.broadcast %add3A_71 : i32 to vector<16xi32>
    %add3A_73 = arith.addi %iota3A, %add3A_72 : vector<16xi32>
    %and3A_74 = arith.constant 127 : i32
    %and3A_75 = vector.broadcast %and3A_74 : i32 to vector<16xi32>
    %and3A_76 = arith.andi %add3A_73, %and3A_75 : vector<16xi32>
    %gather3A_77 = tpu.vector_load_idx %arg6[%add3A_73, %and3A_76] : memref<512x128xf32, #tpu.memory_space<vmem>>[vector<16xi32>, vector<16xi32>], vector<16xf32>,
    %swap3A_78 = arith.constant 48 : index
    %swap3A_79 = tpu.vector_load %arg7[%swap3A_78] {strides = array<i32>} : memref<512xf32, #tpu.memory_space<vmem>>, vector<16xf32>,
    tpu.vector_store %arg7[%swap3A_78], %gather3A_77 {strides = array<i32>} : memref<512xf32, #tpu.memory_space<vmem>>, vector<16xf32>,
    %add3A_80 = arith.constant 64 : i32
    %add3A_81 = vector.broadcast %add3A_80 : i32 to vector<16xi32>
    %add3A_82 = arith.addi %iota3A, %add3A_81 : vector<16xi32>
    %and3A_83 = arith.constant 127 : i32
    %and3A_84 = vector.broadcast %and3A_83 : i32 to vector<16xi32>
    %and3A_85 = arith.andi %add3A_82, %and3A_84 : vector<16xi32>
    %gather3A_86 = tpu.vector_load_idx %arg6[%add3A_82, %and3A_85] : memref<512x128xf32, #tpu.memory_space<vmem>>[vector<16xi32>, vector<16xi32>], vector<16xf32>,
    %swap3A_87 = arith.constant 64 : index
    %swap3A_88 = tpu.vector_load %arg7[%swap3A_87] {strides = array<i32>} : memref<512xf32, #tpu.memory_space<vmem>>, vector<16xf32>,
    tpu.vector_store %arg7[%swap3A_87], %gather3A_86 {strides = array<i32>} : memref<512xf32, #tpu.memory_space<vmem>>, vector<16xf32>,
    %add3A_89 = arith.constant 80 : i32
    %add3A_90 = vector.broadcast %add3A_89 : i32 to vector<16xi32>
    %add3A_91 = arith.addi %iota3A, %add3A_90 : vector<16xi32>
    %and3A_92 = arith.constant 127 : i32
    %and3A_93 = vector.broadcast %and3A_92 : i32 to vector<16xi32>
    %and3A_94 = arith.andi %add3A_91, %and3A_93 : vector<16xi32>
    %gather3A_95 = tpu.vector_load_idx %arg6[%add3A_91, %and3A_94] : memref<512x128xf32, #tpu.memory_space<vmem>>[vector<16xi32>, vector<16xi32>], vector<16xf32>,
    %swap3A_96 = arith.constant 80 : index
    %swap3A_97 = tpu.vector_load %arg7[%swap3A_96] {strides = array<i32>} : memref<512xf32, #tpu.memory_space<vmem>>, vector<16xf32>,
    tpu.vector_store %arg7[%swap3A_96], %gather3A_95 {strides = array<i32>} : memref<512xf32, #tpu.memory_space<vmem>>, vector<16xf32>,
    %add3A_98 = arith.constant 96 : i32
    %add3A_99 = vector.broadcast %add3A_98 : i32 to vector<16xi32>
    %add3A_100 = arith.addi %iota3A, %add3A_99 : vector<16xi32>
    %and3A_101 = arith.constant 127 : i32
    %and3A_102 = vector.broadcast %and3A_101 : i32 to vector<16xi32>
    %and3A_103 = arith.andi %add3A_100, %and3A_102 : vector<16xi32>
    %gather3A_104 = tpu.vector_load_idx %arg6[%add3A_100, %and3A_103] : memref<512x128xf32, #tpu.memory_space<vmem>>[vector<16xi32>, vector<16xi32>], vector<16xf32>,
    %swap3A_105 = arith.constant 96 : index
    %swap3A_106 = tpu.vector_load %arg7[%swap3A_105] {strides = array<i32>} : memref<512xf32, #tpu.memory_space<vmem>>, vector<16xf32>,
    tpu.vector_store %arg7[%swap3A_105], %gather3A_104 {strides = array<i32>} : memref<512xf32, #tpu.memory_space<vmem>>, vector<16xf32>,
    %add3A_107 = arith.constant 112 : i32
    %add3A_108 = vector.broadcast %add3A_107 : i32 to vector<16xi32>
    %add3A_109 = arith.addi %iota3A, %add3A_108 : vector<16xi32>
    %and3A_110 = arith.constant 127 : i32
    %and3A_111 = vector.broadcast %and3A_110 : i32 to vector<16xi32>
    %and3A_112 = arith.andi %add3A_109, %and3A_111 : vector<16xi32>
    %gather3A_113 = tpu.vector_load_idx %arg6[%add3A_109, %and3A_112] : memref<512x128xf32, #tpu.memory_space<vmem>>[vector<16xi32>, vector<16xi32>], vector<16xf32>,
    %swap3A_114 = arith.constant 112 : index
    %swap3A_115 = tpu.vector_load %arg7[%swap3A_114] {strides = array<i32>} : memref<512xf32, #tpu.memory_space<vmem>>, vector<16xf32>,
    tpu.vector_store %arg7[%swap3A_114], %gather3A_113 {strides = array<i32>} : memref<512xf32, #tpu.memory_space<vmem>>, vector<16xf32>,
    %dma_wait3A_116 = arith.constant 128 : i32
    %dma_wait3A_117 = arith.constant 0 : i32
    %dma_wait3A_118 = tpu.memref_slice %arg6[%dma_wait3A_116, %dma_wait3A_117] : memref<512x128xf32, #tpu.memory_space<vmem>> -> memref<128x128xf32, #tpu.memory_space<vmem>>
    %dma_wait3A_119 = arith.constant 128 : i32
    %dma_wait3A_120 = tpu.memref_slice %arg5[%dma_wait3A_119] : memref<512xi32, #tpu.memory_space<vmem>> -> memref<128xi32, #tpu.memory_space<vmem>>
    %dma_wait3A_121 = arith.constant 0 : i32
    %dma_wait3A_122 = tpu.memref_slice %arg2[%dma_wait3A_121, %multiple_of3A_13] : memref<1000x16384xf32, #tpu.memory_space<hbm>> -> memref<1000x128xf32, #tpu.memory_space<hbm>>
    tpu.wait_indirect_dma semaphore(%arg9 : memref<!tpu.dma_semaphore, #tpu.memory_space<semaphore_mem>>) src(%dma_wait3A_122 : memref<1000x128xf32, #tpu.memory_space<hbm>>) dst(%dma_wait3A_118 : memref<128x128xf32, #tpu.memory_space<vmem>>)
    %add3A_123 = arith.constant 128 : i32
    %add3A_124 = vector.broadcast %add3A_123 : i32 to vector<16xi32>
    %add3A_125 = arith.addi %iota3A, %add3A_124 : vector<16xi32>
    %and3A_126 = arith.constant 127 : i32
    %and3A_127 = vector.broadcast %and3A_126 : i32 to vector<16xi32>
    %and3A_128 = arith.andi %add3A_125, %and3A_127 : vector<16xi32>
    %gather3A_129 = tpu.vector_load_idx %arg6[%add3A_125, %and3A_128] : memref<512x128xf32, #tpu.memory_space<vmem>>[vector<16xi32>, vector<16xi32>], vector<16xf32>,
    %swap3A_130 = arith.constant 128 : index
    %swap3A_131 = tpu.vector_load %arg7[%swap3A_130] {strides = array<i32>} : memref<512xf32, #tpu.memory_space<vmem>>, vector<16xf32>,
    tpu.vector_store %arg7[%swap3A_130], %gather3A_129 {strides = array<i32>} : memref<512xf32, #tpu.memory_space<vmem>>, vector<16xf32>,
    %add3A_132 = arith.constant 144 : i32
    %add3A_133 = vector.broadcast %add3A_132 : i32 to vector<16xi32>
    %add3A_134 = arith.addi %iota3A, %add3A_133 : vector<16xi32>
    %and3A_135 = arith.constant 127 : i32
    %and3A_136 = vector.broadcast %and3A_135 : i32 to vector<16xi32>
    %and3A_137 = arith.andi %add3A_134, %and3A_136 : vector<16xi32>
    %gather3A_138 = tpu.vector_load_idx %arg6[%add3A_134, %and3A_137] : memref<512x128xf32, #tpu.memory_space<vmem>>[vector<16xi32>, vector<16xi32>], vector<16xf32>,
    %swap3A_139 = arith.constant 144 : index
    %swap3A_140 = tpu.vector_load %arg7[%swap3A_139] {strides = array<i32>} : memref<512xf32, #tpu.memory_space<vmem>>, vector<16xf32>,
    tpu.vector_store %arg7[%swap3A_139], %gather3A_138 {strides = array<i32>} : memref<512xf32, #tpu.memory_space<vmem>>, vector<16xf32>,
    %add3A_141 = arith.constant 160 : i32
    %add3A_142 = vector.broadcast %add3A_141 : i32 to vector<16xi32>
    %add3A_143 = arith.addi %iota3A, %add3A_142 : vector<16xi32>
    %and3A_144 = arith.constant 127 : i32
    %and3A_145 = vector.broadcast %and3A_144 : i32 to vector<16xi32>
    %and3A_146 = arith.andi %add3A_143, %and3A_145 : vector<16xi32>
    %gather3A_147 = tpu.vector_load_idx %arg6[%add3A_143, %and3A_146] : memref<512x128xf32, #tpu.memory_space<vmem>>[vector<16xi32>, vector<16xi32>], vector<16xf32>,
    %swap3A_148 = arith.constant 160 : index
    %swap3A_149 = tpu.vector_load %arg7[%swap3A_148] {strides = array<i32>} : memref<512xf32, #tpu.memory_space<vmem>>, vector<16xf32>,
    tpu.vector_store %arg7[%swap3A_148], %gather3A_147 {strides = array<i32>} : memref<512xf32, #tpu.memory_space<vmem>>, vector<16xf32>,
    %add3A_150 = arith.constant 176 : i32
    %add3A_151 = vector.broadcast %add3A_150 : i32 to vector<16xi32>
    %add3A_152 = arith.addi %iota3A, %add3A_151 : vector<16xi32>
    %and3A_153 = arith.constant 127 : i32
    %and3A_154 = vector.broadcast %and3A_153 : i32 to vector<16xi32>
    %and3A_155 = arith.andi %add3A_152, %and3A_154 : vector<16xi32>
    %gather3A_156 = tpu.vector_load_idx %arg6[%add3A_152, %and3A_155] : memref<512x128xf32, #tpu.memory_space<vmem>>[vector<16xi32>, vector<16xi32>], vector<16xf32>,
    %swap3A_157 = arith.constant 176 : index
    %swap3A_158 = tpu.vector_load %arg7[%swap3A_157] {strides = array<i32>} : memref<512xf32, #tpu.memory_space<vmem>>, vector<16xf32>,
    tpu.vector_store %arg7[%swap3A_157], %gather3A_156 {strides = array<i32>} : memref<512xf32, #tpu.memory_space<vmem>>, vector<16xf32>,
    %add3A_159 = arith.constant 192 : i32
    %add3A_160 = vector.broadcast %add3A_159 : i32 to vector<16xi32>
    %add3A_161 = arith.addi %iota3A, %add3A_160 : vector<16xi32>
    %and3A_162 = arith.constant 127 : i32
    %and3A_163 = vector.broadcast %and3A_162 : i32 to vector<16xi32>
    %and3A_164 = arith.andi %add3A_161, %and3A_163 : vector<16xi32>
    %gather3A_165 = tpu.vector_load_idx %arg6[%add3A_161, %and3A_164] : memref<512x128xf32, #tpu.memory_space<vmem>>[vector<16xi32>, vector<16xi32>], vector<16xf32>,
    %swap3A_166 = arith.constant 192 : index
    %swap3A_167 = tpu.vector_load %arg7[%swap3A_166] {strides = array<i32>} : memref<512xf32, #tpu.memory_space<vmem>>, vector<16xf32>,
    tpu.vector_store %arg7[%swap3A_166], %gather3A_165 {strides = array<i32>} : memref<512xf32, #tpu.memory_space<vmem>>, vector<16xf32>,
    %add3A_168 = arith.constant 208 : i32
    %add3A_169 = vector.broadcast %add3A_168 : i32 to vector<16xi32>
    %add3A_170 = arith.addi %iota3A, %add3A_169 : vector<16xi32>
    %and3A_171 = arith.constant 127 : i32
    %and3A_172 = vector.broadcast %and3A_171 : i32 to vector<16xi32>
    %and3A_173 = arith.andi %add3A_170, %and3A_172 : vector<16xi32>
    %gather3A_174 = tpu.vector_load_idx %arg6[%add3A_170, %and3A_173] : memref<512x128xf32, #tpu.memory_space<vmem>>[vector<16xi32>, vector<16xi32>], vector<16xf32>,
    %swap3A_175 = arith.constant 208 : index
    %swap3A_176 = tpu.vector_load %arg7[%swap3A_175] {strides = array<i32>} : memref<512xf32, #tpu.memory_space<vmem>>, vector<16xf32>,
    tpu.vector_store %arg7[%swap3A_175], %gather3A_174 {strides = array<i32>} : memref<512xf32, #tpu.memory_space<vmem>>, vector<16xf32>,
    %add3A_177 = arith.constant 224 : i32
    %add3A_178 = vector.broadcast %add3A_177 : i32 to vector<16xi32>
    %add3A_179 = arith.addi %iota3A, %add3A_178 : vector<16xi32>
    %and3A_180 = arith.constant 127 : i32
    %and3A_181 = vector.broadcast %and3A_180 : i32 to vector<16xi32>
    %and3A_182 = arith.andi %add3A_179, %and3A_181 : vector<16xi32>
    %gather3A_183 = tpu.vector_load_idx %arg6[%add3A_179, %and3A_182] : memref<512x128xf32, #tpu.memory_space<vmem>>[vector<16xi32>, vector<16xi32>], vector<16xf32>,
    %swap3A_184 = arith.constant 224 : index
    %swap3A_185 = tpu.vector_load %arg7[%swap3A_184] {strides = array<i32>} : memref<512xf32, #tpu.memory_space<vmem>>, vector<16xf32>,
    tpu.vector_store %arg7[%swap3A_184], %gather3A_183 {strides = array<i32>} : memref<512xf32, #tpu.memory_space<vmem>>, vector<16xf32>,
    %add3A_186 = arith.constant 240 : i32
    %add3A_187 = vector.broadcast %add3A_186 : i32 to vector<16xi32>
    %add3A_188 = arith.addi %iota3A, %add3A_187 : vector<16xi32>
    %and3A_189 = arith.constant 127 : i32
    %and3A_190 = vector.broadcast %and3A_189 : i32 to vector<16xi32>
    %and3A_191 = arith.andi %add3A_188, %and3A_190 : vector<16xi32>
    %gather3A_192 = tpu.vector_load_idx %arg6[%add3A_188, %and3A_191] : memref<512x128xf32, #tpu.memory_space<vmem>>[vector<16xi32>, vector<16xi32>], vector<16xf32>,
    %swap3A_193 = arith.constant 240 : index
    %swap3A_194 = tpu.vector_load %arg7[%swap3A_193] {strides = array<i32>} : memref<512xf32, #tpu.memory_space<vmem>>, vector<16xf32>,
    tpu.vector_store %arg7[%swap3A_193], %gather3A_192 {strides = array<i32>} : memref<512xf32, #tpu.memory_space<vmem>>, vector<16xf32>,
    %dma_wait3A_195 = arith.constant 256 : i32
    %dma_wait3A_196 = arith.constant 0 : i32
    %dma_wait3A_197 = tpu.memref_slice %arg6[%dma_wait3A_195, %dma_wait3A_196] : memref<512x128xf32, #tpu.memory_space<vmem>> -> memref<128x128xf32, #tpu.memory_space<vmem>>
    %dma_wait3A_198 = arith.constant 256 : i32
    %dma_wait3A_199 = tpu.memref_slice %arg5[%dma_wait3A_198] : memref<512xi32, #tpu.memory_space<vmem>> -> memref<128xi32, #tpu.memory_space<vmem>>
    %dma_wait3A_200 = arith.constant 0 : i32
    %dma_wait3A_201 = tpu.memref_slice %arg2[%dma_wait3A_200, %multiple_of3A_23] : memref<1000x16384xf32, #tpu.memory_space<hbm>> -> memref<1000x128xf32, #tpu.memory_space<hbm>>
    tpu.wait_indirect_dma semaphore(%arg10 : memref<!tpu.dma_semaphore, #tpu.memory_space<semaphore_mem>>) src(%dma_wait3A_201 : memref<1000x128xf32, #tpu.memory_space<hbm>>) dst(%dma_wait3A_197 : memref<128x128xf32, #tpu.memory_space<vmem>>)
    %add3A_202 = arith.constant 256 : i32
    %add3A_203 = vector.broadcast %add3A_202 : i32 to vector<16xi32>
    %add3A_204 = arith.addi %iota3A, %add3A_203 : vector<16xi32>
    %and3A_205 = arith.constant 127 : i32
    %and3A_206 = vector.broadcast %and3A_205 : i32 to vector<16xi32>
    %and3A_207 = arith.andi %add3A_204, %and3A_206 : vector<16xi32>
    %gather3A_208 = tpu.vector_load_idx %arg6[%add3A_204, %and3A_207] : memref<512x128xf32, #tpu.memory_space<vmem>>[vector<16xi32>, vector<16xi32>], vector<16xf32>,
    %swap3A_209 = arith.constant 256 : index
    %swap3A_210 = tpu.vector_load %arg7[%swap3A_209] {strides = array<i32>} : memref<512xf32, #tpu.memory_space<vmem>>, vector<16xf32>,
    tpu.vector_store %arg7[%swap3A_209], %gather3A_208 {strides = array<i32>} : memref<512xf32, #tpu.memory_space<vmem>>, vector<16xf32>,
    %add3A_211 = arith.constant 272 : i32
    %add3A_212 = vector.broadcast %add3A_211 : i32 to vector<16xi32>
    %add3A_213 = arith.addi %iota3A, %add3A_212 : vector<16xi32>
    %and3A_214 = arith.constant 127 : i32
    %and3A_215 = vector.broadcast %and3A_214 : i32 to vector<16xi32>
    %and3A_216 = arith.andi %add3A_213, %and3A_215 : vector<16xi32>
    %gather3A_217 = tpu.vector_load_idx %arg6[%add3A_213, %and3A_216] : memref<512x128xf32, #tpu.memory_space<vmem>>[vector<16xi32>, vector<16xi32>], vector<16xf32>,
    %swap3A_218 = arith.constant 272 : index
    %swap3A_219 = tpu.vector_load %arg7[%swap3A_218] {strides = array<i32>} : memref<512xf32, #tpu.memory_space<vmem>>, vector<16xf32>,
    tpu.vector_store %arg7[%swap3A_218], %gather3A_217 {strides = array<i32>} : memref<512xf32, #tpu.memory_space<vmem>>, vector<16xf32>,
    %add3A_220 = arith.constant 288 : i32
    %add3A_221 = vector.broadcast %add3A_220 : i32 to vector<16xi32>
    %add3A_222 = arith.addi %iota3A, %add3A_221 : vector<16xi32>
    %and3A_223 = arith.constant 127 : i32
    %and3A_224 = vector.broadcast %and3A_223 : i32 to vector<16xi32>
    %and3A_225 = arith.andi %add3A_222, %and3A_224 : vector<16xi32>
    %gather3A_226 = tpu.vector_load_idx %arg6[%add3A_222, %and3A_225] : memref<512x128xf32, #tpu.memory_space<vmem>>[vector<16xi32>, vector<16xi32>], vector<16xf32>,
    %swap3A_227 = arith.constant 288 : index
    %swap3A_228 = tpu.vector_load %arg7[%swap3A_227] {strides = array<i32>} : memref<512xf32, #tpu.memory_space<vmem>>, vector<16xf32>,
    tpu.vector_store %arg7[%swap3A_227], %gather3A_226 {strides = array<i32>} : memref<512xf32, #tpu.memory_space<vmem>>, vector<16xf32>,
    %add3A_229 = arith.constant 304 : i32
    %add3A_230 = vector.broadcast %add3A_229 : i32 to vector<16xi32>
    %add3A_231 = arith.addi %iota3A, %add3A_230 : vector<16xi32>
    %and3A_232 = arith.constant 127 : i32
    %and3A_233 = vector.broadcast %and3A_232 : i32 to vector<16xi32>
    %and3A_234 = arith.andi %add3A_231, %and3A_233 : vector<16xi32>
    %gather3A_235 = tpu.vector_load_idx %arg6[%add3A_231, %and3A_234] : memref<512x128xf32, #tpu.memory_space<vmem>>[vector<16xi32>, vector<16xi32>], vector<16xf32>,
    %swap3A_236 = arith.constant 304 : index
    %swap3A_237 = tpu.vector_load %arg7[%swap3A_236] {strides = array<i32>} : memref<512xf32, #tpu.memory_space<vmem>>, vector<16xf32>,
    tpu.vector_store %arg7[%swap3A_236], %gather3A_235 {strides = array<i32>} : memref<512xf32, #tpu.memory_space<vmem>>, vector<16xf32>,
    %add3A_238 = arith.constant 320 : i32
    %add3A_239 = vector.broadcast %add3A_238 : i32 to vector<16xi32>
    %add3A_240 = arith.addi %iota3A, %add3A_239 : vector<16xi32>
    %and3A_241 = arith.constant 127 : i32
    %and3A_242 = vector.broadcast %and3A_241 : i32 to vector<16xi32>
    %and3A_243 = arith.andi %add3A_240, %and3A_242 : vector<16xi32>
    %gather3A_244 = tpu.vector_load_idx %arg6[%add3A_240, %and3A_243] : memref<512x128xf32, #tpu.memory_space<vmem>>[vector<16xi32>, vector<16xi32>], vector<16xf32>,
    %swap3A_245 = arith.constant 320 : index
    %swap3A_246 = tpu.vector_load %arg7[%swap3A_245] {strides = array<i32>} : memref<512xf32, #tpu.memory_space<vmem>>, vector<16xf32>,
    tpu.vector_store %arg7[%swap3A_245], %gather3A_244 {strides = array<i32>} : memref<512xf32, #tpu.memory_space<vmem>>, vector<16xf32>,
    %add3A_247 = arith.constant 336 : i32
    %add3A_248 = vector.broadcast %add3A_247 : i32 to vector<16xi32>
    %add3A_249 = arith.addi %iota3A, %add3A_248 : vector<16xi32>
    %and3A_250 = arith.constant 127 : i32
    %and3A_251 = vector.broadcast %and3A_250 : i32 to vector<16xi32>
    %and3A_252 = arith.andi %add3A_249, %and3A_251 : vector<16xi32>
    %gather3A_253 = tpu.vector_load_idx %arg6[%add3A_249, %and3A_252] : memref<512x128xf32, #tpu.memory_space<vmem>>[vector<16xi32>, vector<16xi32>], vector<16xf32>,
    %swap3A_254 = arith.constant 336 : index
    %swap3A_255 = tpu.vector_load %arg7[%swap3A_254] {strides = array<i32>} : memref<512xf32, #tpu.memory_space<vmem>>, vector<16xf32>,
    tpu.vector_store %arg7[%swap3A_254], %gather3A_253 {strides = array<i32>} : memref<512xf32, #tpu.memory_space<vmem>>, vector<16xf32>,
    %add3A_256 = arith.constant 352 : i32
    %add3A_257 = vector.broadcast %add3A_256 : i32 to vector<16xi32>
    %add3A_258 = arith.addi %iota3A, %add3A_257 : vector<16xi32>
    %and3A_259 = arith.constant 127 : i32
    %and3A_260 = vector.broadcast %and3A_259 : i32 to vector<16xi32>
    %and3A_261 = arith.andi %add3A_258, %and3A_260 : vector<16xi32>
    %gather3A_262 = tpu.vector_load_idx %arg6[%add3A_258, %and3A_261] : memref<512x128xf32, #tpu.memory_space<vmem>>[vector<16xi32>, vector<16xi32>], vector<16xf32>,
    %swap3A_263 = arith.constant 352 : index
    %swap3A_264 = tpu.vector_load %arg7[%swap3A_263] {strides = array<i32>} : memref<512xf32, #tpu.memory_space<vmem>>, vector<16xf32>,
    tpu.vector_store %arg7[%swap3A_263], %gather3A_262 {strides = array<i32>} : memref<512xf32, #tpu.memory_space<vmem>>, vector<16xf32>,
    %add3A_265 = arith.constant 368 : i32
    %add3A_266 = vector.broadcast %add3A_265 : i32 to vector<16xi32>
    %add3A_267 = arith.addi %iota3A, %add3A_266 : vector<16xi32>
    %and3A_268 = arith.constant 127 : i32
    %and3A_269 = vector.broadcast %and3A_268 : i32 to vector<16xi32>
    %and3A_270 = arith.andi %add3A_267, %and3A_269 : vector<16xi32>
    %gather3A_271 = tpu.vector_load_idx %arg6[%add3A_267, %and3A_270] : memref<512x128xf32, #tpu.memory_space<vmem>>[vector<16xi32>, vector<16xi32>], vector<16xf32>,
    %swap3A_272 = arith.constant 368 : index
    %swap3A_273 = tpu.vector_load %arg7[%swap3A_272] {strides = array<i32>} : memref<512xf32, #tpu.memory_space<vmem>>, vector<16xf32>,
    tpu.vector_store %arg7[%swap3A_272], %gather3A_271 {strides = array<i32>} : memref<512xf32, #tpu.memory_space<vmem>>, vector<16xf32>,
    %dma_wait3A_274 = arith.constant 384 : i32
    %dma_wait3A_275 = arith.constant 0 : i32
    %dma_wait3A_276 = tpu.memref_slice %arg6[%dma_wait3A_274, %dma_wait3A_275] : memref<512x128xf32, #tpu.memory_space<vmem>> -> memref<128x128xf32, #tpu.memory_space<vmem>>
    %dma_wait3A_277 = arith.constant 384 : i32
    %dma_wait3A_278 = tpu.memref_slice %arg5[%dma_wait3A_277] : memref<512xi32, #tpu.memory_space<vmem>> -> memref<128xi32, #tpu.memory_space<vmem>>
    %dma_wait3A_279 = arith.constant 0 : i32
    %dma_wait3A_280 = tpu.memref_slice %arg2[%dma_wait3A_279, %multiple_of3A_33] : memref<1000x16384xf32, #tpu.memory_space<hbm>> -> memref<1000x128xf32, #tpu.memory_space<hbm>>
    tpu.wait_indirect_dma semaphore(%arg11 : memref<!tpu.dma_semaphore, #tpu.memory_space<semaphore_mem>>) src(%dma_wait3A_280 : memref<1000x128xf32, #tpu.memory_space<hbm>>) dst(%dma_wait3A_276 : memref<128x128xf32, #tpu.memory_space<vmem>>)
    %add3A_281 = arith.constant 384 : i32
    %add3A_282 = vector.broadcast %add3A_281 : i32 to vector<16xi32>
    %add3A_283 = arith.addi %iota3A, %add3A_282 : vector<16xi32>
    %and3A_284 = arith.constant 127 : i32
    %and3A_285 = vector.broadcast %and3A_284 : i32 to vector<16xi32>
    %and3A_286 = arith.andi %add3A_283, %and3A_285 : vector<16xi32>
    %gather3A_287 = tpu.vector_load_idx %arg6[%add3A_283, %and3A_286] : memref<512x128xf32, #tpu.memory_space<vmem>>[vector<16xi32>, vector<16xi32>], vector<16xf32>,
    %swap3A_288 = arith.constant 384 : index
    %swap3A_289 = tpu.vector_load %arg7[%swap3A_288] {strides = array<i32>} : memref<512xf32, #tpu.memory_space<vmem>>, vector<16xf32>,
    tpu.vector_store %arg7[%swap3A_288], %gather3A_287 {strides = array<i32>} : memref<512xf32, #tpu.memory_space<vmem>>, vector<16xf32>,
    %add3A_290 = arith.constant 400 : i32
    %add3A_291 = vector.broadcast %add3A_290 : i32 to vector<16xi32>
    %add3A_292 = arith.addi %iota3A, %add3A_291 : vector<16xi32>
    %and3A_293 = arith.constant 127 : i32
    %and3A_294 = vector.broadcast %and3A_293 : i32 to vector<16xi32>
    %and3A_295 = arith.andi %add3A_292, %and3A_294 : vector<16xi32>
    %gather3A_296 = tpu.vector_load_idx %arg6[%add3A_292, %and3A_295] : memref<512x128xf32, #tpu.memory_space<vmem>>[vector<16xi32>, vector<16xi32>], vector<16xf32>,
    %swap3A_297 = arith.constant 400 : index
    %swap3A_298 = tpu.vector_load %arg7[%swap3A_297] {strides = array<i32>} : memref<512xf32, #tpu.memory_space<vmem>>, vector<16xf32>,
    tpu.vector_store %arg7[%swap3A_297], %gather3A_296 {strides = array<i32>} : memref<512xf32, #tpu.memory_space<vmem>>, vector<16xf32>,
    %add3A_299 = arith.constant 416 : i32
    %add3A_300 = vector.broadcast %add3A_299 : i32 to vector<16xi32>
    %add3A_301 = arith.addi %iota3A, %add3A_300 : vector<16xi32>
    %and3A_302 = arith.constant 127 : i32
    %and3A_303 = vector.broadcast %and3A_302 : i32 to vector<16xi32>
    %and3A_304 = arith.andi %add3A_301, %and3A_303 : vector<16xi32>
    %gather3A_305 = tpu.vector_load_idx %arg6[%add3A_301, %and3A_304] : memref<512x128xf32, #tpu.memory_space<vmem>>[vector<16xi32>, vector<16xi32>], vector<16xf32>,
    %swap3A_306 = arith.constant 416 : index
    %swap3A_307 = tpu.vector_load %arg7[%swap3A_306] {strides = array<i32>} : memref<512xf32, #tpu.memory_space<vmem>>, vector<16xf32>,
    tpu.vector_store %arg7[%swap3A_306], %gather3A_305 {strides = array<i32>} : memref<512xf32, #tpu.memory_space<vmem>>, vector<16xf32>,
    %add3A_308 = arith.constant 432 : i32
    %add3A_309 = vector.broadcast %add3A_308 : i32 to vector<16xi32>
    %add3A_310 = arith.addi %iota3A, %add3A_309 : vector<16xi32>
    %and3A_311 = arith.constant 127 : i32
    %and3A_312 = vector.broadcast %and3A_311 : i32 to vector<16xi32>
    %and3A_313 = arith.andi %add3A_310, %and3A_312 : vector<16xi32>
    %gather3A_314 = tpu.vector_load_idx %arg6[%add3A_310, %and3A_313] : memref<512x128xf32, #tpu.memory_space<vmem>>[vector<16xi32>, vector<16xi32>], vector<16xf32>,
    %swap3A_315 = arith.constant 432 : index
    %swap3A_316 = tpu.vector_load %arg7[%swap3A_315] {strides = array<i32>} : memref<512xf32, #tpu.memory_space<vmem>>, vector<16xf32>,
    tpu.vector_store %arg7[%swap3A_315], %gather3A_314 {strides = array<i32>} : memref<512xf32, #tpu.memory_space<vmem>>, vector<16xf32>,
    %add3A_317 = arith.constant 448 : i32
    %add3A_318 = vector.broadcast %add3A_317 : i32 to vector<16xi32>
    %add3A_319 = arith.addi %iota3A, %add3A_318 : vector<16xi32>
    %and3A_320 = arith.constant 127 : i32
    %and3A_321 = vector.broadcast %and3A_320 : i32 to vector<16xi32>
    %and3A_322 = arith.andi %add3A_319, %and3A_321 : vector<16xi32>
    %gather3A_323 = tpu.vector_load_idx %arg6[%add3A_319, %and3A_322] : memref<512x128xf32, #tpu.memory_space<vmem>>[vector<16xi32>, vector<16xi32>], vector<16xf32>,
    %swap3A_324 = arith.constant 448 : index
    %swap3A_325 = tpu.vector_load %arg7[%swap3A_324] {strides = array<i32>} : memref<512xf32, #tpu.memory_space<vmem>>, vector<16xf32>,
    tpu.vector_store %arg7[%swap3A_324], %gather3A_323 {strides = array<i32>} : memref<512xf32, #tpu.memory_space<vmem>>, vector<16xf32>,
    %add3A_326 = arith.constant 464 : i32
    %add3A_327 = vector.broadcast %add3A_326 : i32 to vector<16xi32>
    %add3A_328 = arith.addi %iota3A, %add3A_327 : vector<16xi32>
    %and3A_329 = arith.constant 127 : i32
    %and3A_330 = vector.broadcast %and3A_329 : i32 to vector<16xi32>
    %and3A_331 = arith.andi %add3A_328, %and3A_330 : vector<16xi32>
    %gather3A_332 = tpu.vector_load_idx %arg6[%add3A_328, %and3A_331] : memref<512x128xf32, #tpu.memory_space<vmem>>[vector<16xi32>, vector<16xi32>], vector<16xf32>,
    %swap3A_333 = arith.constant 464 : index
    %swap3A_334 = tpu.vector_load %arg7[%swap3A_333] {strides = array<i32>} : memref<512xf32, #tpu.memory_space<vmem>>, vector<16xf32>,
    tpu.vector_store %arg7[%swap3A_333], %gather3A_332 {strides = array<i32>} : memref<512xf32, #tpu.memory_space<vmem>>, vector<16xf32>,
    %add3A_335 = arith.constant 480 : i32
    %add3A_336 = vector.broadcast %add3A_335 : i32 to vector<16xi32>
    %add3A_337 = arith.addi %iota3A, %add3A_336 : vector<16xi32>
    %and3A_338 = arith.constant 127 : i32
    %and3A_339 = vector.broadcast %and3A_338 : i32 to vector<16xi32>
    %and3A_340 = arith.andi %add3A_337, %and3A_339 : vector<16xi32>
    %gather3A_341 = tpu.vector_load_idx %arg6[%add3A_337, %and3A_340] : memref<512x128xf32, #tpu.memory_space<vmem>>[vector<16xi32>, vector<16xi32>], vector<16xf32>,
    %swap3A_342 = arith.constant 480 : index
    %swap3A_343 = tpu.vector_load %arg7[%swap3A_342] {strides = array<i32>} : memref<512xf32, #tpu.memory_space<vmem>>, vector<16xf32>,
    tpu.vector_store %arg7[%swap3A_342], %gather3A_341 {strides = array<i32>} : memref<512xf32, #tpu.memory_space<vmem>>, vector<16xf32>,
    %add3A_344 = arith.constant 496 : i32
    %add3A_345 = vector.broadcast %add3A_344 : i32 to vector<16xi32>
    %add3A_346 = arith.addi %iota3A, %add3A_345 : vector<16xi32>
    %and3A_347 = arith.constant 127 : i32
    %and3A_348 = vector.broadcast %and3A_347 : i32 to vector<16xi32>
    %and3A_349 = arith.andi %add3A_346, %and3A_348 : vector<16xi32>
    %gather3A_350 = tpu.vector_load_idx %arg6[%add3A_346, %and3A_349] : memref<512x128xf32, #tpu.memory_space<vmem>>[vector<16xi32>, vector<16xi32>], vector<16xf32>,
    %swap3A_351 = arith.constant 496 : index
    %swap3A_352 = tpu.vector_load %arg7[%swap3A_351] {strides = array<i32>} : memref<512xf32, #tpu.memory_space<vmem>>, vector<16xf32>,
    tpu.vector_store %arg7[%swap3A_351], %gather3A_350 {strides = array<i32>} : memref<512xf32, #tpu.memory_space<vmem>>, vector<16xf32>,
    "tpu.region"() ({
      %run_scoped3A = tpu.sem_alloc : memref<!tpu.dma_semaphore, #tpu.memory_space<semaphore_mem>>
      %dma_start3A_353 = tpu.memref_slice %arg4[%mul3A_2] : memref<16384xf32, #tpu.memory_space<hbm>> -> memref<512xf32, #tpu.memory_space<hbm>>
      %dma_start3A_354 = tpu.memref_slice %arg4[%mul3A_2] : memref<16384xf32, #tpu.memory_space<hbm>> -> memref<512xf32, #tpu.memory_space<hbm>>
      tpu.enqueue_dma source(%arg7 : memref<512xf32, #tpu.memory_space<vmem>>) target(%dma_start3A_354 : memref<512xf32, #tpu.memory_space<hbm>>) target_semaphore(%run_scoped3A : memref<!tpu.dma_semaphore, #tpu.memory_space<semaphore_mem>>)
      %dma_wait3A_355 = tpu.memref_slice %arg4[%mul3A_2] : memref<16384xf32, #tpu.memory_space<hbm>> -> memref<512xf32, #tpu.memory_space<hbm>>
      %dma_wait3A_356 = tpu.memref_slice %arg4[%mul3A_2] : memref<16384xf32, #tpu.memory_space<hbm>> -> memref<512xf32, #tpu.memory_space<hbm>>
      tpu.wait_dma2 semaphore(%run_scoped3A : memref<!tpu.dma_semaphore, #tpu.memory_space<semaphore_mem>>) src(%arg7 : memref<512xf32, #tpu.memory_space<vmem>>) dst(%dma_wait3A_356 : memref<512xf32, #tpu.memory_space<hbm>>)
      tpu.yield
    }) : () -> ()
    return
  }
}

</mosaic_0001>

<sc_bundles>
// kernel: kernel.3.cloned.1.call-start
scs
__scs_entry_jumppad:
0x0: {  	(pc) =	sbr.rel $0x88, $3  }
0x1: {  	(tag) =	ssettag $0x0;
	lr =	simm.s32 $0x1  }
0x2: {  	[smem:$0x3F9F] =	sst lr;
	_ =	strace $0xD0000000  }
0x3: {  	_ = 	snop  }
0x4: {  	_ = 	snop  }
0x5: {  	_ = 	snop  }
0x6: {  	_ = 	snop  }
0x7: {  	_ = 	snop  }
__scs_overlays_trampoline_lowered:
0x8: {  	[smem:$0x3FAE] =	sst s0  }
0x9: {  	[smem:$0x3FAF] =	sst s1  }
0xa: {  	[smem:$0x3FB0] =	sst s2  }
0xb: {  	[smem:$0x3FB1] =	sst s3  }
0xc: {  	[smem:$0x3FB2] =	sst s4  }
0xd: {  	[smem:$0x3FB3] =	sst s5  }
0xe: {  	[smem:$0x3FB4] =	sst s6  }
0xf: {  	[smem:$0x3FB5] =	sst s7  }
0x10: {  	[smem:$0x3FB6] =	sst s8  }
0x11: {  	[smem:$0x3FB7] =	sst s9;
	s0 =	simm.s32 @!p0 $0x0  }
0x12: {  	s1 =	sld [smem:$0x3F9D];
	s0 =	simm.s32 @p0 $0x1  }
0x13: {  	[smem:$0x3FB8] =	sst s0;
	s0 =	simm.s32 @!p1 $0x0  }
0x14: {  	s2 =	sld [smem:$0x3F9C];
	s0 =	simm.s32 @p1 $0x1  }
0x15: {  	[smem:$0x3FB9] =	sst s0;
	s0 =	simm.s32 @!p2 $0x0  }
0x16: {  	s3 =	sld [smem:$0x3FDB];
	s0 =	simm.s32 @p2 $0x1  }
0x17: {  	s4 =	simm.s32 $0x1BF5;
	[smem:$0x3FBB] =	sst s0  }
0x18: {  	s0 =	sld [smem:$0x3F9E];
	_ =	swait.ge [sflag:s4], $0x0  }
0x19: {  	s7 =	sld [smem:$0x3F9F]  }
0x1a: {  	s8 =	sadd.s32 $0xFFFFE003, lr  }
0x1b: {  	s9 =	sadd.s32 $0xFFFFFEF7, lr;
	s5 =	simm.s32 $0xFFFFFFFF;
	p2 =	slt.u32 s8, $0xFFFFF086  }
0x1c: {  	p1 =	slt.u32 s9, $0xF7A;
	s5 =	simm.s32 @!p2 $0x0  }
0x1d: {  	s5 =	simm.s32 @p1 $0x1;
	p0 =	seq.s32 s7, s2  }
0x1e: {  	s7 =	smul.u32 @!p0 $0xF7A, s2;
	p2 =	seq.s32 @!p0 s5, $0x0  }
0x1f: {  	s9 =	smul.u32 $0xF7A, s1;
	s8 =	simm.s32 @!p0 $0x1BF5;
	p2 =	por !p2, p0  }
0x20: {  	[sflag:s8] =	ssyncset.s32 @!p0 $0xFFFFF086;
	s6 =	sadd.s32 @!p0 s3, s7;
	s7 =	simm.s32 @!p0 $0x108  }
0x21: {  	s3 =	sadd.s32 s3, s9;
	s6 =	sadd.s32 @!p0 $0x88, s6;
	s7 =	simm.s32 @p2 $0x1082  }
0x22: {  	[simem:s7], [sflag:s8] =	dma.local @!p0 [hbm:s6], $0xF7A  }
0x23: {  	s9 =	sor.u32 $0xD0000000, s2;
	s6 =	simm.s32 $0x108;
	_ =	swait.ge @!p0 [sflag:s8], $0x0  }
0x24: {  	s3 =	sadd.s32 $0x88, s3;
	s6 =	simm.s32 @!p1 $0x1082;
	[sflag:s4] =	ssyncset.s32 $0xFFFFF086  }
0x25: {  	[simem:s6], [sflag:s4] =	dma.local [hbm:s3], $0xF7A  }
0x26: {  	[smem:$0x3F9F] =	sst s1;
	(tag) =	ssettag s2;
	_ =	strace s9  }
0x27: {  	s1 =	sld [smem:$0x3FAF]  }
0x28: {  	s2 =	sld [smem:$0x3FB0]  }
0x29: {  	s4 =	sld [smem:$0x3FB2]  }
0x2a: {  	p0 =	seq.s32 s5, $0x0;
	s5 =	sld [smem:$0x3FB3]  }
0x2b: {  	s6 =	sld [smem:$0x3FB4]  }
0x2c: {  	s7 =	sld [smem:$0x3FB5]  }
0x2d: {  	s3 =	simm.s32 $0x108;
	s8 =	sld [smem:$0x3FB6]  }
0x2e: {  	s3 =	simm.s32 @!p0 $0x1082;
	s9 =	sld [smem:$0x3FB7]  }
0x2f: {  	lr =	sadd.s32 s0, s3;
	s0 =	sld [smem:$0x3FAE]  }
0x30: {  	s3 =	sld [smem:$0x3FB1]  }
0x31: {  	[smem:$0x3FBA] =	sst s10  }
0x32: {  	s10 =	sld [smem:$0x3FB8];
	_ =	sdelay $0x3  }
0x33: {  	p0 =	seq.s32 s10, $0x1;
	s10 =	sld [smem:$0x3FBA];
	_ =	sdelay $0x3  }
0x34: {  	[smem:$0x3FBA] =	sst s10  }
0x35: {  	s10 =	sld [smem:$0x3FB9];
	_ =	sdelay $0x3  }
0x36: {  	p1 =	seq.s32 s10, $0x1;
	s10 =	sld [smem:$0x3FBA];
	_ =	sdelay $0x3  }
0x37: {  	[smem:$0x3FBA] =	sst s10  }
0x38: {  	s10 =	sld [smem:$0x3FBB]  }
0x39: {  	_ = 	snop;
	(pc) =	sbr.ind lr, $3  }
0x3a: {  	_ = 	snop  }
0x3b: {  	_ = 	snop  }
0x3c: {  	p2 =	seq.s32 s10, $0x1;
	s10 =	sld [smem:$0x3FBA]  }
0x3d: {  	_ =	shalt  }
0x3e: {  	_ =	shalt  }
0x3f: {  	_ =	shalt  }
0x40: {  	_ =	shalt  }
0x41: {  	_ =	shalt  }
0x42: {  	_ =	shalt  }
0x43: {  	_ =	shalt  }
0x44: {  	_ =	shalt  }
0x45: {  	_ =	shalt  }
0x46: {  	_ =	shalt  }
0x47: {  	_ =	shalt  }
0x48: {  	_ =	shalt  }
0x49: {  	_ =	shalt  }
0x4a: {  	_ =	shalt  }
0x4b: {  	_ =	shalt  }
0x4c: {  	_ =	shalt  }
0x4d: {  	_ =	shalt  }
0x4e: {  	_ =	shalt  }
0x4f: {  	_ =	shalt  }
0x50: {  	_ =	shalt  }
0x51: {  	_ =	shalt  }
0x52: {  	_ =	shalt  }
0x53: {  	_ =	shalt  }
0x54: {  	_ =	shalt  }
0x55: {  	_ =	shalt  }
0x56: {  	_ =	shalt  }
0x57: {  	_ =	shalt  }
0x58: {  	_ =	shalt  }
0x59: {  	_ =	shalt  }
0x5a: {  	_ =	shalt  }
0x5b: {  	_ =	shalt  }
0x5c: {  	_ =	shalt  }
0x5d: {  	_ =	shalt  }
0x5e: {  	_ =	shalt  }
0x5f: {  	_ =	shalt  }
0x60: {  	_ =	shalt  }
0x61: {  	_ =	shalt  }
0x62: {  	_ =	shalt  }
0x63: {  	_ =	shalt  }
0x64: {  	_ =	shalt  }
0x65: {  	_ =	shalt  }
0x66: {  	_ =	shalt  }
0x67: {  	_ =	shalt  }
0x68: {  	_ =	shalt  }
0x69: {  	_ =	shalt  }
0x6a: {  	_ =	shalt  }
0x6b: {  	_ =	shalt  }
0x6c: {  	_ =	shalt  }
0x6d: {  	_ =	shalt  }
0x6e: {  	_ =	shalt  }
0x6f: {  	_ =	shalt  }
0x70: {  	_ =	shalt  }
0x71: {  	_ =	shalt  }
0x72: {  	_ =	shalt  }
0x73: {  	_ =	shalt  }
0x74: {  	_ =	shalt  }
0x75: {  	_ =	shalt  }
0x76: {  	_ =	shalt  }
0x77: {  	_ =	shalt  }
0x78: {  	_ =	shalt  }
0x79: {  	_ =	shalt  }
0x7a: {  	_ =	shalt  }
0x7b: {  	_ =	shalt  }
0x7c: {  	_ =	shalt  }
0x7d: {  	_ =	shalt  }
0x7e: {  	_ =	shalt  }
0x7f: {  	_ =	shalt  }
0x80: {  	_ =	shalt  }
0x81: {  	_ =	shalt  }
0x82: {  	_ =	shalt  }
0x83: {  	_ =	shalt  }
0x84: {  	_ =	shalt  }
0x85: {  	_ =	shalt  }
0x86: {  	_ =	shalt  }
0x87: {  	_ =	shalt  }
.Lfunc_end0:
.L_simem_size_0:
called_computation_lowered:
.L_overlay_start_0:
0x88: {  	s2 =	sld [smem:$0x3FD9]  }
0x89: {  	s3 =	sld [smem:$0x3FFE];
	_ =	sdelay $0x1  }
0x8a: {  	s1 =	srdreg.scid  }
0x8b: {  	s0 =	sand.u32 $0x1, s1  }
0x8c: {  	s18 =	sshll.u32 s0, $0xA;
	s2 =	sadd.s32 s3, s2  }
0x8d: {  	s2 =	sadd.s32 s2, s18  }
0x8e: {  	[smem:$0x3FC6] =	sst s2  }
0x8f: {  	_ = 	snop  }
0x90: {  	s2 =	sld [smem:$0x3FC9]  }
0x91: {  	s19 =	sld [smem:$0x3FC8]  }
0x92: {  	s4 =	sld [smem:$0x3FD0];
	(tm) =	ssettm $0x1  }
0x93: {  	s5 =	sld [smem:$0x3FFB];
	_ =	sdelay $0x3  }
0x94: {  	_ =	strace s5  }
0x95: {  	s5 =	sld [smem:$0x3FFC];
	_ =	sdelay $0x3  }
0x96: {  	_ =	strace s5  }
0x97: {  	s5 =	sld [smem:$0x3FFD];
	_ =	sdelay $0x3  }
0x98: {  	_ =	strace s5  }
0x99: {  	_ =	strace $0x8FFFFFFF  }
0x9a: {  	s20 =	sld [smem:$0x3FDB];
	_ =	sdelay $0x1  }
0x9b: {  	s6 =	simm.s32 $_scs_section_size  }
0x9c: {  	s7 =	simm.s32 $_size__tile_overlayer_lowered;
	s8 =	simm.s32 $_tile_overlayer_lowered  }
0x9d: {  	s23 =	simm.s32 $0x1BFF;
	s22 =	sshll.u32 s8, $0x1;
	s5 =	sadd.s32 s6, s20  }
0x9e: {  	s9 =	simm.s32 $0x0;
	s21 =	sshll.u32 s7, $0x1;
	s7 =	sadd.s32 s22, s5  }
0x9f: {  	[timem:s9], [sflag:s23] =	dma.local [hbm:s7], s21  }
0xa0: {  	_ =	swait.ge [sflag:s23], s21  }
0xa1: {  	s6 =	ssub.s32 $0x0, s21;
	[sflag:s23] =	ssyncset.done $0x0  }
0xa2: {  	[sflag:s23] =	ssyncadd.s32 s6;
	_ =	sdelay $0x1  }
0xa3: {  	s24 =	simm.s32 $0x1B8B  }
0xa4: {  	_ =	swait.ge [sflag:s24], $0x1  }
0xa5: {  	[sflag:s24] =	ssyncset.done $0x0  }
0xa6: {  	s25 =	simm.s32 $0x1B8E;
	[sflag:s24] =	ssyncadd.s32 $0xFFFFFFFF  }
0xa7: {  	s26 =	simm.s32 $execute0_lowered;
	[smem:$0x3FD2] =	sst s25  }
0xa8: {  	s6 =	sshll.u32 s26, $0x1;
	_ =	strace $0x80000046;
	[dreg:$0x1] =	wrdreg $0xFFFFFFFF  }
0xa9: {  	s28 =	simm.s32 $_size_execute0_lowered;
	s5 =	sadd.s32 s5, s6;
	[dreg:$0x0] =	wrdreg $0x0  }
0xaa: {  	s6 =	sshll.u32 s28, $0x1;
	[dreg:$0x2] =	wrdreg s5  }
0xab: {  	[dreg:$0x3] =	wrdreg s6  }
0xac: {  	[dreg:$0x4] =	wrdreg $0xC0  }
0xad: {  	_ =	task [dreg:s9], $0x5FFFF  }
0xae: {  	[dreg:$0x1] =	wrdreg $0xFFFFFFFF  }
0xaf: {  	[dreg:$0x0] =	wrdreg $0x60  }
0xb0: {  	[dreg:$0x2] =	wrdreg s2  }
0xb1: {  	[dreg:$0x3] =	wrdreg s19  }
0xb2: {  	[dreg:$0x4] =	wrdreg s4  }
0xb3: {  	[dreg:$0x5] =	wrdreg $0x9  }
0xb4: {  	_ =	task.clear_ibuf [dreg:s9], $0x6FFFF;
	_ =	strace $0x90000046  }
0xb5: {  	s29 =	simm.s32 $0x9;
	_ =	strace $0x80000048  }
0xb6: {  	_ =	swait.ge [sflag:s29], $0x1  }
0xb7: {  	[sflag:s29] =	ssyncadd.s32 $0xFFFFFFFF  }
0xb8: {  	_ =	strace $0x90000048  }
0xb9: {  	_ =	sfence  }
0xba: {  	s30 =	sld [smem:$0x0];
	_ =	sdelay $0x2  }
0xbb: {  	s31 =	sshll.u32 s1, $0xD;
	s1 =	sshrl.u32 s1, $0x2  }
0xbc: {  	s3 =	sand.u32 $0x4000, s31;
	s1 =	sadd.s32 s1, s30  }
0xbd: {  	s0 =	sor.u32 s3, s0;
	s1 =	sshll.u32 s1, $0x11  }
0xbe: {  	s0 =	sor.u32 s1, s0  }
0xbf: {  	s0 =	sadd.s32 $0x8F2B, s0  }
0xc0: {  	[sflag:s0] =	ssyncadd.remote.s32 $0x1  }
0xc1: {  	_ =	sfence.sel $0xFFFF  }
0xc2: {  	[dreg:$0x0] =	wrdreg $0xFFFFFFFF;
	(pc) =	sbr.abs _section_cstart, $3  }
0xc3: {  	[dreg:$0x1] =	wrdreg $0xFFFFFFFF  }
0xc4: {  	_ =	task.clear_ibuf [dreg:s9], $0x2FFFF;
	_ =	strace $0x9FFFFFFF  }
0xc5: {  	(tm) =	ssettm $0x7FFFFFFF  }
tec
execute0_lowered:
.L_overlay_start_1:
0x0: {  	(tag) =	ssettag $0x1  }
0x1: {  	s1 =	rddreg [dreg:$0x0]  }
0x2: {  	s2 =	srdreg.scid;
	s5 =	rddreg [dreg:$0x1]  }
0x3: {  	s6 =	rddreg [dreg:$0x2];
	s4 =	sand.u32 $0x1, s2;
	s2 =	simm.s32 $0x0  }
0x4: {  	s16 =	simm.s32 $0x280;
	[smem:$0x7FF] =	sst s2  }
0x5: {  	s17 =	simm.s32 $0x300;
	_ =	strace $0x80000047;
	[dreg:$0x6] =	wrdreg s16  }
0x6: {  	s18 =	simm.s32 $0x380;
	[dreg:$0x7] =	wrdreg s17  }
0x7: {  	s19 =	simm.s32 $0x400;
	[dreg:$0x8] =	wrdreg s18  }
0x8: {  	s20 =	simm.s32 $0x480;
	[dreg:$0x9] =	wrdreg s19  }
0x9: {  	s21 =	simm.s32 $0x500;
	[dreg:$0xa] =	wrdreg s20  }
0xa: {  	s22 =	simm.s32 $0x580;
	[dreg:$0xb] =	wrdreg s21  }
0xb: {  	s23 =	simm.s32 $0x600;
	[dreg:$0xc] =	wrdreg s22  }
0xc: {  	s24 =	simm.s32 $0x680;
	[dreg:$0xd] =	wrdreg s23  }
0xd: {  	s25 =	simm.s32 $0x700;
	[dreg:$0xe] =	wrdreg s24  }
0xe: {  	s0 =	stileid.u32;
	s26 =	simm.s32 $0x780;
	[dreg:$0xf] =	wrdreg s25  }
0xf: {  	s3 =	sshll.u32 s0, $0xA;
	s0 =	simm.s32 $0x800;
	[dreg:$0x10] =	wrdreg s26  }
0x10: {  	s8 =	simm.s32 $0x980;
	[dreg:$0x11] =	wrdreg s0  }
0x11: {  	s9 =	simm.s32 $0xA00;
	[dreg:$0x14] =	wrdreg s8  }
0x12: {  	s10 =	simm.s32 $0xA80;
	[dreg:$0x15] =	wrdreg s9  }
0x13: {  	s11 =	simm.s32 $0xB00;
	[dreg:$0x16] =	wrdreg s10  }
0x14: {  	s12 =	simm.s32 $0xB80;
	[dreg:$0x17] =	wrdreg s11  }
0x15: {  	s13 =	simm.s32 $0xC00;
	[dreg:$0x18] =	wrdreg s12  }
0x16: {  	s14 =	simm.s32 $0xC80;
	[dreg:$0x19] =	wrdreg s13  }
0x17: {  	[dreg:$0x1a] =	wrdreg s14;
	s16 =	simm.s32 $0xD80  }
0x18: {  	s17 =	simm.s32 $0xE00;
	[dreg:$0x1c] =	wrdreg s16  }
0x19: {  	s18 =	simm.s32 $0xE80;
	[dreg:$0x1d] =	wrdreg s17  }
0x1a: {  	s19 =	simm.s32 $0xF00;
	[dreg:$0x1e] =	wrdreg s18  }
0x1b: {  	s20 =	simm.s32 $0xF80;
	[dreg:$0x1f] =	wrdreg s19  }
0x1c: {  	s21 =	simm.s32 $0x1000;
	[smem:$0x62A] =	sst s20  }
0x1d: {  	s22 =	simm.s32 $0x1080;
	[smem:$0x62B] =	sst s21  }
0x1e: {  	s23 =	simm.s32 $0x1100;
	[smem:$0x62C] =	sst s22  }
0x1f: {  	s24 =	simm.s32 $0x1180;
	[smem:$0x62D] =	sst s23  }
0x20: {  	s25 =	simm.s32 $0x1200;
	[smem:$0x62E] =	sst s24  }
0x21: {  	s26 =	simm.s32 $0x1280;
	[smem:$0x62F] =	sst s25  }
0x22: {  	s0 =	simm.s32 $0x1300;
	[smem:$0x630] =	sst s26  }
0x23: {  	s8 =	simm.s32 $0x1480;
	[smem:$0x631] =	sst s0  }
0x24: {  	s9 =	simm.s32 $0x1500;
	[smem:$0x634] =	sst s8  }
0x25: {  	s10 =	simm.s32 $0x1580;
	[smem:$0x635] =	sst s9  }
0x26: {  	s11 =	simm.s32 $0x1600;
	[smem:$0x636] =	sst s10  }
0x27: {  	s12 =	simm.s32 $0x1680;
	[smem:$0x637] =	sst s11  }
0x28: {  	s13 =	simm.s32 $0x1700;
	[smem:$0x638] =	sst s12  }
0x29: {  	s14 =	simm.s32 $0x1780;
	[smem:$0x639] =	sst s13  }
0x2a: {  	[smem:$0x63A] =	sst s14;
	s16 =	simm.s32 $0x1880  }
0x2b: {  	s17 =	simm.s32 $0x1900;
	[smem:$0x63C] =	sst s16  }
0x2c: {  	s18 =	simm.s32 $0x1980;
	[smem:$0x63D] =	sst s17  }
0x2d: {  	s19 =	simm.s32 $0x1A00;
	[smem:$0x63E] =	sst s18  }
0x2e: {  	s20 =	simm.s32 $0x1A80;
	[smem:$0x63F] =	sst s19  }
0x2f: {  	s21 =	simm.s32 $0x1B00;
	[smem:$0x640] =	sst s20  }
0x30: {  	s22 =	simm.s32 $0x1B80;
	[smem:$0x641] =	sst s21  }
0x31: {  	s23 =	simm.s32 $0x1C00;
	[smem:$0x642] =	sst s22  }
0x32: {  	s24 =	simm.s32 $0x1C80;
	[smem:$0x643] =	sst s23  }
0x33: {  	s25 =	simm.s32 $0x1D00;
	[smem:$0x644] =	sst s24  }
0x34: {  	s26 =	simm.s32 $0x1D80;
	[smem:$0x645] =	sst s25  }
0x35: {  	s0 =	simm.s32 $0x1E00;
	[smem:$0x646] =	sst s26  }
0x36: {  	s8 =	simm.s32 $0x1F80;
	[smem:$0x647] =	sst s0  }
0x37: {  	s9 =	simm.s32 $0x2000;
	[smem:$0x64A] =	sst s8  }
0x38: {  	s10 =	simm.s32 $0x2080;
	[smem:$0x64B] =	sst s9  }
0x39: {  	s11 =	simm.s32 $0x2100;
	[smem:$0x64C] =	sst s10  }
0x3a: {  	s7 =	sshll.u32 s4, $0x9;
	s12 =	simm.s32 $0x2180;
	[smem:$0x64D] =	sst s11  }
0x3b: {  	s3 =	sor.u32 s7, s3;
	s13 =	simm.s32 $0x2200;
	[smem:$0x64E] =	sst s12  }
0x3c: {  	s7 =	sshrl.u32 s3, $0x3;
	s14 =	simm.s32 $0x2280;
	[smem:$0x64F] =	sst s13  }
0x3d: {  	s5 =	sadd.s32 s5, s7;
	[smem:$0x650] =	sst s14  }
0x3e: {  	s15 =	sadd.s32 s6, s7;
	[dreg:$0x4] =	wrdreg s5  }
0x3f: {  	s6 =	simm.s32 $0x880;
	[dreg:$0x5] =	wrdreg s15  }
0x40: {  	s7 =	simm.s32 $0x900;
	[dreg:$0x12] =	wrdreg s6  }
0x41: {  	s16 =	simm.s32 $0x2380;
	[dreg:$0x13] =	wrdreg s7  }
0x42: {  	s17 =	simm.s32 $0x2400;
	[smem:$0x652] =	sst s16  }
0x43: {  	s18 =	simm.s32 $0x2480;
	[smem:$0x653] =	sst s17  }
0x44: {  	s19 =	simm.s32 $0x2500;
	[smem:$0x654] =	sst s18  }
0x45: {  	s20 =	simm.s32 $0x2580;
	[smem:$0x655] =	sst s19  }
0x46: {  	s21 =	simm.s32 $0x2600;
	[smem:$0x656] =	sst s20  }
0x47: {  	s22 =	simm.s32 $0x2680;
	[smem:$0x657] =	sst s21  }
0x48: {  	s23 =	simm.s32 $0x2700;
	[smem:$0x658] =	sst s22  }
0x49: {  	s24 =	simm.s32 $0x2780;
	[smem:$0x659] =	sst s23  }
0x4a: {  	s25 =	simm.s32 $0x2800;
	[smem:$0x65A] =	sst s24  }
0x4b: {  	s26 =	simm.s32 $0x2880;
	[smem:$0x65B] =	sst s25  }
0x4c: {  	s0 =	simm.s32 $0x2900;
	[smem:$0x65C] =	sst s26  }
0x4d: {  	s8 =	simm.s32 $0x2A80;
	[smem:$0x65D] =	sst s0  }
0x4e: {  	s9 =	simm.s32 $0x2B00;
	[smem:$0x660] =	sst s8  }
0x4f: {  	s10 =	simm.s32 $0x2B80;
	[smem:$0x661] =	sst s9  }
0x50: {  	s11 =	simm.s32 $0x2C00;
	[smem:$0x662] =	sst s10  }
0x51: {  	s12 =	simm.s32 $0x2C80;
	[smem:$0x663] =	sst s11  }
0x52: {  	s13 =	simm.s32 $0x2D00;
	[smem:$0x664] =	sst s12  }
0x53: {  	s14 =	simm.s32 $0x2D80;
	[smem:$0x665] =	sst s13  }
0x54: {  	s15 =	simm.s32 $0xD00;
	[smem:$0x666] =	sst s14  }
0x55: {  	s6 =	simm.s32 $0x1380;
	[dreg:$0x1b] =	wrdreg s15  }
0x56: {  	s7 =	simm.s32 $0x1400;
	[smem:$0x632] =	sst s6  }
0x57: {  	s16 =	simm.s32 $0x2E80;
	[smem:$0x633] =	sst s7  }
0x58: {  	s17 =	simm.s32 $0x2F00;
	[smem:$0x668] =	sst s16  }
0x59: {  	s18 =	simm.s32 $0x2F80;
	[smem:$0x669] =	sst s17  }
0x5a: {  	s19 =	simm.s32 $0x3000;
	[smem:$0x66A] =	sst s18  }
0x5b: {  	s20 =	simm.s32 $0x3080;
	[smem:$0x66B] =	sst s19  }
0x5c: {  	s21 =	simm.s32 $0x3100;
	[smem:$0x66C] =	sst s20  }
0x5d: {  	s22 =	simm.s32 $0x3180;
	[smem:$0x66D] =	sst s21  }
0x5e: {  	s23 =	simm.s32 $0x3200;
	[smem:$0x66E] =	sst s22  }
0x5f: {  	s24 =	simm.s32 $0x3280;
	[smem:$0x66F] =	sst s23  }
0x60: {  	s25 =	simm.s32 $0x3300;
	[smem:$0x670] =	sst s24  }
0x61: {  	s26 =	simm.s32 $0x3380;
	[smem:$0x671] =	sst s25  }
0x62: {  	s0 =	simm.s32 $0x3400;
	[smem:$0x672] =	sst s26  }
0x63: {  	s8 =	simm.s32 $0x3580;
	[smem:$0x673] =	sst s0  }
0x64: {  	s9 =	simm.s32 $0x3600;
	[smem:$0x676] =	sst s8  }
0x65: {  	s10 =	simm.s32 $0x3680;
	[smem:$0x677] =	sst s9  }
0x66: {  	s11 =	simm.s32 $0x3700;
	[smem:$0x678] =	sst s10  }
0x67: {  	s12 =	simm.s32 $0x3780;
	[smem:$0x679] =	sst s11  }
0x68: {  	s13 =	simm.s32 $0x3800;
	[smem:$0x67A] =	sst s12  }
0x69: {  	s14 =	simm.s32 $0x3880;
	[smem:$0x67B] =	sst s13  }
0x6a: {  	s15 =	simm.s32 $0x1800;
	[smem:$0x67C] =	sst s14  }
0x6b: {  	s6 =	simm.s32 $0x1E80;
	[smem:$0x63B] =	sst s15  }
0x6c: {  	s7 =	simm.s32 $0x1F00;
	[smem:$0x648] =	sst s6  }
0x6d: {  	s16 =	simm.s32 $0x3980;
	[smem:$0x649] =	sst s7  }
0x6e: {  	s17 =	simm.s32 $0x3A00;
	[smem:$0x67E] =	sst s16  }
0x6f: {  	s18 =	simm.s32 $0x3A80;
	[smem:$0x67F] =	sst s17  }
0x70: {  	s19 =	simm.s32 $0x3B00;
	[smem:$0x680] =	sst s18  }
0x71: {  	s20 =	simm.s32 $0x3B80;
	[smem:$0x681] =	sst s19  }
0x72: {  	s21 =	simm.s32 $0x3C00;
	[smem:$0x682] =	sst s20  }
0x73: {  	s22 =	simm.s32 $0x3C80;
	[smem:$0x683] =	sst s21  }
0x74: {  	s23 =	simm.s32 $0x3D00;
	[smem:$0x684] =	sst s22  }
0x75: {  	s24 =	simm.s32 $0x3D80;
	[smem:$0x685] =	sst s23  }
0x76: {  	s25 =	simm.s32 $0x3E00;
	[smem:$0x686] =	sst s24  }
0x77: {  	s26 =	simm.s32 $0x3E80;
	[smem:$0x687] =	sst s25  }
0x78: {  	s0 =	simm.s32 $0x3F00;
	[smem:$0x688] =	sst s26  }
0x79: {  	s8 =	simm.s32 $0x4080;
	[smem:$0x689] =	sst s0  }
0x7a: {  	s9 =	simm.s32 $0x4100;
	[smem:$0x68C] =	sst s8  }
0x7b: {  	s10 =	simm.s32 $0x4180;
	[smem:$0x68D] =	sst s9  }
0x7c: {  	s11 =	simm.s32 $0x4200;
	[smem:$0x68E] =	sst s10  }
0x7d: {  	s12 =	simm.s32 $0x4280;
	[smem:$0x68F] =	sst s11  }
0x7e: {  	s13 =	simm.s32 $0x4300;
	[smem:$0x690] =	sst s12  }
0x7f: {  	s14 =	simm.s32 $0x4380;
	[smem:$0x691] =	sst s13  }
0x80: {  	s15 =	simm.s32 $0x2300;
	[smem:$0x692] =	sst s14  }
0x81: {  	s6 =	simm.s32 $0x2980;
	[smem:$0x651] =	sst s15  }
0x82: {  	s7 =	simm.s32 $0x2A00;
	[smem:$0x65E] =	sst s6  }
0x83: {  	s16 =	simm.s32 $0x4480;
	[smem:$0x65F] =	sst s7  }
0x84: {  	s17 =	simm.s32 $0x4500;
	[smem:$0x694] =	sst s16  }
0x85: {  	s18 =	simm.s32 $0x4580;
	[smem:$0x695] =	sst s17  }
0x86: {  	s19 =	simm.s32 $0x4600;
	[smem:$0x696] =	sst s18  }
0x87: {  	s20 =	simm.s32 $0x4680;
	[smem:$0x697] =	sst s19  }
0x88: {  	s21 =	simm.s32 $0x4700;
	[smem:$0x698] =	sst s20  }
0x89: {  	s22 =	simm.s32 $0x4780;
	[smem:$0x699] =	sst s21  }
0x8a: {  	s23 =	simm.s32 $0x4800;
	[smem:$0x69A] =	sst s22  }
0x8b: {  	s24 =	simm.s32 $0x4880;
	[smem:$0x69B] =	sst s23  }
0x8c: {  	s25 =	simm.s32 $0x4900;
	[smem:$0x69C] =	sst s24  }
0x8d: {  	s26 =	simm.s32 $0x4980;
	[smem:$0x69D] =	sst s25  }
0x8e: {  	s0 =	simm.s32 $0x4A00;
	[smem:$0x69E] =	sst s26  }
0x8f: {  	s8 =	simm.s32 $0x4B80;
	[smem:$0x69F] =	sst s0  }
0x90: {  	s9 =	simm.s32 $0x4C00;
	[smem:$0x6A2] =	sst s8  }
0x91: {  	s10 =	simm.s32 $0x4C80;
	[smem:$0x6A3] =	sst s9  }
0x92: {  	s11 =	simm.s32 $0x4D00;
	[smem:$0x6A4] =	sst s10  }
0x93: {  	s12 =	simm.s32 $0x4D80;
	[smem:$0x6A5] =	sst s11  }
0x94: {  	s13 =	simm.s32 $0x4E00;
	[smem:$0x6A6] =	sst s12  }
0x95: {  	s14 =	simm.s32 $0x4E80;
	[smem:$0x6A7] =	sst s13  }
0x96: {  	s15 =	simm.s32 $0x2E00;
	[smem:$0x6A8] =	sst s14  }
0x97: {  	s6 =	simm.s32 $0x3480;
	[smem:$0x667] =	sst s15  }
0x98: {  	s7 =	simm.s32 $0x3500;
	[smem:$0x674] =	sst s6  }
0x99: {  	s16 =	simm.s32 $0x4F80;
	[smem:$0x675] =	sst s7  }
0x9a: {  	s17 =	simm.s32 $0x5000;
	[smem:$0x6AA] =	sst s16  }
0x9b: {  	s18 =	simm.s32 $0x5080;
	[smem:$0x6AB] =	sst s17  }
0x9c: {  	s19 =	simm.s32 $0x5100;
	[smem:$0x6AC] =	sst s18  }
0x9d: {  	s20 =	simm.s32 $0x5180;
	[smem:$0x6AD] =	sst s19  }
0x9e: {  	s21 =	simm.s32 $0x5200;
	[smem:$0x6AE] =	sst s20  }
0x9f: {  	s22 =	simm.s32 $0x5280;
	[smem:$0x6AF] =	sst s21  }
0xa0: {  	s23 =	simm.s32 $0x5300;
	[smem:$0x6B0] =	sst s22  }
0xa1: {  	s24 =	simm.s32 $0x5380;
	[smem:$0x6B1] =	sst s23  }
0xa2: {  	s25 =	simm.s32 $0x5400;
	[smem:$0x6B2] =	sst s24  }
0xa3: {  	s26 =	simm.s32 $0x5480;
	[smem:$0x6B3] =	sst s25  }
0xa4: {  	s0 =	simm.s32 $0x5500;
	[smem:$0x6B4] =	sst s26  }
0xa5: {  	s8 =	simm.s32 $0x5680;
	[smem:$0x6B5] =	sst s0  }
0xa6: {  	s9 =	simm.s32 $0x5700;
	[smem:$0x6B8] =	sst s8  }
0xa7: {  	s10 =	simm.s32 $0x5780;
	[smem:$0x6B9] =	sst s9  }
0xa8: {  	s11 =	simm.s32 $0x5800;
	[smem:$0x6BA] =	sst s10  }
0xa9: {  	s12 =	simm.s32 $0x5880;
	[smem:$0x6BB] =	sst s11  }
0xaa: {  	s13 =	simm.s32 $0x5900;
	[smem:$0x6BC] =	sst s12  }
0xab: {  	s14 =	simm.s32 $0x5980;
	[smem:$0x6BD] =	sst s13  }
0xac: {  	s15 =	simm.s32 $0x3900;
	[smem:$0x6BE] =	sst s14  }
0xad: {  	s6 =	simm.s32 $0x3F80;
	[smem:$0x67D] =	sst s15  }
0xae: {  	s7 =	simm.s32 $0x4000;
	[smem:$0x68A] =	sst s6  }
0xaf: {  	s16 =	simm.s32 $0x5A80;
	[smem:$0x68B] =	sst s7  }
0xb0: {  	s17 =	simm.s32 $0x5B00;
	[smem:$0x6C0] =	sst s16  }
0xb1: {  	s18 =	simm.s32 $0x5B80;
	[smem:$0x6C1] =	sst s17  }
0xb2: {  	s19 =	simm.s32 $0x5C00;
	[smem:$0x6C2] =	sst s18  }
0xb3: {  	s20 =	simm.s32 $0x5C80;
	[smem:$0x6C3] =	sst s19  }
0xb4: {  	s21 =	simm.s32 $0x5D00;
	[smem:$0x6C4] =	sst s20  }
0xb5: {  	s22 =	simm.s32 $0x5D80;
	[smem:$0x6C5] =	sst s21  }
0xb6: {  	s23 =	simm.s32 $0x5E00;
	[smem:$0x6C6] =	sst s22  }
0xb7: {  	s24 =	simm.s32 $0x5E80;
	[smem:$0x6C7] =	sst s23  }
0xb8: {  	s25 =	simm.s32 $0x5F00;
	[smem:$0x6C8] =	sst s24  }
0xb9: {  	s26 =	simm.s32 $0x5F80;
	[smem:$0x6C9] =	sst s25  }
0xba: {  	s0 =	simm.s32 $0x6000;
	[smem:$0x6CA] =	sst s26  }
0xbb: {  	s8 =	simm.s32 $0x6180;
	[smem:$0x6CB] =	sst s0  }
0xbc: {  	s9 =	simm.s32 $0x6200;
	[smem:$0x6CE] =	sst s8  }
0xbd: {  	s10 =	simm.s32 $0x6280;
	[smem:$0x6CF] =	sst s9  }
0xbe: {  	s11 =	simm.s32 $0x6300;
	[smem:$0x6D0] =	sst s10  }
0xbf: {  	s12 =	simm.s32 $0x6380;
	[smem:$0x6D1] =	sst s11  }
0xc0: {  	s13 =	simm.s32 $0x6400;
	[smem:$0x6D2] =	sst s12  }
0xc1: {  	s14 =	simm.s32 $0x6480;
	[smem:$0x6D3] =	sst s13  }
0xc2: {  	s15 =	simm.s32 $0x4400;
	[smem:$0x6D4] =	sst s14  }
0xc3: {  	s6 =	simm.s32 $0x4A80;
	[smem:$0x693] =	sst s15  }
0xc4: {  	s7 =	simm.s32 $0x4B00;
	[smem:$0x6A0] =	sst s6  }
0xc5: {  	s16 =	simm.s32 $0x6580;
	[smem:$0x6A1] =	sst s7  }
0xc6: {  	s17 =	simm.s32 $0x6600;
	[smem:$0x6D6] =	sst s16  }
0xc7: {  	s18 =	simm.s32 $0x6680;
	[smem:$0x6D7] =	sst s17  }
0xc8: {  	s19 =	simm.s32 $0x6700;
	[smem:$0x6D8] =	sst s18  }
0xc9: {  	s20 =	simm.s32 $0x6780;
	[smem:$0x6D9] =	sst s19  }
0xca: {  	s21 =	simm.s32 $0x6800;
	[smem:$0x6DA] =	sst s20  }
0xcb: {  	s22 =	simm.s32 $0x6880;
	[smem:$0x6DB] =	sst s21  }
0xcc: {  	s23 =	simm.s32 $0x6900;
	[smem:$0x6DC] =	sst s22  }
0xcd: {  	s24 =	simm.s32 $0x6980;
	[smem:$0x6DD] =	sst s23  }
0xce: {  	s25 =	simm.s32 $0x6A00;
	[smem:$0x6DE] =	sst s24  }
0xcf: {  	s26 =	simm.s32 $0x6A80;
	[smem:$0x6DF] =	sst s25  }
0xd0: {  	s0 =	simm.s32 $0x6B00;
	[smem:$0x6E0] =	sst s26  }
0xd1: {  	s8 =	simm.s32 $0x6C80;
	[smem:$0x6E1] =	sst s0  }
0xd2: {  	s9 =	simm.s32 $0x6D00;
	[smem:$0x6E4] =	sst s8  }
0xd3: {  	s10 =	simm.s32 $0x6D80;
	[smem:$0x6E5] =	sst s9  }
0xd4: {  	s11 =	simm.s32 $0x6E00;
	[smem:$0x6E6] =	sst s10  }
0xd5: {  	s12 =	simm.s32 $0x6E80;
	[smem:$0x6E7] =	sst s11  }
0xd6: {  	s13 =	simm.s32 $0x6F00;
	[smem:$0x6E8] =	sst s12  }
0xd7: {  	s14 =	simm.s32 $0x6F80;
	[smem:$0x6E9] =	sst s13  }
0xd8: {  	s15 =	simm.s32 $0x4F00;
	[smem:$0x6EA] =	sst s14  }
0xd9: {  	s6 =	simm.s32 $0x5580;
	[smem:$0x6A9] =	sst s15  }
0xda: {  	s7 =	simm.s32 $0x5600;
	[smem:$0x6B6] =	sst s6  }
0xdb: {  	s16 =	simm.s32 $0x7080;
	[smem:$0x6B7] =	sst s7  }
0xdc: {  	s17 =	simm.s32 $0x7100;
	[smem:$0x6EC] =	sst s16  }
0xdd: {  	s18 =	simm.s32 $0x7180;
	[smem:$0x6ED] =	sst s17  }
0xde: {  	s19 =	simm.s32 $0x7200;
	[smem:$0x6EE] =	sst s18  }
0xdf: {  	s20 =	simm.s32 $0x7280;
	[smem:$0x6EF] =	sst s19  }
0xe0: {  	s21 =	simm.s32 $0x7300;
	[smem:$0x6F0] =	sst s20  }
0xe1: {  	s22 =	simm.s32 $0x7380;
	[smem:$0x6F1] =	sst s21  }
0xe2: {  	s23 =	simm.s32 $0x7400;
	[smem:$0x6F2] =	sst s22  }
0xe3: {  	s24 =	simm.s32 $0x7480;
	[smem:$0x6F3] =	sst s23  }
0xe4: {  	s25 =	simm.s32 $0x7500;
	[smem:$0x6F4] =	sst s24  }
0xe5: {  	s26 =	simm.s32 $0x7580;
	[smem:$0x6F5] =	sst s25  }
0xe6: {  	s0 =	simm.s32 $0x7600;
	[smem:$0x6F6] =	sst s26  }
0xe7: {  	s8 =	simm.s32 $0x7780;
	[smem:$0x6F7] =	sst s0  }
0xe8: {  	s9 =	simm.s32 $0x7800;
	[smem:$0x6FA] =	sst s8  }
0xe9: {  	s10 =	simm.s32 $0x7880;
	[smem:$0x6FB] =	sst s9  }
0xea: {  	s11 =	simm.s32 $0x7900;
	[smem:$0x6FC] =	sst s10  }
0xeb: {  	s12 =	simm.s32 $0x7980;
	[smem:$0x6FD] =	sst s11  }
0xec: {  	s13 =	simm.s32 $0x7A00;
	[smem:$0x6FE] =	sst s12  }
0xed: {  	s14 =	simm.s32 $0x7A80;
	[smem:$0x6FF] =	sst s13  }
0xee: {  	s15 =	simm.s32 $0x5A00;
	[smem:$0x700] =	sst s14  }
0xef: {  	s6 =	simm.s32 $0x6080;
	[smem:$0x6BF] =	sst s15  }
0xf0: {  	s7 =	simm.s32 $0x6100;
	[smem:$0x6CC] =	sst s6  }
0xf1: {  	s16 =	simm.s32 $0x7B80;
	[smem:$0x6CD] =	sst s7  }
0xf2: {  	s17 =	simm.s32 $0x7C00;
	[smem:$0x702] =	sst s16  }
0xf3: {  	s18 =	simm.s32 $0x7C80;
	[smem:$0x703] =	sst s17  }
0xf4: {  	s19 =	simm.s32 $0x7D00;
	[smem:$0x704] =	sst s18  }
0xf5: {  	s20 =	simm.s32 $0x7D80;
	[smem:$0x705] =	sst s19  }
0xf6: {  	s21 =	simm.s32 $0x7E00;
	[smem:$0x706] =	sst s20  }
0xf7: {  	s22 =	simm.s32 $0x7E80;
	[smem:$0x707] =	sst s21  }
0xf8: {  	s23 =	simm.s32 $0x7F00;
	[smem:$0x708] =	sst s22  }
0xf9: {  	s24 =	simm.s32 $0x7F80;
	[smem:$0x709] =	sst s23  }
0xfa: {  	s25 =	simm.s32 $0x8000;
	[smem:$0x70A] =	sst s24  }
0xfb: {  	s26 =	simm.s32 $0x8080;
	[smem:$0x70B] =	sst s25  }
0xfc: {  	s0 =	simm.s32 $0x8100;
	[smem:$0x70C] =	sst s26  }
0xfd: {  	s8 =	simm.s32 $0x8200;
	[smem:$0x70D] =	sst s0  }
0xfe: {  	s9 =	simm.s32 $0x8280;
	[smem:$0x710] =	sst s8  }
0xff: {  	s10 =	simm.s32 $0x9D80;
	[smem:$0x711] =	sst s9  }
0x100: {  	s11 =	simm.s32 $0x9D00;
	[smem:$0x712] =	sst s10  }
0x101: {  	s12 =	simm.s32 $0x9C80;
	[smem:$0x713] =	sst s11  }
0x102: {  	s13 =	simm.s32 $0x9C00;
	[smem:$0x714] =	sst s12  }
0x103: {  	s14 =	simm.s32 $0x9B80;
	[smem:$0x715] =	sst s13  }
0x104: {  	s15 =	simm.s32 $0x6500;
	[smem:$0x716] =	sst s14  }
0x105: {  	s6 =	simm.s32 $0x6B80;
	[smem:$0x6D5] =	sst s15  }
0x106: {  	s7 =	simm.s32 $0x6C00;
	[smem:$0x6E2] =	sst s6  }
0x107: {  	s16 =	simm.s32 $0x9A80;
	[smem:$0x6E3] =	sst s7  }
0x108: {  	s17 =	simm.s32 $0x9A00;
	[smem:$0x718] =	sst s16  }
0x109: {  	s18 =	simm.s32 $0x9980;
	[smem:$0x719] =	sst s17  }
0x10a: {  	s19 =	simm.s32 $0x9900;
	[smem:$0x71A] =	sst s18  }
0x10b: {  	s20 =	simm.s32 $0x9880;
	[smem:$0x71B] =	sst s19  }
0x10c: {  	s21 =	simm.s32 $0x9800;
	[smem:$0x71C] =	sst s20  }
0x10d: {  	s22 =	simm.s32 $0x9780;
	[smem:$0x71D] =	sst s21  }
0x10e: {  	s23 =	simm.s32 $0x9700;
	[smem:$0x71E] =	sst s22  }
0x10f: {  	s24 =	simm.s32 $0x9680;
	[smem:$0x71F] =	sst s23  }
0x110: {  	s25 =	simm.s32 $0x9600;
	[smem:$0x720] =	sst s24  }
0x111: {  	s26 =	simm.s32 $0x9580;
	[smem:$0x721] =	sst s25  }
0x112: {  	s0 =	simm.s32 $0x9500;
	[smem:$0x722] =	sst s26  }
0x113: {  	s8 =	simm.s32 $0x8E00;
	[smem:$0x723] =	sst s0  }
0x114: {  	s9 =	simm.s32 $0x8E80;
	[smem:$0x726] =	sst s8  }
0x115: {  	s10 =	simm.s32 $0x8300;
	[smem:$0x727] =	sst s9  }
0x116: {  	s11 =	simm.s32 $0x8B00;
	[smem:$0x728] =	sst s10  }
0x117: {  	s12 =	simm.s32 $0x8B80;
	[smem:$0x729] =	sst s11  }
0x118: {  	s13 =	simm.s32 $0x8C00;
	[smem:$0x72A] =	sst s12  }
0x119: {  	s14 =	simm.s32 $0x8C80;
	[smem:$0x72B] =	sst s13  }
0x11a: {  	s15 =	simm.s32 $0x7000;
	[smem:$0x72C] =	sst s14  }
0x11b: {  	s6 =	simm.s32 $0x7680;
	[smem:$0x6EB] =	sst s15  }
0x11c: {  	s7 =	simm.s32 $0x7700;
	[smem:$0x6F8] =	sst s6  }
0x11d: {  	s16 =	simm.s32 $0x8380;
	[smem:$0x6F9] =	sst s7  }
0x11e: {  	s17 =	simm.s32 $0xA100;
	[smem:$0x72E] =	sst s16  }
0x11f: {  	s18 =	simm.s32 $0xA180;
	[smem:$0x72F] =	sst s17  }
0x120: {  	s19 =	simm.s32 $0xA200;
	[smem:$0x730] =	sst s18  }
0x121: {  	s20 =	simm.s32 $0xA280;
	[smem:$0x731] =	sst s19  }
0x122: {  	s21 =	simm.s32 $0xA300;
	[smem:$0x732] =	sst s20  }
0x123: {  	s22 =	simm.s32 $0xA380;
	[smem:$0x733] =	sst s21  }
0x124: {  	s23 =	simm.s32 $0x8400;
	[smem:$0x734] =	sst s22  }
0x125: {  	s24 =	simm.s32 $0x8480;
	[smem:$0x735] =	sst s23  }
0x126: {  	s25 =	simm.s32 $0x8500;
	[smem:$0x736] =	sst s24  }
0x127: {  	s26 =	simm.s32 $0x8580;
	[smem:$0x737] =	sst s25  }
0x128: {  	s0 =	simm.s32 $0x8600;
	[smem:$0x738] =	sst s26  }
0x129: {  	s8 =	simm.s32 $0x8780;
	[smem:$0x739] =	sst s0  }
0x12a: {  	s9 =	simm.s32 $0x8800;
	[smem:$0x73C] =	sst s8  }
0x12b: {  	s10 =	simm.s32 $0x8880;
	[smem:$0x73D] =	sst s9  }
0x12c: {  	s11 =	simm.s32 $0x8900;
	[smem:$0x73E] =	sst s10  }
0x12d: {  	s12 =	simm.s32 $0x8980;
	[smem:$0x73F] =	sst s11  }
0x12e: {  	s13 =	simm.s32 $0x8A00;
	[smem:$0x740] =	sst s12  }
0x12f: {  	s14 =	simm.s32 $0x8A80;
	[smem:$0x741] =	sst s13  }
0x130: {  	s15 =	simm.s32 $0x7B00;
	[smem:$0x742] =	sst s14  }
0x131: {  	s6 =	simm.s32 $0x9E00;
	[smem:$0x701] =	sst s15  }
0x132: {  	s7 =	simm.s32 $0x8180;
	[smem:$0x70E] =	sst s6  }
0x133: {  	s16 =	simm.s32 $0x8F80;
	[smem:$0x70F] =	sst s7  }
0x134: {  	s17 =	simm.s32 $0x9000;
	[smem:$0x744] =	sst s16  }
0x135: {  	s18 =	simm.s32 $0x9080;
	[smem:$0x745] =	sst s17  }
0x136: {  	s19 =	simm.s32 $0x9100;
	[smem:$0x746] =	sst s18  }
0x137: {  	s20 =	simm.s32 $0x9180;
	[smem:$0x747] =	sst s19  }
0x138: {  	s21 =	simm.s32 $0x9200;
	[smem:$0x748] =	sst s20  }
0x139: {  	s22 =	simm.s32 $0x9280;
	[smem:$0x749] =	sst s21  }
0x13a: {  	s23 =	simm.s32 $0x9300;
	[smem:$0x74A] =	sst s22  }
0x13b: {  	s24 =	simm.s32 $0x9380;
	[smem:$0x74B] =	sst s23  }
0x13c: {  	s25 =	simm.s32 $0x9400;
	[smem:$0x74C] =	sst s24  }
0x13d: {  	s26 =	simm.s32 $0x9E80;
	[smem:$0x74D] =	sst s25  }
0x13e: {  	s0 =	simm.s32 $0x9F00;
	[smem:$0x74E] =	sst s26  }
0x13f: {  	s8 =	simm.s32 $0xA080;
	[smem:$0x74F] =	sst s0  }
0x140: {  	s9 =	simm.s32 $0xA400;
	[smem:$0x752] =	sst s8  }
0x141: {  	s10 =	simm.s32 $0xA480;
	[smem:$0x753] =	sst s9  }
0x142: {  	s11 =	simm.s32 $0xA500;
	[smem:$0x754] =	sst s10  }
0x143: {  	s12 =	simm.s32 $0xA580;
	[smem:$0x755] =	sst s11  }
0x144: {  	s13 =	simm.s32 $0xA600;
	[smem:$0x756] =	sst s12  }
0x145: {  	s14 =	simm.s32 $0xA680;
	[smem:$0x757] =	sst s13  }
0x146: {  	s15 =	simm.s32 $0x9B00;
	[smem:$0x758] =	sst s14  }
0x147: {  	s6 =	simm.s32 $0x9480;
	[smem:$0x717] =	sst s15  }
0x148: {  	s7 =	simm.s32 $0x8D80;
	[smem:$0x724] =	sst s6  }
0x149: {  	s16 =	simm.s32 $0xA780;
	[smem:$0x725] =	sst s7  }
0x14a: {  	s17 =	simm.s32 $0xA800;
	[smem:$0x75A] =	sst s16  }
0x14b: {  	s18 =	simm.s32 $0xA880;
	[smem:$0x75B] =	sst s17  }
0x14c: {  	s19 =	simm.s32 $0xA900;
	[smem:$0x75C] =	sst s18  }
0x14d: {  	s20 =	simm.s32 $0xA980;
	[smem:$0x75D] =	sst s19  }
0x14e: {  	s21 =	simm.s32 $0xAA00;
	[smem:$0x75E] =	sst s20  }
0x14f: {  	s22 =	simm.s32 $0xAA80;
	[smem:$0x75F] =	sst s21  }
0x150: {  	s23 =	simm.s32 $0xAB00;
	[smem:$0x760] =	sst s22  }
0x151: {  	s24 =	simm.s32 $0xAB80;
	[smem:$0x761] =	sst s23  }
0x152: {  	s25 =	simm.s32 $0xAC00;
	[smem:$0x762] =	sst s24  }
0x153: {  	s26 =	simm.s32 $0xAC80;
	[smem:$0x763] =	sst s25  }
0x154: {  	s0 =	simm.s32 $0xAD00;
	[smem:$0x764] =	sst s26  }
0x155: {  	s8 =	simm.s32 $0xAE80;
	[smem:$0x765] =	sst s0  }
0x156: {  	s9 =	simm.s32 $0xAF00;
	[smem:$0x768] =	sst s8  }
0x157: {  	s10 =	simm.s32 $0xAF80;
	[smem:$0x769] =	sst s9  }
0x158: {  	s11 =	simm.s32 $0xB000;
	[smem:$0x76A] =	sst s10  }
0x159: {  	s12 =	simm.s32 $0xB080;
	[smem:$0x76B] =	sst s11  }
0x15a: {  	s13 =	simm.s32 $0xB100;
	[smem:$0x76C] =	sst s12  }
0x15b: {  	s14 =	simm.s32 $0xB180;
	[smem:$0x76D] =	sst s13  }
0x15c: {  	s15 =	simm.s32 $0x8D00;
	[smem:$0x76E] =	sst s14  }
0x15d: {  	s6 =	simm.s32 $0x8680;
	[smem:$0x72D] =	sst s15  }
0x15e: {  	s7 =	simm.s32 $0x8700;
	[smem:$0x73A] =	sst s6  }
0x15f: {  	s16 =	simm.s32 $0xB280;
	[smem:$0x73B] =	sst s7  }
0x160: {  	s17 =	simm.s32 $0xB300;
	[smem:$0x770] =	sst s16  }
0x161: {  	s18 =	simm.s32 $0xB380;
	[smem:$0x771] =	sst s17  }
0x162: {  	s19 =	simm.s32 $0xB400;
	[smem:$0x772] =	sst s18  }
0x163: {  	s20 =	simm.s32 $0xB480;
	[smem:$0x773] =	sst s19  }
0x164: {  	s21 =	simm.s32 $0xB500;
	[smem:$0x774] =	sst s20  }
0x165: {  	s22 =	simm.s32 $0xB580;
	[smem:$0x775] =	sst s21  }
0x166: {  	s23 =	simm.s32 $0xB600;
	[smem:$0x776] =	sst s22  }
0x167: {  	s24 =	simm.s32 $0xB680;
	[smem:$0x777] =	sst s23  }
0x168: {  	s25 =	simm.s32 $0xB700;
	[smem:$0x778] =	sst s24  }
0x169: {  	s26 =	simm.s32 $0xB780;
	[smem:$0x779] =	sst s25  }
0x16a: {  	s0 =	simm.s32 $0xB800;
	[smem:$0x77A] =	sst s26  }
0x16b: {  	s8 =	simm.s32 $0xB980;
	[smem:$0x77B] =	sst s0  }
0x16c: {  	s9 =	simm.s32 $0xBA00;
	[smem:$0x77E] =	sst s8  }
0x16d: {  	s10 =	simm.s32 $0xBA80;
	[smem:$0x77F] =	sst s9  }
0x16e: {  	s11 =	simm.s32 $0xBB00;
	[smem:$0x780] =	sst s10  }
0x16f: {  	s12 =	simm.s32 $0xBB80;
	[smem:$0x781] =	sst s11  }
0x170: {  	s13 =	simm.s32 $0xBC00;
	[smem:$0x782] =	sst s12  }
0x171: {  	s14 =	simm.s32 $0xBC80;
	[smem:$0x783] =	sst s13  }
0x172: {  	s15 =	simm.s32 $0x8F00;
	[smem:$0x784] =	sst s14  }
0x173: {  	s6 =	simm.s32 $0x9F80;
	[smem:$0x743] =	sst s15  }
0x174: {  	s7 =	simm.s32 $0xA000;
	[smem:$0x750] =	sst s6  }
0x175: {  	s16 =	simm.s32 $0xBD80;
	[smem:$0x751] =	sst s7  }
0x176: {  	s17 =	simm.s32 $0xBE00;
	[smem:$0x786] =	sst s16  }
0x177: {  	s18 =	simm.s32 $0xBE80;
	[smem:$0x787] =	sst s17  }
0x178: {  	s19 =	simm.s32 $0xBF00;
	[smem:$0x788] =	sst s18  }
0x179: {  	s20 =	simm.s32 $0xBF80;
	[smem:$0x789] =	sst s19  }
0x17a: {  	s21 =	simm.s32 $0xC000;
	[smem:$0x78A] =	sst s20  }
0x17b: {  	s22 =	simm.s32 $0xC080;
	[smem:$0x78B] =	sst s21  }
0x17c: {  	s23 =	simm.s32 $0xC100;
	[smem:$0x78C] =	sst s22  }
0x17d: {  	s24 =	simm.s32 $0xC180;
	[smem:$0x78D] =	sst s23  }
0x17e: {  	s25 =	simm.s32 $0xC200;
	[smem:$0x78E] =	sst s24  }
0x17f: {  	s26 =	simm.s32 $0xC280;
	[smem:$0x78F] =	sst s25  }
0x180: {  	s0 =	simm.s32 $0xC300;
	[smem:$0x790] =	sst s26  }
0x181: {  	s8 =	simm.s32 $0xC480;
	[smem:$0x791] =	sst s0  }
0x182: {  	s9 =	simm.s32 $0xC500;
	[smem:$0x794] =	sst s8  }
0x183: {  	s10 =	simm.s32 $0xC580;
	[smem:$0x795] =	sst s9  }
0x184: {  	s11 =	simm.s32 $0xC600;
	[smem:$0x796] =	sst s10  }
0x185: {  	s12 =	simm.s32 $0xC680;
	[smem:$0x797] =	sst s11  }
0x186: {  	s13 =	simm.s32 $0xC700;
	[smem:$0x798] =	sst s12  }
0x187: {  	s14 =	simm.s32 $0xC780;
	[smem:$0x799] =	sst s13  }
0x188: {  	s15 =	simm.s32 $0xA700;
	[smem:$0x79A] =	sst s14  }
0x189: {  	s6 =	simm.s32 $0xAD80;
	[smem:$0x759] =	sst s15  }
0x18a: {  	s7 =	simm.s32 $0xAE00;
	[smem:$0x766] =	sst s6  }
0x18b: {  	s16 =	simm.s32 $0xC880;
	[smem:$0x767] =	sst s7  }
0x18c: {  	s17 =	simm.s32 $0xC900;
	[smem:$0x79C] =	sst s16  }
0x18d: {  	s18 =	simm.s32 $0xC980;
	[smem:$0x79D] =	sst s17  }
0x18e: {  	s19 =	simm.s32 $0xCA00;
	[smem:$0x79E] =	sst s18  }
0x18f: {  	s20 =	simm.s32 $0xCA80;
	[smem:$0x79F] =	sst s19  }
0x190: {  	s21 =	simm.s32 $0xCB00;
	[smem:$0x7A0] =	sst s20  }
0x191: {  	s22 =	simm.s32 $0xCB80;
	[smem:$0x7A1] =	sst s21  }
0x192: {  	s23 =	simm.s32 $0xCC00;
	[smem:$0x7A2] =	sst s22  }
0x193: {  	s24 =	simm.s32 $0xCC80;
	[smem:$0x7A3] =	sst s23  }
0x194: {  	s25 =	simm.s32 $0xCD00;
	[smem:$0x7A4] =	sst s24  }
0x195: {  	s26 =	simm.s32 $0xCD80;
	[smem:$0x7A5] =	sst s25  }
0x196: {  	s0 =	simm.s32 $0xCE00;
	[smem:$0x7A6] =	sst s26  }
0x197: {  	s8 =	simm.s32 $0xCF80;
	[smem:$0x7A7] =	sst s0  }
0x198: {  	s9 =	simm.s32 $0xD000;
	[smem:$0x7AA] =	sst s8  }
0x199: {  	s10 =	simm.s32 $0xD080;
	[smem:$0x7AB] =	sst s9  }
0x19a: {  	s11 =	simm.s32 $0xD100;
	[smem:$0x7AC] =	sst s10  }
0x19b: {  	s12 =	simm.s32 $0xD180;
	[smem:$0x7AD] =	sst s11  }
0x19c: {  	s13 =	simm.s32 $0xD200;
	[smem:$0x7AE] =	sst s12  }
0x19d: {  	s14 =	simm.s32 $0xD280;
	[smem:$0x7AF] =	sst s13  }
0x19e: {  	s15 =	simm.s32 $0xB200;
	[smem:$0x7B0] =	sst s14  }
0x19f: {  	s6 =	simm.s32 $0xB880;
	[smem:$0x76F] =	sst s15  }
0x1a0: {  	s7 =	simm.s32 $0xB900;
	[smem:$0x77C] =	sst s6  }
0x1a1: {  	s16 =	simm.s32 $0xD380;
	[smem:$0x77D] =	sst s7  }
0x1a2: {  	s17 =	simm.s32 $0xD400;
	[smem:$0x7B2] =	sst s16  }
0x1a3: {  	s18 =	simm.s32 $0xD480;
	[smem:$0x7B3] =	sst s17  }
0x1a4: {  	s19 =	simm.s32 $0xD500;
	[smem:$0x7B4] =	sst s18  }
0x1a5: {  	s20 =	simm.s32 $0xD580;
	[smem:$0x7B5] =	sst s19  }
0x1a6: {  	s21 =	simm.s32 $0xD600;
	[smem:$0x7B6] =	sst s20  }
0x1a7: {  	s22 =	simm.s32 $0xD680;
	[smem:$0x7B7] =	sst s21  }
0x1a8: {  	s23 =	simm.s32 $0xD700;
	[smem:$0x7B8] =	sst s22  }
0x1a9: {  	s24 =	simm.s32 $0xD780;
	[smem:$0x7B9] =	sst s23  }
0x1aa: {  	s25 =	simm.s32 $0xD800;
	[smem:$0x7BA] =	sst s24  }
0x1ab: {  	s26 =	simm.s32 $0xD880;
	[smem:$0x7BB] =	sst s25  }
0x1ac: {  	s0 =	simm.s32 $0xD900;
	[smem:$0x7BC] =	sst s26  }
0x1ad: {  	s8 =	simm.s32 $0xDA80;
	[smem:$0x7BD] =	sst s0  }
0x1ae: {  	s9 =	simm.s32 $0xDB00;
	[smem:$0x7C0] =	sst s8  }
0x1af: {  	s10 =	simm.s32 $0xDB80;
	[smem:$0x7C1] =	sst s9  }
0x1b0: {  	s11 =	simm.s32 $0xDC00;
	[smem:$0x7C2] =	sst s10  }
0x1b1: {  	s12 =	simm.s32 $0xDC80;
	[smem:$0x7C3] =	sst s11  }
0x1b2: {  	s13 =	simm.s32 $0xDD00;
	[smem:$0x7C4] =	sst s12  }
0x1b3: {  	s14 =	simm.s32 $0xDD80;
	[smem:$0x7C5] =	sst s13  }
0x1b4: {  	s15 =	simm.s32 $0xBD00;
	[smem:$0x7C6] =	sst s14  }
0x1b5: {  	s6 =	simm.s32 $0xC380;
	[smem:$0x785] =	sst s15  }
0x1b6: {  	s7 =	simm.s32 $0xC400;
	[smem:$0x792] =	sst s6  }
0x1b7: {  	s16 =	simm.s32 $0xDE80;
	[smem:$0x793] =	sst s7  }
0x1b8: {  	s17 =	simm.s32 $0xDF00;
	[smem:$0x7C8] =	sst s16  }
0x1b9: {  	s18 =	simm.s32 $0xDF80;
	[smem:$0x7C9] =	sst s17  }
0x1ba: {  	s19 =	simm.s32 $0xE000;
	[smem:$0x7CA] =	sst s18  }
0x1bb: {  	s20 =	simm.s32 $0xE080;
	[smem:$0x7CB] =	sst s19  }
0x1bc: {  	s21 =	simm.s32 $0xE100;
	[smem:$0x7CC] =	sst s20  }
0x1bd: {  	s22 =	simm.s32 $0xE180;
	[smem:$0x7CD] =	sst s21  }
0x1be: {  	s23 =	simm.s32 $0xE200;
	[smem:$0x7CE] =	sst s22  }
0x1bf: {  	s24 =	simm.s32 $0xE280;
	[smem:$0x7CF] =	sst s23  }
0x1c0: {  	s25 =	simm.s32 $0xE300;
	[smem:$0x7D0] =	sst s24  }
0x1c1: {  	s26 =	simm.s32 $0xE380;
	[smem:$0x7D1] =	sst s25  }
0x1c2: {  	s0 =	simm.s32 $0xE400;
	[smem:$0x7D2] =	sst s26  }
0x1c3: {  	s8 =	simm.s32 $0xE580;
	[smem:$0x7D3] =	sst s0  }
0x1c4: {  	s9 =	simm.s32 $0xE600;
	[smem:$0x7D6] =	sst s8  }
0x1c5: {  	s10 =	simm.s32 $0xE680;
	[smem:$0x7D7] =	sst s9  }
0x1c6: {  	s11 =	simm.s32 $0xE700;
	[smem:$0x7D8] =	sst s10  }
0x1c7: {  	s12 =	simm.s32 $0xE780;
	[smem:$0x7D9] =	sst s11  }
0x1c8: {  	s13 =	simm.s32 $0xE800;
	[smem:$0x7DA] =	sst s12  }
0x1c9: {  	s14 =	simm.s32 $0xE880;
	[smem:$0x7DB] =	sst s13  }
0x1ca: {  	s15 =	simm.s32 $0xC800;
	[smem:$0x7DC] =	sst s14  }
0x1cb: {  	s6 =	simm.s32 $0xCE80;
	[smem:$0x79B] =	sst s15  }
0x1cc: {  	s7 =	simm.s32 $0xCF00;
	[smem:$0x7A8] =	sst s6  }
0x1cd: {  	s16 =	simm.s32 $0xE980;
	[smem:$0x7A9] =	sst s7  }
0x1ce: {  	s17 =	simm.s32 $0xEA00;
	[smem:$0x7DE] =	sst s16  }
0x1cf: {  	s18 =	simm.s32 $0xEA80;
	[smem:$0x7DF] =	sst s17  }
0x1d0: {  	s19 =	simm.s32 $0xEB00;
	[smem:$0x7E0] =	sst s18  }
0x1d1: {  	s20 =	simm.s32 $0xEB80;
	[smem:$0x7E1] =	sst s19  }
0x1d2: {  	s21 =	simm.s32 $0xEC00;
	[smem:$0x7E2] =	sst s20  }
0x1d3: {  	s22 =	simm.s32 $0xEC80;
	[smem:$0x7E3] =	sst s21  }
0x1d4: {  	s23 =	simm.s32 $0xED00;
	[smem:$0x7E4] =	sst s22  }
0x1d5: {  	s24 =	simm.s32 $0xED80;
	[smem:$0x7E5] =	sst s23  }
0x1d6: {  	s25 =	simm.s32 $0xEE00;
	[smem:$0x7E6] =	sst s24  }
0x1d7: {  	s26 =	simm.s32 $0xEE80;
	[smem:$0x7E7] =	sst s25  }
0x1d8: {  	s0 =	simm.s32 $0xEF00;
	[smem:$0x7E8] =	sst s26  }
0x1d9: {  	s8 =	simm.s32 $0xF000;
	[smem:$0x7E9] =	sst s0  }
0x1da: {  	s28 =	simm.s32 $0xFA00;
	s9 =	simm.s32 $0xF080;
	[smem:$0x7EB] =	sst s8  }
0x1db: {  	s29 =	simm.s32 $0xFA80;
	s10 =	simm.s32 $0xF100;
	[smem:$0x7EC] =	sst s9  }
0x1dc: {  	s30 =	simm.s32 $0x3;
	s11 =	simm.s32 $0xF180;
	[smem:$0x7ED] =	sst s10  }
0x1dd: {  	s31 =	simm.s32 $0x4;
	s12 =	simm.s32 $0xF200;
	[smem:$0x7EE] =	sst s11  }
0x1de: {  	s4 =	ssub.s32 $0x2, s4;
	s13 =	simm.s32 $0xF280;
	[smem:$0x7EF] =	sst s12  }
0x1df: {  	s3 =	sadd.s32 s1, s3;
	s14 =	simm.s32 $0xF300;
	[smem:$0x7F0] =	sst s13  }
0x1e0: {  	s1 =	simm.s32 $0x10200;
	s15 =	simm.s32 $0xD300;
	[smem:$0x7F1] =	sst s14  }
0x1e1: {  	s5 =	sadd.s32 $0x100, s3;
	s6 =	simm.s32 $0xD980;
	[smem:$0x7B1] =	sst s15  }
0x1e2: {  	s7 =	simm.s32 $0xDA00;
	s16 =	simm.s32 $0xF400;
	[smem:$0x7BE] =	sst s6  }
0x1e3: {  	s17 =	simm.s32 $0xF480;
	s18 =	simm.s32 $0xF500;
	[smem:$0x7BF] =	sst s7  }
0x1e4: {  	s19 =	sshrl.u32 s4, $0x1;
	s20 =	simm.s32 $0xF580;
	[smem:$0x7F3] =	sst s16  }
0x1e5: {  	v0 =	vimm.s32 $0x7;
	v1 =	vimm.s32 $0x0;
	v9 =	vlaneseq.u32;
	s22 =	simm.s32 $0xF600;
	s23 =	simm.s32 $0xF680;
	[smem:$0x7F4] =	sst s17  }
0x1e6: {  	vm0 =	vmmov $0x1;
	v3 =	vimm.s32 $0x1;
	v4 =	vimm.s32 $0x3;
	s24 =	simm.s32 $0xF700;
	s8 =	simm.s32 $0xF780;
	[smem:$0x7F5] =	sst s18  }
0x1e7: {  	v5 =	vimm.s32 $0x4;
	v6 =	vimm.s32 $0x6;
	v7 =	vimm.s32 $0x8;
	s25 =	simm.s32 $0xF800;
	s9 =	simm.s32 $0xF880;
	[smem:$0x7F6] =	sst s20  }
0x1e8: {  	v8 =	vimm.s32 $0x9;
	v10 =	vimm.s32 $0xA;
	v11 =	vimm.s32 $0xB;
	s26 =	simm.s32 $0xF900;
	s11 =	simm.s32 $0x10180;
	[smem:$0x7F7] =	sst s22  }
0x1e9: {  	v12 =	vimm.s32 $0xC;
	v2 =	vmul.u32 $0x8, v9;
	v9 =	vmul.u32 $0x81, v9;
	s12 =	simm.s32 $0x1;
	s13 =	simm.s32 $0x2;
	[smem:$0x7F8] =	sst s23  }
0x1ea: {  	v13 =	vimm.s32 $0xD;
	v14 =	vimm.s32 $0xE;
	v27 =	vimm.s32 $0x5;
	s14 =	simm.s32 $0xFB00;
	s15 =	simm.s32 $0xDE00;
	[smem:$0x7F9] =	sst s24  }
0x1eb: {  	v33 =	vimm.s32 $0x2;
	v39 =	vimm.s32 $0xF;
	v15 =	vadd.s32 $0x810, v9;
	s6 =	simm.s32 $0xE480;
	s7 =	simm.s32 $0xE500;
	[smem:$0x7FA] =	sst s8  }
0x1ec: {  	v16 =	vadd.s32 $0x1020, v9;
	v17 =	vadd.s32 $0x1830, v9;
	v18 =	vadd.s32 $0x2040, v9;
	s21 =	ssub.s32 s4, s19;
	s4 =	sadd.s32 $0x80, s3;
	[smem:$0x7FB] =	sst s25  }
0x1ed: {  	v19 =	vadd.s32 $0x2850, v9;
	v20 =	vadd.s32 $0x3060, v9;
	v21 =	vadd.s32 $0x3870, v9;
	s8 =	simm.s32 $0x5;
	[smem:$0x7FC] =	sst s9;
	s9 =	simm.s32 $0x200  }
0x1ee: {  	v22 =	vor.u32 $0x4000, v9;
	v23 =	vadd.s32 $0x4810, v9;
	v24 =	vadd.s32 $0x5020, v9;
	[smem:$0x7FD] =	sst s26;
	s16 =	simm.s32 $0xFF00;
	s17 =	simm.s32 $0x10080  }
0x1ef: {  	v25 =	vadd.s32 $0x5830, v9;
	v26 =	vadd.s32 $0x6040, v9;
	v28 =	vadd.s32 $0x6850, v9;
	s18 =	simm.s32 $0xFF80;
	s19 =	simm.s32 $0x10000;
	s20 =	simm.s32 $0xFE80  }
0x1f0: {  	v29 =	vadd.s32 $0x7060, v9;
	v30 =	vadd.s32 $0x7870, v9;
	v31 =	vor.u32 $0x8000, v9;
	s22 =	simm.s32 $0xFC00;
	s23 =	simm.s32 $0xFC80;
	[smem:$0x7C7] =	sst s15  }
0x1f1: {  	v32 =	vadd.s32 $0x8810, v9;
	v34 =	vadd.s32 $0x9020, v9;
	v35 =	vadd.s32 $0x9830, v9;
	s24 =	simm.s32 $0xFD80;
	s25 =	simm.s32 $0xFD00;
	[smem:$0x7D4] =	sst s6  }
0x1f2: {  	v36 =	vadd.s32 $0xA040, v9;
	v37 =	vadd.s32 $0xA850, v9;
	v38 =	vadd.s32 $0xB060, v9;
	s26 =	simm.s32 $0xF980;
	[smem:$0x7D5] =	sst s7;
	s15 =	simm.s32 $0xE900  }
0x1f3: {  	v40 =	vadd.s32 $0xB870, v9;
	v41 =	vor.u32 $0xC000, v9;
	v42 =	vadd.s32 $0xC810, v9;
	s7 =	simm.s32 $0xEF80;
	s6 =	sadd.s32 $0x180, s3;
	[smem:$0x7DD] =	sst s15  }
0x1f4: {  	v43 =	vadd.s32 $0xD020, v9;
	v44 =	vadd.s32 $0xD830, v9;
	v45 =	vadd.s32 $0xE040, v9;
	[smem:$0x7EA] =	sst s7;
	s15 =	simm.s32 $0xF380;
	s7 =	smax.u32 s21, $0x1  }
0x1f5: {  	v46 =	vadd.s32 $0xE850, v9;
	v47 =	vadd.s32 $0xF060, v9;
	v48 =	vadd.s32 $0xF870, v9;
	s21 =	simm.s32 $0xFB80;
	[smem:$0x7F2] =	sst s15;
	s15 =	simm.s32 $0x10100  }
.LBB2_1:
0x1f6: {  	s0 =	rddreg [dreg:$0x4]  }
0x1f7: {  	[tilespmem:s2], [sflag:$0x5] =	stream.linear.gather [hbm4b:s0+s2], $0x200, $0x38;
	[tilespmem:$0x10400] =	vst v63  }
0x1f8: {  	_ =	swait.ge [sflag:s8], $0x200  }
0x1f9: {  	[sflag:s8] =	ssyncset.done $0x0  }
0x1fa: {  	[sflag:s8] =	ssyncadd.s32 $0xFFFFFE00  }
0x1fb: {  	v49 =	vld [tilespmem:$0x0];
	_ =	sdelay $0x4  }
0x1fc: {  	v50 =	vshll.u32 v49, $0x7  }
0x1fd: {  	v49 =	vand.u32 $0x7, v49;
	v50 =	vand.u32 $0xFFFFFC00, v50  }
0x1fe: {  	v49 =	vor.u32 v49, v50  }
0x1ff: {  	v50 =	vperm.xlane v49, v1;
	_ =	sdelay $0x1  }
0x200: {  	v51 =	vperm.xlane v49, v3;
	v50 =	vadd.s32 v2, v50;
	_ =	sdelay $0x1  }
0x201: {  	v52 =	vperm.xlane v49, v33;
	v51 =	vadd.s32 v2, v51;
	_ =	sdelay $0x1  }
0x202: {  	v53 =	vperm.xlane v49, v4;
	v52 =	vadd.s32 v2, v52  }
0x203: {  	[tilespmem:s9], [sflag:$0x1] =	stream.indirect_vreg.gather [hbm4b:s3+s2], $0x80, v50, vm0, $0xb8;
	[tilespmem:$0x10400] =	vst v63  }
0x204: {  	s0 =	rddreg [dreg:$0x6];
	v63 =	vperm.xlane v49, v5;
	v62 =	vadd.s32 v2, v53  }
0x205: {  	[tilespmem:s0], [sflag:$0x1] =	stream.indirect_vreg.gather [hbm4b:s3+s2], $0x80, v51, vm0, $0xb8;
	[tilespmem:$0x10400] =	vst v63  }
0x206: {  	s10 =	rddreg [dreg:$0x7];
	v57 =	vperm.xlane v49, v27;
	v56 =	vadd.s32 v2, v63  }
0x207: {  	[tilespmem:s10], [sflag:$0x1] =	stream.indirect_vreg.gather [hbm4b:s3+s2], $0x80, v52, vm0, $0xb8;
	[tilespmem:$0x10400] =	vst v63  }
0x208: {  	v59 =	vperm.xlane v49, v6;
	v58 =	vadd.s32 v2, v57;
	s0 =	rddreg [dreg:$0x8]  }
0x209: {  	[tilespmem:s0], [sflag:$0x1] =	stream.indirect_vreg.gather [hbm4b:s3+s2], $0x80, v62, vm0, $0xb8;
	[tilespmem:$0x10400] =	vst v63  }
0x20a: {  	v61 =	vperm.xlane v49, v0;
	v60 =	vadd.s32 v2, v59;
	s10 =	rddreg [dreg:$0x9]  }
0x20b: {  	[tilespmem:s10], [sflag:$0x1] =	stream.indirect_vreg.gather [hbm4b:s3+s2], $0x80, v56, vm0, $0xb8;
	[tilespmem:$0x10400] =	vst v63  }
0x20c: {  	v63 =	vperm.xlane v49, v7;
	s0 =	rddreg [dreg:$0xa];
	v62 =	vadd.s32 v2, v61  }
0x20d: {  	[tilespmem:s0], [sflag:$0x1] =	stream.indirect_vreg.gather [hbm4b:s3+s2], $0x80, v58, vm0, $0xb8;
	[tilespmem:$0x10400] =	vst v63  }
0x20e: {  	v57 =	vperm.xlane v49, v8;
	s10 =	rddreg [dreg:$0xb];
	v56 =	vadd.s32 v2, v63  }
0x20f: {  	[tilespmem:s10], [sflag:$0x1] =	stream.indirect_vreg.gather [hbm4b:s3+s2], $0x80, v60, vm0, $0xb8;
	[tilespmem:$0x10400] =	vst v63  }
0x210: {  	v59 =	vperm.xlane v49, v10;
	s0 =	rddreg [dreg:$0xc];
	v58 =	vadd.s32 v2, v57  }
0x211: {  	[tilespmem:s0], [sflag:$0x1] =	stream.indirect_vreg.gather [hbm4b:s3+s2], $0x80, v62, vm0, $0xb8;
	[tilespmem:$0x10400] =	vst v63  }
0x212: {  	v61 =	vperm.xlane v49, v11;
	s10 =	rddreg [dreg:$0xd];
	v60 =	vadd.s32 v2, v59  }
0x213: {  	[tilespmem:s10], [sflag:$0x1] =	stream.indirect_vreg.gather [hbm4b:s3+s2], $0x80, v56, vm0, $0xb8;
	[tilespmem:$0x10400] =	vst v63  }
0x214: {  	v63 =	vperm.xlane v49, v12;
	s0 =	rddreg [dreg:$0xe];
	v62 =	vadd.s32 v2, v61  }
0x215: {  	[tilespmem:s0], [sflag:$0x1] =	stream.indirect_vreg.gather [hbm4b:s3+s2], $0x80, v58, vm0, $0xb8;
	[tilespmem:$0x10400] =	vst v63  }
0x216: {  	v57 =	vperm.xlane v49, v13;
	s10 =	rddreg [dreg:$0xf];
	v56 =	vadd.s32 v2, v63  }
0x217: {  	[tilespmem:s10], [sflag:$0x1] =	stream.indirect_vreg.gather [hbm4b:s3+s2], $0x80, v60, vm0, $0xb8;
	[tilespmem:$0x10400] =	vst v63  }
0x218: {  	v59 =	vperm.xlane v49, v14;
	s0 =	rddreg [dreg:$0x10];
	v58 =	vadd.s32 v2, v57  }
0x219: {  	[tilespmem:s0], [sflag:$0x1] =	stream.indirect_vreg.gather [hbm4b:s3+s2], $0x80, v62, vm0, $0xb8;
	[tilespmem:$0x10400] =	vst v63  }
0x21a: {  	v49 =	vperm.xlane v49, v39;
	s10 =	rddreg [dreg:$0x11];
	v60 =	vadd.s32 v2, v59  }
0x21b: {  	[tilespmem:s10], [sflag:$0x1] =	stream.indirect_vreg.gather [hbm4b:s3+s2], $0x80, v56, vm0, $0xb8;
	[tilespmem:$0x10400] =	vst v63  }
0x21c: {  	v49 =	vadd.s32 v2, v49;
	s0 =	rddreg [dreg:$0x12]  }
0x21d: {  	[tilespmem:s0], [sflag:$0x1] =	stream.indirect_vreg.gather [hbm4b:s3+s2], $0x80, v58, vm0, $0xb8;
	[tilespmem:$0x10400] =	vst v63  }
0x21e: {  	s10 =	rddreg [dreg:$0x13]  }
0x21f: {  	[tilespmem:s10], [sflag:$0x1] =	stream.indirect_vreg.gather [hbm4b:s3+s2], $0x80, v60, vm0, $0xb8;
	[tilespmem:$0x10400] =	vst v63  }
0x220: {  	s0 =	rddreg [dreg:$0x14]  }
0x221: {  	[tilespmem:s0], [sflag:$0x1] =	stream.indirect_vreg.gather [hbm4b:s3+s2], $0x80, v49, vm0, $0xb8;
	[tilespmem:$0x10400] =	vst v63  }
0x222: {  	v49 =	vld [tilespmem:$0x10];
	_ =	sdelay $0x4  }
0x223: {  	v61 =	vshll.u32 v49, $0x7  }
0x224: {  	v49 =	vand.u32 $0x7, v49;
	v50 =	vand.u32 $0xFFFFFC00, v61  }
0x225: {  	v49 =	vor.u32 v49, v50  }
0x226: {  	v50 =	vperm.xlane v49, v1;
	_ =	sdelay $0x1  }
0x227: {  	v62 =	vperm.xlane v49, v3;
	v50 =	vadd.s32 v2, v50;
	_ =	sdelay $0x1  }
0x228: {  	v63 =	vperm.xlane v49, v33;
	v51 =	vadd.s32 v2, v62  }
0x229: {  	s10 =	rddreg [dreg:$0x16]  }
0x22a: {  	s0 =	rddreg [dreg:$0x15];
	v56 =	vperm.xlane v49, v4;
	v52 =	vadd.s32 v2, v63  }
0x22b: {  	[tilespmem:s0], [sflag:$0x1] =	stream.indirect_vreg.gather [hbm4b:s3+s2], $0x80, v50, vm0, $0xb8;
	[tilespmem:$0x10400] =	vst v63  }
0x22c: {  	v58 =	vperm.xlane v49, v5;
	v57 =	vadd.s32 v2, v56;
	s0 =	rddreg [dreg:$0x17]  }
0x22d: {  	[tilespmem:s10], [sflag:$0x1] =	stream.indirect_vreg.gather [hbm4b:s3+s2], $0x80, v51, vm0, $0xb8;
	[tilespmem:$0x10400] =	vst v63  }
0x22e: {  	v60 =	vperm.xlane v49, v27;
	v59 =	vadd.s32 v2, v58;
	s10 =	rddreg [dreg:$0x18]  }
0x22f: {  	[tilespmem:s0], [sflag:$0x1] =	stream.indirect_vreg.gather [hbm4b:s3+s2], $0x80, v52, vm0, $0xb8;
	[tilespmem:$0x10400] =	vst v63  }
0x230: {  	v61 =	vadd.s32 v2, v60;
	v62 =	vperm.xlane v49, v6;
	s0 =	rddreg [dreg:$0x19]  }
0x231: {  	[tilespmem:s10], [sflag:$0x1] =	stream.indirect_vreg.gather [hbm4b:s3+s2], $0x80, v57, vm0, $0xb8;
	[tilespmem:$0x10400] =	vst v63  }
0x232: {  	v56 =	vperm.xlane v49, v0;
	v63 =	vadd.s32 v2, v62;
	s10 =	rddreg [dreg:$0x1a]  }
0x233: {  	[tilespmem:s0], [sflag:$0x1] =	stream.indirect_vreg.gather [hbm4b:s3+s2], $0x80, v59, vm0, $0xb8;
	[tilespmem:$0x10400] =	vst v63  }
0x234: {  	v58 =	vperm.xlane v49, v7;
	v57 =	vadd.s32 v2, v56;
	s0 =	rddreg [dreg:$0x1b]  }
0x235: {  	[tilespmem:s10], [sflag:$0x1] =	stream.indirect_vreg.gather [hbm4b:s3+s2], $0x80, v61, vm0, $0xb8;
	[tilespmem:$0x10400] =	vst v63  }
0x236: {  	v60 =	vperm.xlane v49, v8;
	v59 =	vadd.s32 v2, v58;
	s10 =	rddreg [dreg:$0x1c]  }
0x237: {  	[tilespmem:s0], [sflag:$0x1] =	stream.indirect_vreg.gather [hbm4b:s3+s2], $0x80, v63, vm0, $0xb8;
	[tilespmem:$0x10400] =	vst v63  }
0x238: {  	v62 =	vperm.xlane v49, v10;
	v61 =	vadd.s32 v2, v60;
	s0 =	rddreg [dreg:$0x1d]  }
0x239: {  	[tilespmem:s10], [sflag:$0x1] =	stream.indirect_vreg.gather [hbm4b:s3+s2], $0x80, v57, vm0, $0xb8;
	[tilespmem:$0x10400] =	vst v63  }
0x23a: {  	v56 =	vperm.xlane v49, v11;
	v63 =	vadd.s32 v2, v62;
	s10 =	rddreg [dreg:$0x1e]  }
0x23b: {  	[tilespmem:s0], [sflag:$0x1] =	stream.indirect_vreg.gather [hbm4b:s3+s2], $0x80, v59, vm0, $0xb8;
	[tilespmem:$0x10400] =	vst v63  }
0x23c: {  	v58 =	vperm.xlane v49, v12;
	v57 =	vadd.s32 v2, v56;
	s0 =	rddreg [dreg:$0x1f]  }
0x23d: {  	[tilespmem:s10], [sflag:$0x1] =	stream.indirect_vreg.gather [hbm4b:s3+s2], $0x80, v61, vm0, $0xb8;
	[tilespmem:$0x10400] =	vst v63  }
0x23e: {  	v60 =	vperm.xlane v49, v13;
	v59 =	vadd.s32 v2, v58;
	s10 =	sld [smem:$0x62A]  }
0x23f: {  	[tilespmem:s0], [sflag:$0x1] =	stream.indirect_vreg.gather [hbm4b:s3+s2], $0x80, v63, vm0, $0xb8;
	[tilespmem:$0x10400] =	vst v63  }
0x240: {  	v62 =	vperm.xlane v49, v14;
	v61 =	vadd.s32 v2, v60;
	s0 =	sld [smem:$0x62B]  }
0x241: {  	[tilespmem:s10], [sflag:$0x1] =	stream.indirect_vreg.gather [hbm4b:s3+s2], $0x80, v57, vm0, $0xb8;
	[tilespmem:$0x10400] =	vst v63  }
0x242: {  	v49 =	vperm.xlane v49, v39;
	v63 =	vadd.s32 v2, v62;
	s10 =	sld [smem:$0x62C]  }
0x243: {  	[tilespmem:s0], [sflag:$0x1] =	stream.indirect_vreg.gather [hbm4b:s3+s2], $0x80, v59, vm0, $0xb8;
	[tilespmem:$0x10400] =	vst v63  }
0x244: {  	v49 =	vadd.s32 v2, v49;
	s0 =	sld [smem:$0x62D]  }
0x245: {  	[tilespmem:s10], [sflag:$0x1] =	stream.indirect_vreg.gather [hbm4b:s3+s2], $0x80, v61, vm0, $0xb8;
	[tilespmem:$0x10400] =	vst v63  }
0x246: {  	s10 =	sld [smem:$0x62E]  }
0x247: {  	[tilespmem:s0], [sflag:$0x1] =	stream.indirect_vreg.gather [hbm4b:s3+s2], $0x80, v63, vm0, $0xb8;
	[tilespmem:$0x10400] =	vst v63  }
0x248: {  	_ = 	snop  }
0x249: {  	[tilespmem:s10], [sflag:$0x1] =	stream.indirect_vreg.gather [hbm4b:s3+s2], $0x80, v49, vm0, $0xb8;
	[tilespmem:$0x10400] =	vst v63  }
0x24a: {  	v49 =	vld [tilespmem:$0x20];
	_ =	sdelay $0x4  }
0x24b: {  	v56 =	vshll.u32 v49, $0x7  }
0x24c: {  	v49 =	vand.u32 $0x7, v49;
	v50 =	vand.u32 $0xFFFFFC00, v56  }
0x24d: {  	v49 =	vor.u32 v49, v50  }
0x24e: {  	v50 =	vperm.xlane v49, v1;
	_ =	sdelay $0x1  }
0x24f: {  	v57 =	vperm.xlane v49, v3;
	v50 =	vadd.s32 v2, v50;
	_ =	sdelay $0x1  }
0x250: {  	s0 =	sld [smem:$0x62F];
	v58 =	vperm.xlane v49, v33;
	v51 =	vadd.s32 v2, v57;
	_ =	sdelay $0x1  }
0x251: {  	s10 =	sld [smem:$0x630];
	v59 =	vperm.xlane v49, v4;
	v52 =	vadd.s32 v2, v58  }
0x252: {  	[tilespmem:s0], [sflag:$0x1] =	stream.indirect_vreg.gather [hbm4b:s3+s2], $0x80, v50, vm0, $0xb8;
	[tilespmem:$0x10400] =	vst v63  }
0x253: {  	v61 =	vperm.xlane v49, v5;
	v60 =	vadd.s32 v2, v59;
	s0 =	sld [smem:$0x631]  }
0x254: {  	[tilespmem:s10], [sflag:$0x1] =	stream.indirect_vreg.gather [hbm4b:s3+s2], $0x80, v51, vm0, $0xb8;
	[tilespmem:$0x10400] =	vst v63  }
0x255: {  	v63 =	vperm.xlane v49, v27;
	v62 =	vadd.s32 v2, v61;
	s10 =	sld [smem:$0x632]  }
0x256: {  	[tilespmem:s0], [sflag:$0x1] =	stream.indirect_vreg.gather [hbm4b:s3+s2], $0x80, v52, vm0, $0xb8;
	[tilespmem:$0x10400] =	vst v63  }
0x257: {  	v56 =	vadd.s32 v2, v63;
	v57 =	vperm.xlane v49, v6;
	s0 =	sld [smem:$0x633]  }
0x258: {  	[tilespmem:s10], [sflag:$0x1] =	stream.indirect_vreg.gather [hbm4b:s3+s2], $0x80, v60, vm0, $0xb8;
	[tilespmem:$0x10400] =	vst v63  }
0x259: {  	v59 =	vperm.xlane v49, v0;
	v58 =	vadd.s32 v2, v57;
	s10 =	sld [smem:$0x634]  }
0x25a: {  	[tilespmem:s0], [sflag:$0x1] =	stream.indirect_vreg.gather [hbm4b:s3+s2], $0x80, v62, vm0, $0xb8;
	[tilespmem:$0x10400] =	vst v63  }
0x25b: {  	v61 =	vperm.xlane v49, v7;
	v60 =	vadd.s32 v2, v59;
	s0 =	sld [smem:$0x635]  }
0x25c: {  	[tilespmem:s10], [sflag:$0x1] =	stream.indirect_vreg.gather [hbm4b:s3+s2], $0x80, v56, vm0, $0xb8;
	[tilespmem:$0x10400] =	vst v63  }
0x25d: {  	v63 =	vperm.xlane v49, v8;
	v62 =	vadd.s32 v2, v61;
	s10 =	sld [smem:$0x636]  }
0x25e: {  	[tilespmem:s0], [sflag:$0x1] =	stream.indirect_vreg.gather [hbm4b:s3+s2], $0x80, v58, vm0, $0xb8;
	[tilespmem:$0x10400] =	vst v63  }
0x25f: {  	v57 =	vperm.xlane v49, v10;
	v56 =	vadd.s32 v2, v63;
	s0 =	sld [smem:$0x637]  }
0x260: {  	[tilespmem:s10], [sflag:$0x1] =	stream.indirect_vreg.gather [hbm4b:s3+s2], $0x80, v60, vm0, $0xb8;
	[tilespmem:$0x10400] =	vst v63  }
0x261: {  	v59 =	vperm.xlane v49, v11;
	v58 =	vadd.s32 v2, v57;
	s10 =	sld [smem:$0x638]  }
0x262: {  	[tilespmem:s0], [sflag:$0x1] =	stream.indirect_vreg.gather [hbm4b:s3+s2], $0x80, v62, vm0, $0xb8;
	[tilespmem:$0x10400] =	vst v63  }
0x263: {  	v61 =	vperm.xlane v49, v12;
	v60 =	vadd.s32 v2, v59;
	s0 =	sld [smem:$0x639]  }
0x264: {  	[tilespmem:s10], [sflag:$0x1] =	stream.indirect_vreg.gather [hbm4b:s3+s2], $0x80, v56, vm0, $0xb8;
	[tilespmem:$0x10400] =	vst v63  }
0x265: {  	v63 =	vperm.xlane v49, v13;
	v62 =	vadd.s32 v2, v61;
	s10 =	sld [smem:$0x63A]  }
0x266: {  	[tilespmem:s0], [sflag:$0x1] =	stream.indirect_vreg.gather [hbm4b:s3+s2], $0x80, v58, vm0, $0xb8;
	[tilespmem:$0x10400] =	vst v63  }
0x267: {  	v57 =	vperm.xlane v49, v14;
	v56 =	vadd.s32 v2, v63;
	s0 =	sld [smem:$0x63B]  }
0x268: {  	[tilespmem:s10], [sflag:$0x1] =	stream.indirect_vreg.gather [hbm4b:s3+s2], $0x80, v60, vm0, $0xb8;
	[tilespmem:$0x10400] =	vst v63  }
0x269: {  	v49 =	vperm.xlane v49, v39;
	v58 =	vadd.s32 v2, v57;
	s10 =	sld [smem:$0x63C]  }
0x26a: {  	[tilespmem:s0], [sflag:$0x1] =	stream.indirect_vreg.gather [hbm4b:s3+s2], $0x80, v62, vm0, $0xb8;
	[tilespmem:$0x10400] =	vst v63  }
0x26b: {  	v49 =	vadd.s32 v2, v49;
	s0 =	sld [smem:$0x63D]  }
0x26c: {  	[tilespmem:s10], [sflag:$0x1] =	stream.indirect_vreg.gather [hbm4b:s3+s2], $0x80, v56, vm0, $0xb8;
	[tilespmem:$0x10400] =	vst v63  }
0x26d: {  	s10 =	sld [smem:$0x63E]  }
0x26e: {  	[tilespmem:s0], [sflag:$0x1] =	stream.indirect_vreg.gather [hbm4b:s3+s2], $0x80, v58, vm0, $0xb8;
	[tilespmem:$0x10400] =	vst v63  }
0x26f: {  	_ = 	snop  }
0x270: {  	[tilespmem:s10], [sflag:$0x1] =	stream.indirect_vreg.gather [hbm4b:s3+s2], $0x80, v49, vm0, $0xb8;
	[tilespmem:$0x10400] =	vst v63  }
0x271: {  	v49 =	vld [tilespmem:$0x30];
	_ =	sdelay $0x4  }
0x272: {  	v59 =	vshll.u32 v49, $0x7  }
0x273: {  	v49 =	vand.u32 $0x7, v49;
	v50 =	vand.u32 $0xFFFFFC00, v59  }
0x274: {  	v49 =	vor.u32 v49, v50  }
0x275: {  	v50 =	vperm.xlane v49, v1;
	_ =	sdelay $0x1  }
0x276: {  	v60 =	vperm.xlane v49, v3;
	v50 =	vadd.s32 v2, v50;
	_ =	sdelay $0x1  }
0x277: {  	s0 =	sld [smem:$0x63F];
	v61 =	vperm.xlane v49, v33;
	v51 =	vadd.s32 v2, v60;
	_ =	sdelay $0x1  }
0x278: {  	s10 =	sld [smem:$0x640];
	v62 =	vperm.xlane v49, v4;
	v52 =	vadd.s32 v2, v61  }
0x279: {  	[tilespmem:s0], [sflag:$0x1] =	stream.indirect_vreg.gather [hbm4b:s3+s2], $0x80, v50, vm0, $0xb8;
	[tilespmem:$0x10400] =	vst v63  }
0x27a: {  	v56 =	vperm.xlane v49, v5;
	v63 =	vadd.s32 v2, v62;
	s0 =	sld [smem:$0x641]  }
0x27b: {  	[tilespmem:s10], [sflag:$0x1] =	stream.indirect_vreg.gather [hbm4b:s3+s2], $0x80, v51, vm0, $0xb8;
	[tilespmem:$0x10400] =	vst v63  }
0x27c: {  	v58 =	vperm.xlane v49, v27;
	v57 =	vadd.s32 v2, v56;
	s10 =	sld [smem:$0x642]  }
0x27d: {  	[tilespmem:s0], [sflag:$0x1] =	stream.indirect_vreg.gather [hbm4b:s3+s2], $0x80, v52, vm0, $0xb8;
	[tilespmem:$0x10400] =	vst v63  }
0x27e: {  	v59 =	vadd.s32 v2, v58;
	v60 =	vperm.xlane v49, v6;
	s0 =	sld [smem:$0x643]  }
0x27f: {  	[tilespmem:s10], [sflag:$0x1] =	stream.indirect_vreg.gather [hbm4b:s3+s2], $0x80, v63, vm0, $0xb8;
	[tilespmem:$0x10400] =	vst v63  }
0x280: {  	v62 =	vperm.xlane v49, v0;
	v61 =	vadd.s32 v2, v60;
	s10 =	sld [smem:$0x644]  }
0x281: {  	[tilespmem:s0], [sflag:$0x1] =	stream.indirect_vreg.gather [hbm4b:s3+s2], $0x80, v57, vm0, $0xb8;
	[tilespmem:$0x10400] =	vst v63  }
0x282: {  	v63 =	vadd.s32 v2, v62;
	s0 =	sld [smem:$0x645]  }
0x283: {  	[tilespmem:s10], [sflag:$0x1] =	stream.indirect_vreg.gather [hbm4b:s3+s2], $0x80, v59, vm0, $0xb8;
	[tilespmem:$0x10400] =	vst v63  }
0x284: {  	v56 =	vperm.xlane v49, v7;
	s10 =	sld [smem:$0x646]  }
0x285: {  	[tilespmem:s0], [sflag:$0x1] =	stream.indirect_vreg.gather [hbm4b:s3+s2], $0x80, v61, vm0, $0xb8;
	[tilespmem:$0x10400] =	vst v63  }
0x286: {  	v58 =	vperm.xlane v49, v8;
	v57 =	vadd.s32 v2, v56  }
0x287: {  	[tilespmem:s10], [sflag:$0x1] =	stream.indirect_vreg.gather [hbm4b:s3+s2], $0x80, v63, vm0, $0xb8;
	[tilespmem:$0x10400] =	vst v63  }
0x288: {  	v60 =	vperm.xlane v49, v10;
	v59 =	vadd.s32 v2, v58;
	s0 =	sld [smem:$0x647];
	_ =	sdelay $0x1  }
0x289: {  	v52 =	vadd.s32 v2, v60;
	v61 =	vperm.xlane v49, v11;
	s10 =	sld [smem:$0x648]  }
0x28a: {  	[tilespmem:s0], [sflag:$0x1] =	stream.indirect_vreg.gather [hbm4b:s3+s2], $0x80, v57, vm0, $0xb8;
	[tilespmem:$0x10400] =	vst v63  }
0x28b: {  	v62 =	vadd.s32 v2, v61;
	v63 =	vperm.xlane v49, v12;
	s0 =	sld [smem:$0x649]  }
0x28c: {  	[tilespmem:s10], [sflag:$0x1] =	stream.indirect_vreg.gather [hbm4b:s3+s2], $0x80, v59, vm0, $0xb8;
	[tilespmem:$0x10400] =	vst v63  }
0x28d: {  	v56 =	vadd.s32 v2, v63;
	v57 =	vperm.xlane v49, v13;
	s10 =	sld [smem:$0x64A]  }
0x28e: {  	[tilespmem:s0], [sflag:$0x1] =	stream.indirect_vreg.gather [hbm4b:s3+s2], $0x80, v52, vm0, $0xb8;
	[tilespmem:$0x10400] =	vst v63  }
0x28f: {  	v58 =	vadd.s32 v2, v57;
	v59 =	vperm.xlane v49, v14;
	s0 =	sld [smem:$0x64B]  }
0x290: {  	[tilespmem:s10], [sflag:$0x1] =	stream.indirect_vreg.gather [hbm4b:s3+s2], $0x80, v62, vm0, $0xb8;
	[tilespmem:$0x10400] =	vst v63  }
0x291: {  	v49 =	vperm.xlane v49, v39;
	v60 =	vadd.s32 v2, v59;
	s10 =	sld [smem:$0x64C]  }
0x292: {  	[tilespmem:s0], [sflag:$0x1] =	stream.indirect_vreg.gather [hbm4b:s3+s2], $0x80, v56, vm0, $0xb8;
	[tilespmem:$0x10400] =	vst v63  }
0x293: {  	v49 =	vadd.s32 v2, v49;
	s0 =	sld [smem:$0x64D]  }
0x294: {  	[tilespmem:s10], [sflag:$0x1] =	stream.indirect_vreg.gather [hbm4b:s3+s2], $0x80, v58, vm0, $0xb8;
	[tilespmem:$0x10400] =	vst v63  }
0x295: {  	s10 =	sld [smem:$0x64E]  }
0x296: {  	[tilespmem:s0], [sflag:$0x1] =	stream.indirect_vreg.gather [hbm4b:s3+s2], $0x80, v60, vm0, $0xb8;
	[tilespmem:$0x10400] =	vst v63  }
0x297: {  	_ = 	snop  }
0x298: {  	[tilespmem:s10], [sflag:$0x1] =	stream.indirect_vreg.gather [hbm4b:s3+s2], $0x80, v49, vm0, $0xb8;
	[tilespmem:$0x10400] =	vst v63  }
0x299: {  	v49 =	vld [tilespmem:$0x40];
	_ =	sdelay $0x4  }
0x29a: {  	v61 =	vshll.u32 v49, $0x7  }
0x29b: {  	v49 =	vand.u32 $0x7, v49;
	v50 =	vand.u32 $0xFFFFFC00, v61  }
0x29c: {  	v49 =	vor.u32 v49, v50  }
0x29d: {  	v50 =	vperm.xlane v49, v1;
	_ =	sdelay $0x1  }
0x29e: {  	v62 =	vperm.xlane v49, v3;
	v50 =	vadd.s32 v2, v50;
	_ =	sdelay $0x1  }
0x29f: {  	s0 =	sld [smem:$0x64F];
	v63 =	vperm.xlane v49, v33;
	v51 =	vadd.s32 v2, v62;
	_ =	sdelay $0x1  }
0x2a0: {  	s10 =	sld [smem:$0x650];
	v56 =	vperm.xlane v49, v4;
	v52 =	vadd.s32 v2, v63  }
0x2a1: {  	[tilespmem:s0], [sflag:$0x1] =	stream.indirect_vreg.gather [hbm4b:s3+s2], $0x80, v50, vm0, $0xb8;
	[tilespmem:$0x10400] =	vst v63  }
0x2a2: {  	v58 =	vperm.xlane v49, v5;
	v57 =	vadd.s32 v2, v56;
	s0 =	sld [smem:$0x651]  }
0x2a3: {  	[tilespmem:s10], [sflag:$0x1] =	stream.indirect_vreg.gather [hbm4b:s3+s2], $0x80, v51, vm0, $0xb8;
	[tilespmem:$0x10400] =	vst v63  }
0x2a4: {  	v60 =	vperm.xlane v49, v27;
	v59 =	vadd.s32 v2, v58;
	s10 =	sld [smem:$0x652]  }
0x2a5: {  	[tilespmem:s0], [sflag:$0x1] =	stream.indirect_vreg.gather [hbm4b:s3+s2], $0x80, v52, vm0, $0xb8;
	[tilespmem:$0x10400] =	vst v63  }
0x2a6: {  	v61 =	vadd.s32 v2, v60;
	v62 =	vperm.xlane v49, v6;
	s0 =	sld [smem:$0x653]  }
0x2a7: {  	[tilespmem:s10], [sflag:$0x1] =	stream.indirect_vreg.gather [hbm4b:s3+s2], $0x80, v57, vm0, $0xb8;
	[tilespmem:$0x10400] =	vst v63  }
0x2a8: {  	v56 =	vperm.xlane v49, v0;
	v63 =	vadd.s32 v2, v62;
	s10 =	sld [smem:$0x654]  }
0x2a9: {  	[tilespmem:s0], [sflag:$0x1] =	stream.indirect_vreg.gather [hbm4b:s3+s2], $0x80, v59, vm0, $0xb8;
	[tilespmem:$0x10400] =	vst v63  }
0x2aa: {  	v58 =	vperm.xlane v49, v7;
	v57 =	vadd.s32 v2, v56;
	s0 =	sld [smem:$0x655]  }
0x2ab: {  	[tilespmem:s10], [sflag:$0x1] =	stream.indirect_vreg.gather [hbm4b:s3+s2], $0x80, v61, vm0, $0xb8;
	[tilespmem:$0x10400] =	vst v63  }
0x2ac: {  	v60 =	vperm.xlane v49, v8;
	v59 =	vadd.s32 v2, v58;
	s10 =	sld [smem:$0x656]  }
0x2ad: {  	[tilespmem:s0], [sflag:$0x1] =	stream.indirect_vreg.gather [hbm4b:s3+s2], $0x80, v63, vm0, $0xb8;
	[tilespmem:$0x10400] =	vst v63  }
0x2ae: {  	v62 =	vperm.xlane v49, v10;
	v61 =	vadd.s32 v2, v60;
	s0 =	sld [smem:$0x657]  }
0x2af: {  	[tilespmem:s10], [sflag:$0x1] =	stream.indirect_vreg.gather [hbm4b:s3+s2], $0x80, v57, vm0, $0xb8;
	[tilespmem:$0x10400] =	vst v63  }
0x2b0: {  	v56 =	vperm.xlane v49, v11;
	v63 =	vadd.s32 v2, v62;
	s10 =	sld [smem:$0x658]  }
0x2b1: {  	[tilespmem:s0], [sflag:$0x1] =	stream.indirect_vreg.gather [hbm4b:s3+s2], $0x80, v59, vm0, $0xb8;
	[tilespmem:$0x10400] =	vst v63  }
0x2b2: {  	v58 =	vperm.xlane v49, v12;
	v57 =	vadd.s32 v2, v56;
	s0 =	sld [smem:$0x659]  }
0x2b3: {  	[tilespmem:s10], [sflag:$0x1] =	stream.indirect_vreg.gather [hbm4b:s3+s2], $0x80, v61, vm0, $0xb8;
	[tilespmem:$0x10400] =	vst v63  }
0x2b4: {  	v60 =	vperm.xlane v49, v13;
	v59 =	vadd.s32 v2, v58;
	s10 =	sld [smem:$0x65A]  }
0x2b5: {  	[tilespmem:s0], [sflag:$0x1] =	stream.indirect_vreg.gather [hbm4b:s3+s2], $0x80, v63, vm0, $0xb8;
	[tilespmem:$0x10400] =	vst v63  }
0x2b6: {  	v62 =	vperm.xlane v49, v14;
	v61 =	vadd.s32 v2, v60;
	s0 =	sld [smem:$0x65B]  }
0x2b7: {  	[tilespmem:s10], [sflag:$0x1] =	stream.indirect_vreg.gather [hbm4b:s3+s2], $0x80, v57, vm0, $0xb8;
	[tilespmem:$0x10400] =	vst v63  }
0x2b8: {  	v49 =	vperm.xlane v49, v39;
	v63 =	vadd.s32 v2, v62;
	s10 =	sld [smem:$0x65C]  }
0x2b9: {  	[tilespmem:s0], [sflag:$0x1] =	stream.indirect_vreg.gather [hbm4b:s3+s2], $0x80, v59, vm0, $0xb8;
	[tilespmem:$0x10400] =	vst v63  }
0x2ba: {  	v49 =	vadd.s32 v2, v49;
	s0 =	sld [smem:$0x65D]  }
0x2bb: {  	[tilespmem:s10], [sflag:$0x1] =	stream.indirect_vreg.gather [hbm4b:s3+s2], $0x80, v61, vm0, $0xb8;
	[tilespmem:$0x10400] =	vst v63  }
0x2bc: {  	s10 =	sld [smem:$0x65E]  }
0x2bd: {  	[tilespmem:s0], [sflag:$0x1] =	stream.indirect_vreg.gather [hbm4b:s3+s2], $0x80, v63, vm0, $0xb8;
	[tilespmem:$0x10400] =	vst v63  }
0x2be: {  	_ = 	snop  }
0x2bf: {  	[tilespmem:s10], [sflag:$0x1] =	stream.indirect_vreg.gather [hbm4b:s3+s2], $0x80, v49, vm0, $0xb8;
	[tilespmem:$0x10400] =	vst v63  }
0x2c0: {  	v49 =	vld [tilespmem:$0x50];
	_ =	sdelay $0x4  }
0x2c1: {  	v55 =	vshll.u32 v49, $0x7  }
0x2c2: {  	v49 =	vand.u32 $0x7, v49;
	v50 =	vand.u32 $0xFFFFFC00, v55  }
0x2c3: {  	v49 =	vor.u32 v49, v50  }
0x2c4: {  	v50 =	vperm.xlane v49, v1;
	_ =	sdelay $0x1  }
0x2c5: {  	v56 =	vperm.xlane v49, v3;
	v50 =	vadd.s32 v2, v50;
	_ =	sdelay $0x1  }
0x2c6: {  	s0 =	sld [smem:$0x65F];
	v57 =	vperm.xlane v49, v33;
	v51 =	vadd.s32 v2, v56;
	_ =	sdelay $0x1  }
0x2c7: {  	s10 =	sld [smem:$0x660];
	v58 =	vperm.xlane v49, v4;
	v52 =	vadd.s32 v2, v57  }
0x2c8: {  	[tilespmem:s0], [sflag:$0x1] =	stream.indirect_vreg.gather [hbm4b:s3+s2], $0x80, v50, vm0, $0xb8;
	[tilespmem:$0x10400] =	vst v63  }
0x2c9: {  	v60 =	vperm.xlane v49, v5;
	v59 =	vadd.s32 v2, v58;
	s0 =	sld [smem:$0x661]  }
0x2ca: {  	[tilespmem:s10], [sflag:$0x1] =	stream.indirect_vreg.gather [hbm4b:s3+s2], $0x80, v51, vm0, $0xb8;
	[tilespmem:$0x10400] =	vst v63  }
0x2cb: {  	v62 =	vperm.xlane v49, v27;
	v61 =	vadd.s32 v2, v60;
	s10 =	sld [smem:$0x662]  }
0x2cc: {  	[tilespmem:s0], [sflag:$0x1] =	stream.indirect_vreg.gather [hbm4b:s3+s2], $0x80, v52, vm0, $0xb8;
	[tilespmem:$0x10400] =	vst v63  }
0x2cd: {  	v63 =	vadd.s32 v2, v62;
	v56 =	vperm.xlane v49, v6;
	s0 =	sld [smem:$0x663]  }
0x2ce: {  	[tilespmem:s10], [sflag:$0x1] =	stream.indirect_vreg.gather [hbm4b:s3+s2], $0x80, v59, vm0, $0xb8;
	[tilespmem:$0x10400] =	vst v63  }
0x2cf: {  	v58 =	vperm.xlane v49, v0;
	v57 =	vadd.s32 v2, v56;
	s10 =	sld [smem:$0x664]  }
0x2d0: {  	[tilespmem:s0], [sflag:$0x1] =	stream.indirect_vreg.gather [hbm4b:s3+s2], $0x80, v61, vm0, $0xb8;
	[tilespmem:$0x10400] =	vst v63  }
0x2d1: {  	v60 =	vperm.xlane v49, v7;
	v59 =	vadd.s32 v2, v58;
	s0 =	sld [smem:$0x665]  }
0x2d2: {  	[tilespmem:s10], [sflag:$0x1] =	stream.indirect_vreg.gather [hbm4b:s3+s2], $0x80, v63, vm0, $0xb8;
	[tilespmem:$0x10400] =	vst v63  }
0x2d3: {  	v62 =	vperm.xlane v49, v8;
	v61 =	vadd.s32 v2, v60;
	s10 =	sld [smem:$0x666]  }
0x2d4: {  	[tilespmem:s0], [sflag:$0x1] =	stream.indirect_vreg.gather [hbm4b:s3+s2], $0x80, v57, vm0, $0xb8;
	[tilespmem:$0x10400] =	vst v63  }
0x2d5: {  	v56 =	vperm.xlane v49, v10;
	v63 =	vadd.s32 v2, v62;
	s0 =	sld [smem:$0x667]  }
0x2d6: {  	[tilespmem:s10], [sflag:$0x1] =	stream.indirect_vreg.gather [hbm4b:s3+s2], $0x80, v59, vm0, $0xb8;
	[tilespmem:$0x10400] =	vst v63  }
0x2d7: {  	v58 =	vperm.xlane v49, v11;
	v57 =	vadd.s32 v2, v56;
	s10 =	sld [smem:$0x668]  }
0x2d8: {  	[tilespmem:s0], [sflag:$0x1] =	stream.indirect_vreg.gather [hbm4b:s3+s2], $0x80, v61, vm0, $0xb8;
	[tilespmem:$0x10400] =	vst v63  }
0x2d9: {  	v60 =	vperm.xlane v49, v12;
	v59 =	vadd.s32 v2, v58;
	s0 =	sld [smem:$0x669]  }
0x2da: {  	[tilespmem:s10], [sflag:$0x1] =	stream.indirect_vreg.gather [hbm4b:s3+s2], $0x80, v63, vm0, $0xb8;
	[tilespmem:$0x10400] =	vst v63  }
0x2db: {  	v62 =	vperm.xlane v49, v13;
	v61 =	vadd.s32 v2, v60;
	s10 =	sld [smem:$0x66A]  }
0x2dc: {  	[tilespmem:s0], [sflag:$0x1] =	stream.indirect_vreg.gather [hbm4b:s3+s2], $0x80, v57, vm0, $0xb8;
	[tilespmem:$0x10400] =	vst v63  }
0x2dd: {  	v56 =	vperm.xlane v49, v14;
	v63 =	vadd.s32 v2, v62;
	s0 =	sld [smem:$0x66B]  }
0x2de: {  	[tilespmem:s10], [sflag:$0x1] =	stream.indirect_vreg.gather [hbm4b:s3+s2], $0x80, v59, vm0, $0xb8;
	[tilespmem:$0x10400] =	vst v63  }
0x2df: {  	v49 =	vperm.xlane v49, v39;
	v57 =	vadd.s32 v2, v56;
	s10 =	sld [smem:$0x66C]  }
0x2e0: {  	[tilespmem:s0], [sflag:$0x1] =	stream.indirect_vreg.gather [hbm4b:s3+s2], $0x80, v61, vm0, $0xb8;
	[tilespmem:$0x10400] =	vst v63  }
0x2e1: {  	v49 =	vadd.s32 v2, v49;
	s0 =	sld [smem:$0x66D]  }
0x2e2: {  	[tilespmem:s10], [sflag:$0x1] =	stream.indirect_vreg.gather [hbm4b:s3+s2], $0x80, v63, vm0, $0xb8;
	[tilespmem:$0x10400] =	vst v63  }
0x2e3: {  	s10 =	sld [smem:$0x66E]  }
0x2e4: {  	[tilespmem:s0], [sflag:$0x1] =	stream.indirect_vreg.gather [hbm4b:s3+s2], $0x80, v57, vm0, $0xb8;
	[tilespmem:$0x10400] =	vst v63  }
0x2e5: {  	_ = 	snop  }
0x2e6: {  	[tilespmem:s10], [sflag:$0x1] =	stream.indirect_vreg.gather [hbm4b:s3+s2], $0x80, v49, vm0, $0xb8;
	[tilespmem:$0x10400] =	vst v63  }
0x2e7: {  	v49 =	vld [tilespmem:$0x60];
	_ =	sdelay $0x4  }
0x2e8: {  	v58 =	vshll.u32 v49, $0x7  }
0x2e9: {  	v49 =	vand.u32 $0x7, v49;
	v50 =	vand.u32 $0xFFFFFC00, v58  }
0x2ea: {  	v49 =	vor.u32 v49, v50  }
0x2eb: {  	v50 =	vperm.xlane v49, v1;
	_ =	sdelay $0x1  }
0x2ec: {  	v59 =	vperm.xlane v49, v3;
	v50 =	vadd.s32 v2, v50;
	_ =	sdelay $0x1  }
0x2ed: {  	s0 =	sld [smem:$0x66F];
	v60 =	vperm.xlane v49, v33;
	v51 =	vadd.s32 v2, v59;
	_ =	sdelay $0x1  }
0x2ee: {  	s10 =	sld [smem:$0x670];
	v61 =	vperm.xlane v49, v4;
	v52 =	vadd.s32 v2, v60  }
0x2ef: {  	[tilespmem:s0], [sflag:$0x1] =	stream.indirect_vreg.gather [hbm4b:s3+s2], $0x80, v50, vm0, $0xb8;
	[tilespmem:$0x10400] =	vst v63  }
0x2f0: {  	v63 =	vperm.xlane v49, v5;
	v62 =	vadd.s32 v2, v61;
	s0 =	sld [smem:$0x671]  }
0x2f1: {  	[tilespmem:s10], [sflag:$0x1] =	stream.indirect_vreg.gather [hbm4b:s3+s2], $0x80, v51, vm0, $0xb8;
	[tilespmem:$0x10400] =	vst v63  }
0x2f2: {  	v57 =	vperm.xlane v49, v27;
	v56 =	vadd.s32 v2, v63;
	s10 =	sld [smem:$0x672]  }
0x2f3: {  	[tilespmem:s0], [sflag:$0x1] =	stream.indirect_vreg.gather [hbm4b:s3+s2], $0x80, v52, vm0, $0xb8;
	[tilespmem:$0x10400] =	vst v63  }
0x2f4: {  	v58 =	vadd.s32 v2, v57;
	v59 =	vperm.xlane v49, v6;
	s0 =	sld [smem:$0x673]  }
0x2f5: {  	[tilespmem:s10], [sflag:$0x1] =	stream.indirect_vreg.gather [hbm4b:s3+s2], $0x80, v62, vm0, $0xb8;
	[tilespmem:$0x10400] =	vst v63  }
0x2f6: {  	v61 =	vperm.xlane v49, v0;
	v60 =	vadd.s32 v2, v59;
	s10 =	sld [smem:$0x674]  }
0x2f7: {  	[tilespmem:s0], [sflag:$0x1] =	stream.indirect_vreg.gather [hbm4b:s3+s2], $0x80, v56, vm0, $0xb8;
	[tilespmem:$0x10400] =	vst v63  }
0x2f8: {  	v63 =	vperm.xlane v49, v7;
	v62 =	vadd.s32 v2, v61;
	s0 =	sld [smem:$0x675]  }
0x2f9: {  	[tilespmem:s10], [sflag:$0x1] =	stream.indirect_vreg.gather [hbm4b:s3+s2], $0x80, v58, vm0, $0xb8;
	[tilespmem:$0x10400] =	vst v63  }
0x2fa: {  	v57 =	vperm.xlane v49, v8;
	v56 =	vadd.s32 v2, v63;
	s10 =	sld [smem:$0x676]  }
0x2fb: {  	[tilespmem:s0], [sflag:$0x1] =	stream.indirect_vreg.gather [hbm4b:s3+s2], $0x80, v60, vm0, $0xb8;
	[tilespmem:$0x10400] =	vst v63  }
0x2fc: {  	v59 =	vperm.xlane v49, v10;
	v58 =	vadd.s32 v2, v57;
	s0 =	sld [smem:$0x677]  }
0x2fd: {  	[tilespmem:s10], [sflag:$0x1] =	stream.indirect_vreg.gather [hbm4b:s3+s2], $0x80, v62, vm0, $0xb8;
	[tilespmem:$0x10400] =	vst v63  }
0x2fe: {  	v61 =	vperm.xlane v49, v11;
	v60 =	vadd.s32 v2, v59;
	s10 =	sld [smem:$0x678]  }
0x2ff: {  	[tilespmem:s0], [sflag:$0x1] =	stream.indirect_vreg.gather [hbm4b:s3+s2], $0x80, v56, vm0, $0xb8;
	[tilespmem:$0x10400] =	vst v63  }
0x300: {  	v63 =	vperm.xlane v49, v12;
	v62 =	vadd.s32 v2, v61;
	s0 =	sld [smem:$0x679]  }
0x301: {  	[tilespmem:s10], [sflag:$0x1] =	stream.indirect_vreg.gather [hbm4b:s3+s2], $0x80, v58, vm0, $0xb8;
	[tilespmem:$0x10400] =	vst v63  }
0x302: {  	v57 =	vperm.xlane v49, v13;
	v56 =	vadd.s32 v2, v63;
	s10 =	sld [smem:$0x67A]  }
0x303: {  	[tilespmem:s0], [sflag:$0x1] =	stream.indirect_vreg.gather [hbm4b:s3+s2], $0x80, v60, vm0, $0xb8;
	[tilespmem:$0x10400] =	vst v63  }
0x304: {  	v59 =	vperm.xlane v49, v14;
	v58 =	vadd.s32 v2, v57;
	s0 =	sld [smem:$0x67B]  }
0x305: {  	[tilespmem:s10], [sflag:$0x1] =	stream.indirect_vreg.gather [hbm4b:s3+s2], $0x80, v62, vm0, $0xb8;
	[tilespmem:$0x10400] =	vst v63  }
0x306: {  	v49 =	vperm.xlane v49, v39;
	v60 =	vadd.s32 v2, v59;
	s10 =	sld [smem:$0x67C]  }
0x307: {  	[tilespmem:s0], [sflag:$0x1] =	stream.indirect_vreg.gather [hbm4b:s3+s2], $0x80, v56, vm0, $0xb8;
	[tilespmem:$0x10400] =	vst v63  }
0x308: {  	v49 =	vadd.s32 v2, v49;
	s0 =	sld [smem:$0x67D]  }
0x309: {  	[tilespmem:s10], [sflag:$0x1] =	stream.indirect_vreg.gather [hbm4b:s3+s2], $0x80, v58, vm0, $0xb8;
	[tilespmem:$0x10400] =	vst v63  }
0x30a: {  	s10 =	sld [smem:$0x67E]  }
0x30b: {  	[tilespmem:s0], [sflag:$0x1] =	stream.indirect_vreg.gather [hbm4b:s3+s2], $0x80, v60, vm0, $0xb8;
	[tilespmem:$0x10400] =	vst v63  }
0x30c: {  	_ = 	snop  }
0x30d: {  	[tilespmem:s10], [sflag:$0x1] =	stream.indirect_vreg.gather [hbm4b:s3+s2], $0x80, v49, vm0, $0xb8;
	[tilespmem:$0x10400] =	vst v63  }
0x30e: {  	v49 =	vld [tilespmem:$0x70];
	_ =	sdelay $0x4  }
0x30f: {  	v61 =	vshll.u32 v49, $0x7  }
0x310: {  	v49 =	vand.u32 $0x7, v49;
	v50 =	vand.u32 $0xFFFFFC00, v61  }
0x311: {  	v49 =	vor.u32 v49, v50  }
0x312: {  	v50 =	vperm.xlane v49, v1;
	_ =	sdelay $0x1  }
0x313: {  	v62 =	vperm.xlane v49, v3;
	v50 =	vadd.s32 v2, v50;
	_ =	sdelay $0x1  }
0x314: {  	s0 =	sld [smem:$0x67F];
	v63 =	vperm.xlane v49, v33;
	v51 =	vadd.s32 v2, v62;
	_ =	sdelay $0x1  }
0x315: {  	s10 =	sld [smem:$0x680];
	v56 =	vperm.xlane v49, v4;
	v52 =	vadd.s32 v2, v63  }
0x316: {  	[tilespmem:s0], [sflag:$0x1] =	stream.indirect_vreg.gather [hbm4b:s3+s2], $0x80, v50, vm0, $0xb8;
	[tilespmem:$0x10400] =	vst v63  }
0x317: {  	v58 =	vperm.xlane v49, v5;
	v57 =	vadd.s32 v2, v56;
	s0 =	sld [smem:$0x681]  }
0x318: {  	[tilespmem:s10], [sflag:$0x1] =	stream.indirect_vreg.gather [hbm4b:s3+s2], $0x80, v51, vm0, $0xb8;
	[tilespmem:$0x10400] =	vst v63  }
0x319: {  	v60 =	vperm.xlane v49, v27;
	v59 =	vadd.s32 v2, v58;
	s10 =	sld [smem:$0x682]  }
0x31a: {  	[tilespmem:s0], [sflag:$0x1] =	stream.indirect_vreg.gather [hbm4b:s3+s2], $0x80, v52, vm0, $0xb8;
	[tilespmem:$0x10400] =	vst v63  }
0x31b: {  	v61 =	vadd.s32 v2, v60;
	v62 =	vperm.xlane v49, v6;
	s0 =	sld [smem:$0x683]  }
0x31c: {  	[tilespmem:s10], [sflag:$0x1] =	stream.indirect_vreg.gather [hbm4b:s3+s2], $0x80, v57, vm0, $0xb8;
	[tilespmem:$0x10400] =	vst v63  }
0x31d: {  	v56 =	vperm.xlane v49, v0;
	v63 =	vadd.s32 v2, v62;
	s10 =	sld [smem:$0x684]  }
0x31e: {  	[tilespmem:s0], [sflag:$0x1] =	stream.indirect_vreg.gather [hbm4b:s3+s2], $0x80, v59, vm0, $0xb8;
	[tilespmem:$0x10400] =	vst v63  }
0x31f: {  	v58 =	vperm.xlane v49, v7;
	v57 =	vadd.s32 v2, v56;
	s0 =	sld [smem:$0x685]  }
0x320: {  	[tilespmem:s10], [sflag:$0x1] =	stream.indirect_vreg.gather [hbm4b:s3+s2], $0x80, v61, vm0, $0xb8;
	[tilespmem:$0x10400] =	vst v63  }
0x321: {  	v60 =	vperm.xlane v49, v8;
	v59 =	vadd.s32 v2, v58;
	s10 =	sld [smem:$0x686]  }
0x322: {  	[tilespmem:s0], [sflag:$0x1] =	stream.indirect_vreg.gather [hbm4b:s3+s2], $0x80, v63, vm0, $0xb8;
	[tilespmem:$0x10400] =	vst v63  }
0x323: {  	v62 =	vperm.xlane v49, v10;
	v61 =	vadd.s32 v2, v60;
	s0 =	sld [smem:$0x687]  }
0x324: {  	[tilespmem:s10], [sflag:$0x1] =	stream.indirect_vreg.gather [hbm4b:s3+s2], $0x80, v57, vm0, $0xb8;
	[tilespmem:$0x10400] =	vst v63  }
0x325: {  	v56 =	vperm.xlane v49, v11;
	v63 =	vadd.s32 v2, v62;
	s10 =	sld [smem:$0x688]  }
0x326: {  	[tilespmem:s0], [sflag:$0x1] =	stream.indirect_vreg.gather [hbm4b:s3+s2], $0x80, v59, vm0, $0xb8;
	[tilespmem:$0x10400] =	vst v63  }
0x327: {  	v58 =	vperm.xlane v49, v12;
	v57 =	vadd.s32 v2, v56;
	s0 =	sld [smem:$0x689]  }
0x328: {  	[tilespmem:s10], [sflag:$0x1] =	stream.indirect_vreg.gather [hbm4b:s3+s2], $0x80, v61, vm0, $0xb8;
	[tilespmem:$0x10400] =	vst v63  }
0x329: {  	v60 =	vperm.xlane v49, v13;
	v59 =	vadd.s32 v2, v58;
	s10 =	sld [smem:$0x68A]  }
0x32a: {  	[tilespmem:s0], [sflag:$0x1] =	stream.indirect_vreg.gather [hbm4b:s3+s2], $0x80, v63, vm0, $0xb8;
	[tilespmem:$0x10400] =	vst v63  }
0x32b: {  	v62 =	vperm.xlane v49, v14;
	v61 =	vadd.s32 v2, v60;
	s0 =	sld [smem:$0x68B]  }
0x32c: {  	[tilespmem:s10], [sflag:$0x1] =	stream.indirect_vreg.gather [hbm4b:s3+s2], $0x80, v57, vm0, $0xb8;
	[tilespmem:$0x10400] =	vst v63  }
0x32d: {  	v49 =	vperm.xlane v49, v39;
	v63 =	vadd.s32 v2, v62;
	s10 =	sld [smem:$0x68C]  }
0x32e: {  	[tilespmem:s0], [sflag:$0x1] =	stream.indirect_vreg.gather [hbm4b:s3+s2], $0x80, v59, vm0, $0xb8;
	[tilespmem:$0x10400] =	vst v63  }
0x32f: {  	v49 =	vadd.s32 v2, v49;
	s0 =	sld [smem:$0x68D]  }
0x330: {  	[tilespmem:s10], [sflag:$0x1] =	stream.indirect_vreg.gather [hbm4b:s3+s2], $0x80, v61, vm0, $0xb8;
	[tilespmem:$0x10400] =	vst v63  }
0x331: {  	s10 =	sld [smem:$0x68E]  }
0x332: {  	[tilespmem:s0], [sflag:$0x1] =	stream.indirect_vreg.gather [hbm4b:s3+s2], $0x80, v63, vm0, $0xb8;
	[tilespmem:$0x10400] =	vst v63  }
0x333: {  	_ = 	snop  }
0x334: {  	[tilespmem:s10], [sflag:$0x1] =	stream.indirect_vreg.gather [hbm4b:s3+s2], $0x80, v49, vm0, $0xb8;
	[tilespmem:$0x10400] =	vst v63  }
0x335: {  	v49 =	vld [tilespmem:$0x80];
	_ =	sdelay $0x4  }
0x336: {  	v55 =	vshll.u32 v49, $0x7  }
0x337: {  	v49 =	vand.u32 $0x7, v49;
	v50 =	vand.u32 $0xFFFFFC00, v55  }
0x338: {  	v49 =	vor.u32 v49, v50  }
0x339: {  	v50 =	vperm.xlane v49, v1;
	_ =	sdelay $0x1  }
0x33a: {  	v56 =	vperm.xlane v49, v3;
	v50 =	vadd.s32 v2, v50;
	_ =	sdelay $0x1  }
0x33b: {  	s0 =	sld [smem:$0x68F];
	v57 =	vperm.xlane v49, v33;
	v51 =	vadd.s32 v2, v56;
	_ =	sdelay $0x1  }
0x33c: {  	s10 =	sld [smem:$0x690];
	v58 =	vperm.xlane v49, v4;
	v52 =	vadd.s32 v2, v57  }
0x33d: {  	[tilespmem:s0], [sflag:$0x2] =	stream.indirect_vreg.gather [hbm4b:s4+s2], $0x80, v50, vm0, $0xb8;
	[tilespmem:$0x10400] =	vst v63  }
0x33e: {  	v60 =	vperm.xlane v49, v5;
	v59 =	vadd.s32 v2, v58;
	s0 =	sld [smem:$0x691]  }
0x33f: {  	[tilespmem:s10], [sflag:$0x2] =	stream.indirect_vreg.gather [hbm4b:s4+s2], $0x80, v51, vm0, $0xb8;
	[tilespmem:$0x10400] =	vst v63  }
0x340: {  	v62 =	vperm.xlane v49, v27;
	v61 =	vadd.s32 v2, v60;
	s10 =	sld [smem:$0x692]  }
0x341: {  	[tilespmem:s0], [sflag:$0x2] =	stream.indirect_vreg.gather [hbm4b:s4+s2], $0x80, v52, vm0, $0xb8;
	[tilespmem:$0x10400] =	vst v63  }
0x342: {  	v63 =	vadd.s32 v2, v62;
	v56 =	vperm.xlane v49, v6;
	s0 =	sld [smem:$0x693]  }
0x343: {  	[tilespmem:s10], [sflag:$0x2] =	stream.indirect_vreg.gather [hbm4b:s4+s2], $0x80, v59, vm0, $0xb8;
	[tilespmem:$0x10400] =	vst v63  }
0x344: {  	v58 =	vperm.xlane v49, v0;
	v57 =	vadd.s32 v2, v56;
	s10 =	sld [smem:$0x694]  }
0x345: {  	[tilespmem:s0], [sflag:$0x2] =	stream.indirect_vreg.gather [hbm4b:s4+s2], $0x80, v61, vm0, $0xb8;
	[tilespmem:$0x10400] =	vst v63  }
0x346: {  	v60 =	vperm.xlane v49, v7;
	v59 =	vadd.s32 v2, v58;
	s0 =	sld [smem:$0x695]  }
0x347: {  	[tilespmem:s10], [sflag:$0x2] =	stream.indirect_vreg.gather [hbm4b:s4+s2], $0x80, v63, vm0, $0xb8;
	[tilespmem:$0x10400] =	vst v63  }
0x348: {  	v62 =	vperm.xlane v49, v8;
	v61 =	vadd.s32 v2, v60;
	s10 =	sld [smem:$0x696]  }
0x349: {  	[tilespmem:s0], [sflag:$0x2] =	stream.indirect_vreg.gather [hbm4b:s4+s2], $0x80, v57, vm0, $0xb8;
	[tilespmem:$0x10400] =	vst v63  }
0x34a: {  	v56 =	vperm.xlane v49, v10;
	v63 =	vadd.s32 v2, v62;
	s0 =	sld [smem:$0x697]  }
0x34b: {  	[tilespmem:s10], [sflag:$0x2] =	stream.indirect_vreg.gather [hbm4b:s4+s2], $0x80, v59, vm0, $0xb8;
	[tilespmem:$0x10400] =	vst v63  }
0x34c: {  	v58 =	vperm.xlane v49, v11;
	v57 =	vadd.s32 v2, v56;
	s10 =	sld [smem:$0x698]  }
0x34d: {  	[tilespmem:s0], [sflag:$0x2] =	stream.indirect_vreg.gather [hbm4b:s4+s2], $0x80, v61, vm0, $0xb8;
	[tilespmem:$0x10400] =	vst v63  }
0x34e: {  	v60 =	vperm.xlane v49, v12;
	v59 =	vadd.s32 v2, v58;
	s0 =	sld [smem:$0x699]  }
0x34f: {  	[tilespmem:s10], [sflag:$0x2] =	stream.indirect_vreg.gather [hbm4b:s4+s2], $0x80, v63, vm0, $0xb8;
	[tilespmem:$0x10400] =	vst v63  }
0x350: {  	v62 =	vperm.xlane v49, v13;
	v61 =	vadd.s32 v2, v60;
	s10 =	sld [smem:$0x69A]  }
0x351: {  	[tilespmem:s0], [sflag:$0x2] =	stream.indirect_vreg.gather [hbm4b:s4+s2], $0x80, v57, vm0, $0xb8;
	[tilespmem:$0x10400] =	vst v63  }
0x352: {  	v56 =	vperm.xlane v49, v14;
	v63 =	vadd.s32 v2, v62;
	s0 =	sld [smem:$0x69B]  }
0x353: {  	[tilespmem:s10], [sflag:$0x2] =	stream.indirect_vreg.gather [hbm4b:s4+s2], $0x80, v59, vm0, $0xb8;
	[tilespmem:$0x10400] =	vst v63  }
0x354: {  	v49 =	vperm.xlane v49, v39;
	v57 =	vadd.s32 v2, v56;
	s10 =	sld [smem:$0x69C]  }
0x355: {  	[tilespmem:s0], [sflag:$0x2] =	stream.indirect_vreg.gather [hbm4b:s4+s2], $0x80, v61, vm0, $0xb8;
	[tilespmem:$0x10400] =	vst v63  }
0x356: {  	v49 =	vadd.s32 v2, v49;
	s0 =	sld [smem:$0x69D]  }
0x357: {  	[tilespmem:s10], [sflag:$0x2] =	stream.indirect_vreg.gather [hbm4b:s4+s2], $0x80, v63, vm0, $0xb8;
	[tilespmem:$0x10400] =	vst v63  }
0x358: {  	s10 =	sld [smem:$0x69E]  }
0x359: {  	[tilespmem:s0], [sflag:$0x2] =	stream.indirect_vreg.gather [hbm4b:s4+s2], $0x80, v57, vm0, $0xb8;
	[tilespmem:$0x10400] =	vst v63  }
0x35a: {  	_ = 	snop  }
0x35b: {  	[tilespmem:s10], [sflag:$0x2] =	stream.indirect_vreg.gather [hbm4b:s4+s2], $0x80, v49, vm0, $0xb8;
	[tilespmem:$0x10400] =	vst v63  }
0x35c: {  	v49 =	vld [tilespmem:$0x90];
	_ =	sdelay $0x4  }
0x35d: {  	v58 =	vshll.u32 v49, $0x7  }
0x35e: {  	v49 =	vand.u32 $0x7, v49;
	v50 =	vand.u32 $0xFFFFFC00, v58  }
0x35f: {  	v49 =	vor.u32 v49, v50  }
0x360: {  	v50 =	vperm.xlane v49, v1;
	_ =	sdelay $0x1  }
0x361: {  	v59 =	vperm.xlane v49, v3;
	v50 =	vadd.s32 v2, v50;
	_ =	sdelay $0x1  }
0x362: {  	s0 =	sld [smem:$0x69F];
	v60 =	vperm.xlane v49, v33;
	v51 =	vadd.s32 v2, v59;
	_ =	sdelay $0x1  }
0x363: {  	s10 =	sld [smem:$0x6A0];
	v61 =	vperm.xlane v49, v4;
	v52 =	vadd.s32 v2, v60  }
0x364: {  	[tilespmem:s0], [sflag:$0x2] =	stream.indirect_vreg.gather [hbm4b:s4+s2], $0x80, v50, vm0, $0xb8;
	[tilespmem:$0x10400] =	vst v63  }
0x365: {  	v63 =	vperm.xlane v49, v5;
	v62 =	vadd.s32 v2, v61;
	s0 =	sld [smem:$0x6A1]  }
0x366: {  	[tilespmem:s10], [sflag:$0x2] =	stream.indirect_vreg.gather [hbm4b:s4+s2], $0x80, v51, vm0, $0xb8;
	[tilespmem:$0x10400] =	vst v63  }
0x367: {  	v57 =	vperm.xlane v49, v27;
	v56 =	vadd.s32 v2, v63;
	s10 =	sld [smem:$0x6A2]  }
0x368: {  	[tilespmem:s0], [sflag:$0x2] =	stream.indirect_vreg.gather [hbm4b:s4+s2], $0x80, v52, vm0, $0xb8;
	[tilespmem:$0x10400] =	vst v63  }
0x369: {  	v58 =	vadd.s32 v2, v57;
	v59 =	vperm.xlane v49, v6;
	s0 =	sld [smem:$0x6A3]  }
0x36a: {  	[tilespmem:s10], [sflag:$0x2] =	stream.indirect_vreg.gather [hbm4b:s4+s2], $0x80, v62, vm0, $0xb8;
	[tilespmem:$0x10400] =	vst v63  }
0x36b: {  	v61 =	vperm.xlane v49, v0;
	v60 =	vadd.s32 v2, v59;
	s10 =	sld [smem:$0x6A4]  }
0x36c: {  	[tilespmem:s0], [sflag:$0x2] =	stream.indirect_vreg.gather [hbm4b:s4+s2], $0x80, v56, vm0, $0xb8;
	[tilespmem:$0x10400] =	vst v63  }
0x36d: {  	v63 =	vperm.xlane v49, v7;
	v62 =	vadd.s32 v2, v61;
	s0 =	sld [smem:$0x6A5]  }
0x36e: {  	[tilespmem:s10], [sflag:$0x2] =	stream.indirect_vreg.gather [hbm4b:s4+s2], $0x80, v58, vm0, $0xb8;
	[tilespmem:$0x10400] =	vst v63  }
0x36f: {  	v57 =	vperm.xlane v49, v8;
	v56 =	vadd.s32 v2, v63;
	s10 =	sld [smem:$0x6A6]  }
0x370: {  	[tilespmem:s0], [sflag:$0x2] =	stream.indirect_vreg.gather [hbm4b:s4+s2], $0x80, v60, vm0, $0xb8;
	[tilespmem:$0x10400] =	vst v63  }
0x371: {  	v59 =	vperm.xlane v49, v10;
	v58 =	vadd.s32 v2, v57;
	s0 =	sld [smem:$0x6A7]  }
0x372: {  	[tilespmem:s10], [sflag:$0x2] =	stream.indirect_vreg.gather [hbm4b:s4+s2], $0x80, v62, vm0, $0xb8;
	[tilespmem:$0x10400] =	vst v63  }
0x373: {  	v61 =	vperm.xlane v49, v11;
	v60 =	vadd.s32 v2, v59;
	s10 =	sld [smem:$0x6A8]  }
0x374: {  	[tilespmem:s0], [sflag:$0x2] =	stream.indirect_vreg.gather [hbm4b:s4+s2], $0x80, v56, vm0, $0xb8;
	[tilespmem:$0x10400] =	vst v63  }
0x375: {  	v63 =	vperm.xlane v49, v12;
	v62 =	vadd.s32 v2, v61;
	s0 =	sld [smem:$0x6A9]  }
0x376: {  	[tilespmem:s10], [sflag:$0x2] =	stream.indirect_vreg.gather [hbm4b:s4+s2], $0x80, v58, vm0, $0xb8;
	[tilespmem:$0x10400] =	vst v63  }
0x377: {  	v57 =	vperm.xlane v49, v13;
	v56 =	vadd.s32 v2, v63;
	s10 =	sld [smem:$0x6AA]  }
0x378: {  	[tilespmem:s0], [sflag:$0x2] =	stream.indirect_vreg.gather [hbm4b:s4+s2], $0x80, v60, vm0, $0xb8;
	[tilespmem:$0x10400] =	vst v63  }
0x379: {  	v59 =	vperm.xlane v49, v14;
	v58 =	vadd.s32 v2, v57;
	s0 =	sld [smem:$0x6AB]  }
0x37a: {  	[tilespmem:s10], [sflag:$0x2] =	stream.indirect_vreg.gather [hbm4b:s4+s2], $0x80, v62, vm0, $0xb8;
	[tilespmem:$0x10400] =	vst v63  }
0x37b: {  	v49 =	vperm.xlane v49, v39;
	v60 =	vadd.s32 v2, v59;
	s10 =	sld [smem:$0x6AC]  }
0x37c: {  	[tilespmem:s0], [sflag:$0x2] =	stream.indirect_vreg.gather [hbm4b:s4+s2], $0x80, v56, vm0, $0xb8;
	[tilespmem:$0x10400] =	vst v63  }
0x37d: {  	v49 =	vadd.s32 v2, v49;
	s0 =	sld [smem:$0x6AD]  }
0x37e: {  	[tilespmem:s10], [sflag:$0x2] =	stream.indirect_vreg.gather [hbm4b:s4+s2], $0x80, v58, vm0, $0xb8;
	[tilespmem:$0x10400] =	vst v63  }
0x37f: {  	s10 =	sld [smem:$0x6AE]  }
0x380: {  	[tilespmem:s0], [sflag:$0x2] =	stream.indirect_vreg.gather [hbm4b:s4+s2], $0x80, v60, vm0, $0xb8;
	[tilespmem:$0x10400] =	vst v63  }
0x381: {  	_ = 	snop  }
0x382: {  	[tilespmem:s10], [sflag:$0x2] =	stream.indirect_vreg.gather [hbm4b:s4+s2], $0x80, v49, vm0, $0xb8;
	[tilespmem:$0x10400] =	vst v63  }
0x383: {  	v49 =	vld [tilespmem:$0xA0];
	_ =	sdelay $0x4  }
0x384: {  	v61 =	vshll.u32 v49, $0x7  }
0x385: {  	v49 =	vand.u32 $0x7, v49;
	v50 =	vand.u32 $0xFFFFFC00, v61  }
0x386: {  	v49 =	vor.u32 v49, v50  }
0x387: {  	v50 =	vperm.xlane v49, v1;
	_ =	sdelay $0x1  }
0x388: {  	v62 =	vperm.xlane v49, v3;
	v50 =	vadd.s32 v2, v50;
	_ =	sdelay $0x1  }
0x389: {  	s0 =	sld [smem:$0x6AF];
	v63 =	vperm.xlane v49, v33;
	v51 =	vadd.s32 v2, v62;
	_ =	sdelay $0x1  }
0x38a: {  	s10 =	sld [smem:$0x6B0];
	v56 =	vperm.xlane v49, v4;
	v52 =	vadd.s32 v2, v63  }
0x38b: {  	[tilespmem:s0], [sflag:$0x2] =	stream.indirect_vreg.gather [hbm4b:s4+s2], $0x80, v50, vm0, $0xb8;
	[tilespmem:$0x10400] =	vst v63  }
0x38c: {  	v58 =	vperm.xlane v49, v5;
	v57 =	vadd.s32 v2, v56;
	s0 =	sld [smem:$0x6B1]  }
0x38d: {  	[tilespmem:s10], [sflag:$0x2] =	stream.indirect_vreg.gather [hbm4b:s4+s2], $0x80, v51, vm0, $0xb8;
	[tilespmem:$0x10400] =	vst v63  }
0x38e: {  	v60 =	vperm.xlane v49, v27;
	v59 =	vadd.s32 v2, v58;
	s10 =	sld [smem:$0x6B2]  }
0x38f: {  	[tilespmem:s0], [sflag:$0x2] =	stream.indirect_vreg.gather [hbm4b:s4+s2], $0x80, v52, vm0, $0xb8;
	[tilespmem:$0x10400] =	vst v63  }
0x390: {  	v61 =	vadd.s32 v2, v60;
	v62 =	vperm.xlane v49, v6;
	s0 =	sld [smem:$0x6B3]  }
0x391: {  	[tilespmem:s10], [sflag:$0x2] =	stream.indirect_vreg.gather [hbm4b:s4+s2], $0x80, v57, vm0, $0xb8;
	[tilespmem:$0x10400] =	vst v63  }
0x392: {  	v56 =	vperm.xlane v49, v0;
	v63 =	vadd.s32 v2, v62;
	s10 =	sld [smem:$0x6B4]  }
0x393: {  	[tilespmem:s0], [sflag:$0x2] =	stream.indirect_vreg.gather [hbm4b:s4+s2], $0x80, v59, vm0, $0xb8;
	[tilespmem:$0x10400] =	vst v63  }
0x394: {  	v58 =	vperm.xlane v49, v7;
	v57 =	vadd.s32 v2, v56;
	s0 =	sld [smem:$0x6B5]  }
0x395: {  	[tilespmem:s10], [sflag:$0x2] =	stream.indirect_vreg.gather [hbm4b:s4+s2], $0x80, v61, vm0, $0xb8;
	[tilespmem:$0x10400] =	vst v63  }
0x396: {  	v60 =	vperm.xlane v49, v8;
	v59 =	vadd.s32 v2, v58;
	s10 =	sld [smem:$0x6B6]  }
0x397: {  	[tilespmem:s0], [sflag:$0x2] =	stream.indirect_vreg.gather [hbm4b:s4+s2], $0x80, v63, vm0, $0xb8;
	[tilespmem:$0x10400] =	vst v63  }
0x398: {  	v62 =	vperm.xlane v49, v10;
	v61 =	vadd.s32 v2, v60;
	s0 =	sld [smem:$0x6B7]  }
0x399: {  	[tilespmem:s10], [sflag:$0x2] =	stream.indirect_vreg.gather [hbm4b:s4+s2], $0x80, v57, vm0, $0xb8;
	[tilespmem:$0x10400] =	vst v63  }
0x39a: {  	v56 =	vperm.xlane v49, v11;
	v63 =	vadd.s32 v2, v62;
	s10 =	sld [smem:$0x6B8]  }
0x39b: {  	[tilespmem:s0], [sflag:$0x2] =	stream.indirect_vreg.gather [hbm4b:s4+s2], $0x80, v59, vm0, $0xb8;
	[tilespmem:$0x10400] =	vst v63  }
0x39c: {  	v58 =	vperm.xlane v49, v12;
	v57 =	vadd.s32 v2, v56;
	s0 =	sld [smem:$0x6B9]  }
0x39d: {  	[tilespmem:s10], [sflag:$0x2] =	stream.indirect_vreg.gather [hbm4b:s4+s2], $0x80, v61, vm0, $0xb8;
	[tilespmem:$0x10400] =	vst v63  }
0x39e: {  	v60 =	vperm.xlane v49, v13;
	v59 =	vadd.s32 v2, v58;
	s10 =	sld [smem:$0x6BA]  }
0x39f: {  	[tilespmem:s0], [sflag:$0x2] =	stream.indirect_vreg.gather [hbm4b:s4+s2], $0x80, v63, vm0, $0xb8;
	[tilespmem:$0x10400] =	vst v63  }
0x3a0: {  	v62 =	vperm.xlane v49, v14;
	v61 =	vadd.s32 v2, v60;
	s0 =	sld [smem:$0x6BB]  }
0x3a1: {  	[tilespmem:s10], [sflag:$0x2] =	stream.indirect_vreg.gather [hbm4b:s4+s2], $0x80, v57, vm0, $0xb8;
	[tilespmem:$0x10400] =	vst v63  }
0x3a2: {  	v49 =	vperm.xlane v49, v39;
	v63 =	vadd.s32 v2, v62;
	s10 =	sld [smem:$0x6BC]  }
0x3a3: {  	[tilespmem:s0], [sflag:$0x2] =	stream.indirect_vreg.gather [hbm4b:s4+s2], $0x80, v59, vm0, $0xb8;
	[tilespmem:$0x10400] =	vst v63  }
0x3a4: {  	v49 =	vadd.s32 v2, v49;
	s0 =	sld [smem:$0x6BD]  }
0x3a5: {  	[tilespmem:s10], [sflag:$0x2] =	stream.indirect_vreg.gather [hbm4b:s4+s2], $0x80, v61, vm0, $0xb8;
	[tilespmem:$0x10400] =	vst v63  }
0x3a6: {  	s10 =	sld [smem:$0x6BE]  }
0x3a7: {  	[tilespmem:s0], [sflag:$0x2] =	stream.indirect_vreg.gather [hbm4b:s4+s2], $0x80, v63, vm0, $0xb8;
	[tilespmem:$0x10400] =	vst v63  }
0x3a8: {  	_ = 	snop  }
0x3a9: {  	[tilespmem:s10], [sflag:$0x2] =	stream.indirect_vreg.gather [hbm4b:s4+s2], $0x80, v49, vm0, $0xb8;
	[tilespmem:$0x10400] =	vst v63  }
0x3aa: {  	v49 =	vld [tilespmem:$0xB0];
	_ =	sdelay $0x4  }
0x3ab: {  	v55 =	vshll.u32 v49, $0x7  }
0x3ac: {  	v49 =	vand.u32 $0x7, v49;
	v50 =	vand.u32 $0xFFFFFC00, v55  }
0x3ad: {  	v49 =	vor.u32 v49, v50  }
0x3ae: {  	v50 =	vperm.xlane v49, v1;
	_ =	sdelay $0x1  }
0x3af: {  	v56 =	vperm.xlane v49, v3;
	v50 =	vadd.s32 v2, v50;
	_ =	sdelay $0x1  }
0x3b0: {  	s0 =	sld [smem:$0x6BF];
	v57 =	vperm.xlane v49, v33;
	v51 =	vadd.s32 v2, v56;
	_ =	sdelay $0x1  }
0x3b1: {  	s10 =	sld [smem:$0x6C0];
	v58 =	vperm.xlane v49, v4;
	v52 =	vadd.s32 v2, v57  }
0x3b2: {  	[tilespmem:s0], [sflag:$0x2] =	stream.indirect_vreg.gather [hbm4b:s4+s2], $0x80, v50, vm0, $0xb8;
	[tilespmem:$0x10400] =	vst v63  }
0x3b3: {  	v60 =	vperm.xlane v49, v5;
	v59 =	vadd.s32 v2, v58;
	s0 =	sld [smem:$0x6C1]  }
0x3b4: {  	[tilespmem:s10], [sflag:$0x2] =	stream.indirect_vreg.gather [hbm4b:s4+s2], $0x80, v51, vm0, $0xb8;
	[tilespmem:$0x10400] =	vst v63  }
0x3b5: {  	v62 =	vperm.xlane v49, v27;
	v61 =	vadd.s32 v2, v60;
	s10 =	sld [smem:$0x6C2]  }
0x3b6: {  	[tilespmem:s0], [sflag:$0x2] =	stream.indirect_vreg.gather [hbm4b:s4+s2], $0x80, v52, vm0, $0xb8;
	[tilespmem:$0x10400] =	vst v63  }
0x3b7: {  	v63 =	vadd.s32 v2, v62;
	v56 =	vperm.xlane v49, v6;
	s0 =	sld [smem:$0x6C3]  }
0x3b8: {  	[tilespmem:s10], [sflag:$0x2] =	stream.indirect_vreg.gather [hbm4b:s4+s2], $0x80, v59, vm0, $0xb8;
	[tilespmem:$0x10400] =	vst v63  }
0x3b9: {  	v58 =	vperm.xlane v49, v0;
	v57 =	vadd.s32 v2, v56;
	s10 =	sld [smem:$0x6C4]  }
0x3ba: {  	[tilespmem:s0], [sflag:$0x2] =	stream.indirect_vreg.gather [hbm4b:s4+s2], $0x80, v61, vm0, $0xb8;
	[tilespmem:$0x10400] =	vst v63  }
0x3bb: {  	v60 =	vperm.xlane v49, v7;
	v59 =	vadd.s32 v2, v58;
	s0 =	sld [smem:$0x6C5]  }
0x3bc: {  	[tilespmem:s10], [sflag:$0x2] =	stream.indirect_vreg.gather [hbm4b:s4+s2], $0x80, v63, vm0, $0xb8;
	[tilespmem:$0x10400] =	vst v63  }
0x3bd: {  	v62 =	vperm.xlane v49, v8;
	v61 =	vadd.s32 v2, v60;
	s10 =	sld [smem:$0x6C6]  }
0x3be: {  	[tilespmem:s0], [sflag:$0x2] =	stream.indirect_vreg.gather [hbm4b:s4+s2], $0x80, v57, vm0, $0xb8;
	[tilespmem:$0x10400] =	vst v63  }
0x3bf: {  	v56 =	vperm.xlane v49, v10;
	v63 =	vadd.s32 v2, v62;
	s0 =	sld [smem:$0x6C7]  }
0x3c0: {  	[tilespmem:s10], [sflag:$0x2] =	stream.indirect_vreg.gather [hbm4b:s4+s2], $0x80, v59, vm0, $0xb8;
	[tilespmem:$0x10400] =	vst v63  }
0x3c1: {  	v58 =	vperm.xlane v49, v11;
	v57 =	vadd.s32 v2, v56;
	s10 =	sld [smem:$0x6C8]  }
0x3c2: {  	[tilespmem:s0], [sflag:$0x2] =	stream.indirect_vreg.gather [hbm4b:s4+s2], $0x80, v61, vm0, $0xb8;
	[tilespmem:$0x10400] =	vst v63  }
0x3c3: {  	v60 =	vperm.xlane v49, v12;
	v59 =	vadd.s32 v2, v58;
	s0 =	sld [smem:$0x6C9]  }
0x3c4: {  	[tilespmem:s10], [sflag:$0x2] =	stream.indirect_vreg.gather [hbm4b:s4+s2], $0x80, v63, vm0, $0xb8;
	[tilespmem:$0x10400] =	vst v63  }
0x3c5: {  	v62 =	vperm.xlane v49, v13;
	v61 =	vadd.s32 v2, v60;
	s10 =	sld [smem:$0x6CA]  }
0x3c6: {  	[tilespmem:s0], [sflag:$0x2] =	stream.indirect_vreg.gather [hbm4b:s4+s2], $0x80, v57, vm0, $0xb8;
	[tilespmem:$0x10400] =	vst v63  }
0x3c7: {  	v56 =	vperm.xlane v49, v14;
	v63 =	vadd.s32 v2, v62;
	s0 =	sld [smem:$0x6CB]  }
0x3c8: {  	[tilespmem:s10], [sflag:$0x2] =	stream.indirect_vreg.gather [hbm4b:s4+s2], $0x80, v59, vm0, $0xb8;
	[tilespmem:$0x10400] =	vst v63  }
0x3c9: {  	v49 =	vperm.xlane v49, v39;
	v57 =	vadd.s32 v2, v56;
	s10 =	sld [smem:$0x6CC]  }
0x3ca: {  	[tilespmem:s0], [sflag:$0x2] =	stream.indirect_vreg.gather [hbm4b:s4+s2], $0x80, v61, vm0, $0xb8;
	[tilespmem:$0x10400] =	vst v63  }
0x3cb: {  	v49 =	vadd.s32 v2, v49;
	s0 =	sld [smem:$0x6CD]  }
0x3cc: {  	[tilespmem:s10], [sflag:$0x2] =	stream.indirect_vreg.gather [hbm4b:s4+s2], $0x80, v63, vm0, $0xb8;
	[tilespmem:$0x10400] =	vst v63  }
0x3cd: {  	s10 =	sld [smem:$0x6CE]  }
0x3ce: {  	[tilespmem:s0], [sflag:$0x2] =	stream.indirect_vreg.gather [hbm4b:s4+s2], $0x80, v57, vm0, $0xb8;
	[tilespmem:$0x10400] =	vst v63  }
0x3cf: {  	_ = 	snop  }
0x3d0: {  	[tilespmem:s10], [sflag:$0x2] =	stream.indirect_vreg.gather [hbm4b:s4+s2], $0x80, v49, vm0, $0xb8;
	[tilespmem:$0x10400] =	vst v63  }
0x3d1: {  	v49 =	vld [tilespmem:$0xC0];
	_ =	sdelay $0x4  }
0x3d2: {  	v58 =	vshll.u32 v49, $0x7  }
0x3d3: {  	v49 =	vand.u32 $0x7, v49;
	v50 =	vand.u32 $0xFFFFFC00, v58  }
0x3d4: {  	v49 =	vor.u32 v49, v50  }
0x3d5: {  	v50 =	vperm.xlane v49, v1;
	_ =	sdelay $0x1  }
0x3d6: {  	v59 =	vperm.xlane v49, v3;
	v50 =	vadd.s32 v2, v50;
	_ =	sdelay $0x1  }
0x3d7: {  	s0 =	sld [smem:$0x6CF];
	v60 =	vperm.xlane v49, v33;
	v51 =	vadd.s32 v2, v59;
	_ =	sdelay $0x1  }
0x3d8: {  	s10 =	sld [smem:$0x6D0];
	v61 =	vperm.xlane v49, v4;
	v52 =	vadd.s32 v2, v60  }
0x3d9: {  	[tilespmem:s0], [sflag:$0x2] =	stream.indirect_vreg.gather [hbm4b:s4+s2], $0x80, v50, vm0, $0xb8;
	[tilespmem:$0x10400] =	vst v63  }
0x3da: {  	v63 =	vperm.xlane v49, v5;
	v62 =	vadd.s32 v2, v61;
	s0 =	sld [smem:$0x6D1]  }
0x3db: {  	[tilespmem:s10], [sflag:$0x2] =	stream.indirect_vreg.gather [hbm4b:s4+s2], $0x80, v51, vm0, $0xb8;
	[tilespmem:$0x10400] =	vst v63  }
0x3dc: {  	v57 =	vperm.xlane v49, v27;
	v56 =	vadd.s32 v2, v63;
	s10 =	sld [smem:$0x6D2]  }
0x3dd: {  	[tilespmem:s0], [sflag:$0x2] =	stream.indirect_vreg.gather [hbm4b:s4+s2], $0x80, v52, vm0, $0xb8;
	[tilespmem:$0x10400] =	vst v63  }
0x3de: {  	v58 =	vadd.s32 v2, v57;
	v59 =	vperm.xlane v49, v6;
	s0 =	sld [smem:$0x6D3]  }
0x3df: {  	[tilespmem:s10], [sflag:$0x2] =	stream.indirect_vreg.gather [hbm4b:s4+s2], $0x80, v62, vm0, $0xb8;
	[tilespmem:$0x10400] =	vst v63  }
0x3e0: {  	v61 =	vperm.xlane v49, v0;
	v60 =	vadd.s32 v2, v59;
	s10 =	sld [smem:$0x6D4]  }
0x3e1: {  	[tilespmem:s0], [sflag:$0x2] =	stream.indirect_vreg.gather [hbm4b:s4+s2], $0x80, v56, vm0, $0xb8;
	[tilespmem:$0x10400] =	vst v63  }
0x3e2: {  	v63 =	vperm.xlane v49, v7;
	v62 =	vadd.s32 v2, v61;
	s0 =	sld [smem:$0x6D5]  }
0x3e3: {  	[tilespmem:s10], [sflag:$0x2] =	stream.indirect_vreg.gather [hbm4b:s4+s2], $0x80, v58, vm0, $0xb8;
	[tilespmem:$0x10400] =	vst v63  }
0x3e4: {  	v57 =	vperm.xlane v49, v8;
	v56 =	vadd.s32 v2, v63;
	s10 =	sld [smem:$0x6D6]  }
0x3e5: {  	[tilespmem:s0], [sflag:$0x2] =	stream.indirect_vreg.gather [hbm4b:s4+s2], $0x80, v60, vm0, $0xb8;
	[tilespmem:$0x10400] =	vst v63  }
0x3e6: {  	v59 =	vperm.xlane v49, v10;
	v58 =	vadd.s32 v2, v57;
	s0 =	sld [smem:$0x6D7]  }
0x3e7: {  	[tilespmem:s10], [sflag:$0x2] =	stream.indirect_vreg.gather [hbm4b:s4+s2], $0x80, v62, vm0, $0xb8;
	[tilespmem:$0x10400] =	vst v63  }
0x3e8: {  	v61 =	vperm.xlane v49, v11;
	v60 =	vadd.s32 v2, v59;
	s10 =	sld [smem:$0x6D8]  }
0x3e9: {  	[tilespmem:s0], [sflag:$0x2] =	stream.indirect_vreg.gather [hbm4b:s4+s2], $0x80, v56, vm0, $0xb8;
	[tilespmem:$0x10400] =	vst v63  }
0x3ea: {  	v63 =	vperm.xlane v49, v12;
	v62 =	vadd.s32 v2, v61;
	s0 =	sld [smem:$0x6D9]  }
0x3eb: {  	[tilespmem:s10], [sflag:$0x2] =	stream.indirect_vreg.gather [hbm4b:s4+s2], $0x80, v58, vm0, $0xb8;
	[tilespmem:$0x10400] =	vst v63  }
0x3ec: {  	v57 =	vperm.xlane v49, v13;
	v56 =	vadd.s32 v2, v63;
	s10 =	sld [smem:$0x6DA]  }
0x3ed: {  	[tilespmem:s0], [sflag:$0x2] =	stream.indirect_vreg.gather [hbm4b:s4+s2], $0x80, v60, vm0, $0xb8;
	[tilespmem:$0x10400] =	vst v63  }
0x3ee: {  	v59 =	vperm.xlane v49, v14;
	v58 =	vadd.s32 v2, v57;
	s0 =	sld [smem:$0x6DB]  }
0x3ef: {  	[tilespmem:s10], [sflag:$0x2] =	stream.indirect_vreg.gather [hbm4b:s4+s2], $0x80, v62, vm0, $0xb8;
	[tilespmem:$0x10400] =	vst v63  }
0x3f0: {  	v49 =	vperm.xlane v49, v39;
	v60 =	vadd.s32 v2, v59;
	s10 =	sld [smem:$0x6DC]  }
0x3f1: {  	[tilespmem:s0], [sflag:$0x2] =	stream.indirect_vreg.gather [hbm4b:s4+s2], $0x80, v56, vm0, $0xb8;
	[tilespmem:$0x10400] =	vst v63  }
0x3f2: {  	v49 =	vadd.s32 v2, v49;
	s0 =	sld [smem:$0x6DD]  }
0x3f3: {  	[tilespmem:s10], [sflag:$0x2] =	stream.indirect_vreg.gather [hbm4b:s4+s2], $0x80, v58, vm0, $0xb8;
	[tilespmem:$0x10400] =	vst v63  }
0x3f4: {  	s10 =	sld [smem:$0x6DE]  }
0x3f5: {  	[tilespmem:s0], [sflag:$0x2] =	stream.indirect_vreg.gather [hbm4b:s4+s2], $0x80, v60, vm0, $0xb8;
	[tilespmem:$0x10400] =	vst v63  }
0x3f6: {  	_ = 	snop  }
0x3f7: {  	[tilespmem:s10], [sflag:$0x2] =	stream.indirect_vreg.gather [hbm4b:s4+s2], $0x80, v49, vm0, $0xb8;
	[tilespmem:$0x10400] =	vst v63  }
0x3f8: {  	v49 =	vld [tilespmem:$0xD0];
	_ =	sdelay $0x4  }
0x3f9: {  	v61 =	vshll.u32 v49, $0x7  }
0x3fa: {  	v49 =	vand.u32 $0x7, v49;
	v50 =	vand.u32 $0xFFFFFC00, v61  }
0x3fb: {  	v49 =	vor.u32 v49, v50  }
0x3fc: {  	v50 =	vperm.xlane v49, v1;
	_ =	sdelay $0x1  }
0x3fd: {  	v62 =	vperm.xlane v49, v3;
	v50 =	vadd.s32 v2, v50;
	_ =	sdelay $0x1  }
0x3fe: {  	s0 =	sld [smem:$0x6DF];
	v63 =	vperm.xlane v49, v33;
	v51 =	vadd.s32 v2, v62;
	_ =	sdelay $0x1  }
0x3ff: {  	s10 =	sld [smem:$0x6E0];
	v56 =	vperm.xlane v49, v4;
	v52 =	vadd.s32 v2, v63  }
0x400: {  	[tilespmem:s0], [sflag:$0x2] =	stream.indirect_vreg.gather [hbm4b:s4+s2], $0x80, v50, vm0, $0xb8;
	[tilespmem:$0x10400] =	vst v63  }
0x401: {  	v58 =	vperm.xlane v49, v5;
	v57 =	vadd.s32 v2, v56;
	s0 =	sld [smem:$0x6E1]  }
0x402: {  	[tilespmem:s10], [sflag:$0x2] =	stream.indirect_vreg.gather [hbm4b:s4+s2], $0x80, v51, vm0, $0xb8;
	[tilespmem:$0x10400] =	vst v63  }
0x403: {  	v60 =	vperm.xlane v49, v27;
	v59 =	vadd.s32 v2, v58;
	s10 =	sld [smem:$0x6E2]  }
0x404: {  	[tilespmem:s0], [sflag:$0x2] =	stream.indirect_vreg.gather [hbm4b:s4+s2], $0x80, v52, vm0, $0xb8;
	[tilespmem:$0x10400] =	vst v63  }
0x405: {  	v61 =	vadd.s32 v2, v60;
	v62 =	vperm.xlane v49, v6;
	s0 =	sld [smem:$0x6E3]  }
0x406: {  	[tilespmem:s10], [sflag:$0x2] =	stream.indirect_vreg.gather [hbm4b:s4+s2], $0x80, v57, vm0, $0xb8;
	[tilespmem:$0x10400] =	vst v63  }
0x407: {  	v56 =	vperm.xlane v49, v0;
	v63 =	vadd.s32 v2, v62;
	s10 =	sld [smem:$0x6E4]  }
0x408: {  	[tilespmem:s0], [sflag:$0x2] =	stream.indirect_vreg.gather [hbm4b:s4+s2], $0x80, v59, vm0, $0xb8;
	[tilespmem:$0x10400] =	vst v63  }
0x409: {  	v58 =	vperm.xlane v49, v7;
	v57 =	vadd.s32 v2, v56;
	s0 =	sld [smem:$0x6E5]  }
0x40a: {  	[tilespmem:s10], [sflag:$0x2] =	stream.indirect_vreg.gather [hbm4b:s4+s2], $0x80, v61, vm0, $0xb8;
	[tilespmem:$0x10400] =	vst v63  }
0x40b: {  	v60 =	vperm.xlane v49, v8;
	v59 =	vadd.s32 v2, v58;
	s10 =	sld [smem:$0x6E6]  }
0x40c: {  	[tilespmem:s0], [sflag:$0x2] =	stream.indirect_vreg.gather [hbm4b:s4+s2], $0x80, v63, vm0, $0xb8;
	[tilespmem:$0x10400] =	vst v63  }
0x40d: {  	v62 =	vperm.xlane v49, v10;
	v61 =	vadd.s32 v2, v60;
	s0 =	sld [smem:$0x6E7]  }
0x40e: {  	[tilespmem:s10], [sflag:$0x2] =	stream.indirect_vreg.gather [hbm4b:s4+s2], $0x80, v57, vm0, $0xb8;
	[tilespmem:$0x10400] =	vst v63  }
0x40f: {  	v56 =	vperm.xlane v49, v11;
	v63 =	vadd.s32 v2, v62;
	s10 =	sld [smem:$0x6E8]  }
0x410: {  	[tilespmem:s0], [sflag:$0x2] =	stream.indirect_vreg.gather [hbm4b:s4+s2], $0x80, v59, vm0, $0xb8;
	[tilespmem:$0x10400] =	vst v63  }
0x411: {  	v58 =	vperm.xlane v49, v12;
	v57 =	vadd.s32 v2, v56;
	s0 =	sld [smem:$0x6E9]  }
0x412: {  	[tilespmem:s10], [sflag:$0x2] =	stream.indirect_vreg.gather [hbm4b:s4+s2], $0x80, v61, vm0, $0xb8;
	[tilespmem:$0x10400] =	vst v63  }
0x413: {  	v60 =	vperm.xlane v49, v13;
	v59 =	vadd.s32 v2, v58;
	s10 =	sld [smem:$0x6EA]  }
0x414: {  	[tilespmem:s0], [sflag:$0x2] =	stream.indirect_vreg.gather [hbm4b:s4+s2], $0x80, v63, vm0, $0xb8;
	[tilespmem:$0x10400] =	vst v63  }
0x415: {  	v62 =	vperm.xlane v49, v14;
	v61 =	vadd.s32 v2, v60;
	s0 =	sld [smem:$0x6EB]  }
0x416: {  	[tilespmem:s10], [sflag:$0x2] =	stream.indirect_vreg.gather [hbm4b:s4+s2], $0x80, v57, vm0, $0xb8;
	[tilespmem:$0x10400] =	vst v63  }
0x417: {  	v49 =	vperm.xlane v49, v39;
	v63 =	vadd.s32 v2, v62;
	s10 =	sld [smem:$0x6EC]  }
0x418: {  	[tilespmem:s0], [sflag:$0x2] =	stream.indirect_vreg.gather [hbm4b:s4+s2], $0x80, v59, vm0, $0xb8;
	[tilespmem:$0x10400] =	vst v63  }
0x419: {  	v49 =	vadd.s32 v2, v49;
	s0 =	sld [smem:$0x6ED]  }
0x41a: {  	[tilespmem:s10], [sflag:$0x2] =	stream.indirect_vreg.gather [hbm4b:s4+s2], $0x80, v61, vm0, $0xb8;
	[tilespmem:$0x10400] =	vst v63  }
0x41b: {  	s10 =	sld [smem:$0x6EE]  }
0x41c: {  	[tilespmem:s0], [sflag:$0x2] =	stream.indirect_vreg.gather [hbm4b:s4+s2], $0x80, v63, vm0, $0xb8;
	[tilespmem:$0x10400] =	vst v63  }
0x41d: {  	_ = 	snop  }
0x41e: {  	[tilespmem:s10], [sflag:$0x2] =	stream.indirect_vreg.gather [hbm4b:s4+s2], $0x80, v49, vm0, $0xb8;
	[tilespmem:$0x10400] =	vst v63  }
0x41f: {  	v49 =	vld [tilespmem:$0xE0];
	_ =	sdelay $0x4  }
0x420: {  	v55 =	vshll.u32 v49, $0x7  }
0x421: {  	v49 =	vand.u32 $0x7, v49;
	v50 =	vand.u32 $0xFFFFFC00, v55  }
0x422: {  	v49 =	vor.u32 v49, v50  }
0x423: {  	v50 =	vperm.xlane v49, v1;
	_ =	sdelay $0x1  }
0x424: {  	v56 =	vperm.xlane v49, v3;
	v50 =	vadd.s32 v2, v50;
	_ =	sdelay $0x1  }
0x425: {  	s0 =	sld [smem:$0x6EF];
	v57 =	vperm.xlane v49, v33;
	v51 =	vadd.s32 v2, v56;
	_ =	sdelay $0x1  }
0x426: {  	s10 =	sld [smem:$0x6F0];
	v58 =	vperm.xlane v49, v4;
	v52 =	vadd.s32 v2, v57  }
0x427: {  	[tilespmem:s0], [sflag:$0x2] =	stream.indirect_vreg.gather [hbm4b:s4+s2], $0x80, v50, vm0, $0xb8;
	[tilespmem:$0x10400] =	vst v63  }
0x428: {  	v60 =	vperm.xlane v49, v5;
	v59 =	vadd.s32 v2, v58;
	s0 =	sld [smem:$0x6F1]  }
0x429: {  	[tilespmem:s10], [sflag:$0x2] =	stream.indirect_vreg.gather [hbm4b:s4+s2], $0x80, v51, vm0, $0xb8;
	[tilespmem:$0x10400] =	vst v63  }
0x42a: {  	v62 =	vperm.xlane v49, v27;
	v61 =	vadd.s32 v2, v60;
	s10 =	sld [smem:$0x6F2]  }
0x42b: {  	[tilespmem:s0], [sflag:$0x2] =	stream.indirect_vreg.gather [hbm4b:s4+s2], $0x80, v52, vm0, $0xb8;
	[tilespmem:$0x10400] =	vst v63  }
0x42c: {  	v63 =	vadd.s32 v2, v62;
	v56 =	vperm.xlane v49, v6;
	s0 =	sld [smem:$0x6F3]  }
0x42d: {  	[tilespmem:s10], [sflag:$0x2] =	stream.indirect_vreg.gather [hbm4b:s4+s2], $0x80, v59, vm0, $0xb8;
	[tilespmem:$0x10400] =	vst v63  }
0x42e: {  	v58 =	vperm.xlane v49, v0;
	v57 =	vadd.s32 v2, v56;
	s10 =	sld [smem:$0x6F4]  }
0x42f: {  	[tilespmem:s0], [sflag:$0x2] =	stream.indirect_vreg.gather [hbm4b:s4+s2], $0x80, v61, vm0, $0xb8;
	[tilespmem:$0x10400] =	vst v63  }
0x430: {  	v60 =	vperm.xlane v49, v7;
	v59 =	vadd.s32 v2, v58;
	s0 =	sld [smem:$0x6F5]  }
0x431: {  	[tilespmem:s10], [sflag:$0x2] =	stream.indirect_vreg.gather [hbm4b:s4+s2], $0x80, v63, vm0, $0xb8;
	[tilespmem:$0x10400] =	vst v63  }
0x432: {  	v62 =	vperm.xlane v49, v8;
	v61 =	vadd.s32 v2, v60;
	s10 =	sld [smem:$0x6F6]  }
0x433: {  	[tilespmem:s0], [sflag:$0x2] =	stream.indirect_vreg.gather [hbm4b:s4+s2], $0x80, v57, vm0, $0xb8;
	[tilespmem:$0x10400] =	vst v63  }
0x434: {  	v56 =	vperm.xlane v49, v10;
	v63 =	vadd.s32 v2, v62;
	s0 =	sld [smem:$0x6F7]  }
0x435: {  	[tilespmem:s10], [sflag:$0x2] =	stream.indirect_vreg.gather [hbm4b:s4+s2], $0x80, v59, vm0, $0xb8;
	[tilespmem:$0x10400] =	vst v63  }
0x436: {  	v58 =	vperm.xlane v49, v11;
	v57 =	vadd.s32 v2, v56;
	s10 =	sld [smem:$0x6F8]  }
0x437: {  	[tilespmem:s0], [sflag:$0x2] =	stream.indirect_vreg.gather [hbm4b:s4+s2], $0x80, v61, vm0, $0xb8;
	[tilespmem:$0x10400] =	vst v63  }
0x438: {  	v60 =	vperm.xlane v49, v12;
	v59 =	vadd.s32 v2, v58;
	s0 =	sld [smem:$0x6F9]  }
0x439: {  	[tilespmem:s10], [sflag:$0x2] =	stream.indirect_vreg.gather [hbm4b:s4+s2], $0x80, v63, vm0, $0xb8;
	[tilespmem:$0x10400] =	vst v63  }
0x43a: {  	v62 =	vperm.xlane v49, v13;
	v61 =	vadd.s32 v2, v60;
	s10 =	sld [smem:$0x6FA]  }
0x43b: {  	[tilespmem:s0], [sflag:$0x2] =	stream.indirect_vreg.gather [hbm4b:s4+s2], $0x80, v57, vm0, $0xb8;
	[tilespmem:$0x10400] =	vst v63  }
0x43c: {  	v56 =	vperm.xlane v49, v14;
	v63 =	vadd.s32 v2, v62;
	s0 =	sld [smem:$0x6FB]  }
0x43d: {  	[tilespmem:s10], [sflag:$0x2] =	stream.indirect_vreg.gather [hbm4b:s4+s2], $0x80, v59, vm0, $0xb8;
	[tilespmem:$0x10400] =	vst v63  }
0x43e: {  	v49 =	vperm.xlane v49, v39;
	v57 =	vadd.s32 v2, v56;
	s10 =	sld [smem:$0x6FC]  }
0x43f: {  	[tilespmem:s0], [sflag:$0x2] =	stream.indirect_vreg.gather [hbm4b:s4+s2], $0x80, v61, vm0, $0xb8;
	[tilespmem:$0x10400] =	vst v63  }
0x440: {  	v49 =	vadd.s32 v2, v49;
	s0 =	sld [smem:$0x6FD]  }
0x441: {  	[tilespmem:s10], [sflag:$0x2] =	stream.indirect_vreg.gather [hbm4b:s4+s2], $0x80, v63, vm0, $0xb8;
	[tilespmem:$0x10400] =	vst v63  }
0x442: {  	s10 =	sld [smem:$0x6FE]  }
0x443: {  	[tilespmem:s0], [sflag:$0x2] =	stream.indirect_vreg.gather [hbm4b:s4+s2], $0x80, v57, vm0, $0xb8;
	[tilespmem:$0x10400] =	vst v63  }
0x444: {  	_ = 	snop  }
0x445: {  	[tilespmem:s10], [sflag:$0x2] =	stream.indirect_vreg.gather [hbm4b:s4+s2], $0x80, v49, vm0, $0xb8;
	[tilespmem:$0x10400] =	vst v63  }
0x446: {  	v49 =	vld [tilespmem:$0xF0];
	_ =	sdelay $0x4  }
0x447: {  	v58 =	vshll.u32 v49, $0x7  }
0x448: {  	v49 =	vand.u32 $0x7, v49;
	v50 =	vand.u32 $0xFFFFFC00, v58  }
0x449: {  	v49 =	vor.u32 v49, v50  }
0x44a: {  	v50 =	vperm.xlane v49, v1;
	_ =	sdelay $0x1  }
0x44b: {  	v59 =	vperm.xlane v49, v3;
	v50 =	vadd.s32 v2, v50;
	_ =	sdelay $0x1  }
0x44c: {  	s0 =	sld [smem:$0x6FF];
	v60 =	vperm.xlane v49, v33;
	v51 =	vadd.s32 v2, v59;
	_ =	sdelay $0x1  }
0x44d: {  	s10 =	sld [smem:$0x700];
	v61 =	vperm.xlane v49, v4;
	v52 =	vadd.s32 v2, v60  }
0x44e: {  	[tilespmem:s0], [sflag:$0x2] =	stream.indirect_vreg.gather [hbm4b:s4+s2], $0x80, v50, vm0, $0xb8;
	[tilespmem:$0x10400] =	vst v63  }
0x44f: {  	v63 =	vperm.xlane v49, v5;
	v62 =	vadd.s32 v2, v61;
	s0 =	sld [smem:$0x701]  }
0x450: {  	[tilespmem:s10], [sflag:$0x2] =	stream.indirect_vreg.gather [hbm4b:s4+s2], $0x80, v51, vm0, $0xb8;
	[tilespmem:$0x10400] =	vst v63  }
0x451: {  	v57 =	vperm.xlane v49, v27;
	v56 =	vadd.s32 v2, v63;
	s10 =	sld [smem:$0x702]  }
0x452: {  	[tilespmem:s0], [sflag:$0x2] =	stream.indirect_vreg.gather [hbm4b:s4+s2], $0x80, v52, vm0, $0xb8;
	[tilespmem:$0x10400] =	vst v63  }
0x453: {  	v58 =	vadd.s32 v2, v57;
	v59 =	vperm.xlane v49, v6;
	s0 =	sld [smem:$0x703]  }
0x454: {  	[tilespmem:s10], [sflag:$0x2] =	stream.indirect_vreg.gather [hbm4b:s4+s2], $0x80, v62, vm0, $0xb8;
	[tilespmem:$0x10400] =	vst v63  }
0x455: {  	v61 =	vperm.xlane v49, v0;
	v60 =	vadd.s32 v2, v59;
	s10 =	sld [smem:$0x704]  }
0x456: {  	[tilespmem:s0], [sflag:$0x2] =	stream.indirect_vreg.gather [hbm4b:s4+s2], $0x80, v56, vm0, $0xb8;
	[tilespmem:$0x10400] =	vst v63  }
0x457: {  	v63 =	vperm.xlane v49, v7;
	v62 =	vadd.s32 v2, v61;
	s0 =	sld [smem:$0x705]  }
0x458: {  	[tilespmem:s10], [sflag:$0x2] =	stream.indirect_vreg.gather [hbm4b:s4+s2], $0x80, v58, vm0, $0xb8;
	[tilespmem:$0x10400] =	vst v63  }
0x459: {  	v57 =	vperm.xlane v49, v8;
	v56 =	vadd.s32 v2, v63;
	s10 =	sld [smem:$0x706]  }
0x45a: {  	[tilespmem:s0], [sflag:$0x2] =	stream.indirect_vreg.gather [hbm4b:s4+s2], $0x80, v60, vm0, $0xb8;
	[tilespmem:$0x10400] =	vst v63  }
0x45b: {  	v59 =	vperm.xlane v49, v10;
	v58 =	vadd.s32 v2, v57;
	s0 =	sld [smem:$0x707]  }
0x45c: {  	[tilespmem:s10], [sflag:$0x2] =	stream.indirect_vreg.gather [hbm4b:s4+s2], $0x80, v62, vm0, $0xb8;
	[tilespmem:$0x10400] =	vst v63  }
0x45d: {  	v61 =	vperm.xlane v49, v11;
	v60 =	vadd.s32 v2, v59;
	s10 =	sld [smem:$0x708]  }
0x45e: {  	[tilespmem:s0], [sflag:$0x2] =	stream.indirect_vreg.gather [hbm4b:s4+s2], $0x80, v56, vm0, $0xb8;
	[tilespmem:$0x10400] =	vst v63  }
0x45f: {  	v63 =	vperm.xlane v49, v12;
	v62 =	vadd.s32 v2, v61;
	s0 =	sld [smem:$0x709]  }
0x460: {  	[tilespmem:s10], [sflag:$0x2] =	stream.indirect_vreg.gather [hbm4b:s4+s2], $0x80, v58, vm0, $0xb8;
	[tilespmem:$0x10400] =	vst v63  }
0x461: {  	v57 =	vperm.xlane v49, v13;
	v56 =	vadd.s32 v2, v63;
	s10 =	sld [smem:$0x70A]  }
0x462: {  	[tilespmem:s0], [sflag:$0x2] =	stream.indirect_vreg.gather [hbm4b:s4+s2], $0x80, v60, vm0, $0xb8;
	[tilespmem:$0x10400] =	vst v63  }
0x463: {  	v59 =	vperm.xlane v49, v14;
	v58 =	vadd.s32 v2, v57;
	s0 =	sld [smem:$0x70B]  }
0x464: {  	[tilespmem:s10], [sflag:$0x2] =	stream.indirect_vreg.gather [hbm4b:s4+s2], $0x80, v62, vm0, $0xb8;
	[tilespmem:$0x10400] =	vst v63  }
0x465: {  	v49 =	vperm.xlane v49, v39;
	v60 =	vadd.s32 v2, v59;
	s10 =	sld [smem:$0x70C]  }
0x466: {  	[tilespmem:s0], [sflag:$0x2] =	stream.indirect_vreg.gather [hbm4b:s4+s2], $0x80, v56, vm0, $0xb8;
	[tilespmem:$0x10400] =	vst v63  }
0x467: {  	v49 =	vadd.s32 v2, v49;
	s0 =	sld [smem:$0x70D]  }
0x468: {  	[tilespmem:s10], [sflag:$0x2] =	stream.indirect_vreg.gather [hbm4b:s4+s2], $0x80, v58, vm0, $0xb8;
	[tilespmem:$0x10400] =	vst v63  }
0x469: {  	s10 =	sld [smem:$0x70F]  }
0x46a: {  	[tilespmem:s0], [sflag:$0x2] =	stream.indirect_vreg.gather [hbm4b:s4+s2], $0x80, v60, vm0, $0xb8;
	[tilespmem:$0x10400] =	vst v63  }
0x46b: {  	_ = 	snop  }
0x46c: {  	[tilespmem:s10], [sflag:$0x2] =	stream.indirect_vreg.gather [hbm4b:s4+s2], $0x80, v49, vm0, $0xb8;
	[tilespmem:$0x10400] =	vst v63  }
0x46d: {  	v49 =	vld [tilespmem:$0x100];
	_ =	sdelay $0x4  }
0x46e: {  	v61 =	vshll.u32 v49, $0x7  }
0x46f: {  	v49 =	vand.u32 $0x7, v49;
	v50 =	vand.u32 $0xFFFFFC00, v61  }
0x470: {  	v49 =	vor.u32 v49, v50  }
0x471: {  	v50 =	vperm.xlane v49, v1;
	_ =	sdelay $0x1  }
0x472: {  	v62 =	vperm.xlane v49, v3;
	v50 =	vadd.s32 v2, v50;
	_ =	sdelay $0x1  }
0x473: {  	s0 =	sld [smem:$0x710];
	v63 =	vperm.xlane v49, v33;
	v51 =	vadd.s32 v2, v62;
	_ =	sdelay $0x1  }
0x474: {  	s10 =	sld [smem:$0x711];
	v56 =	vperm.xlane v49, v4;
	v52 =	vadd.s32 v2, v63  }
0x475: {  	[tilespmem:s0], [sflag:$0x3] =	stream.indirect_vreg.gather [hbm4b:s5+s2], $0x80, v50, vm0, $0xb8;
	[tilespmem:$0x10400] =	vst v63  }
0x476: {  	v58 =	vperm.xlane v49, v5;
	v57 =	vadd.s32 v2, v56;
	s0 =	sld [smem:$0x728]  }
0x477: {  	[tilespmem:s10], [sflag:$0x3] =	stream.indirect_vreg.gather [hbm4b:s5+s2], $0x80, v51, vm0, $0xb8;
	[tilespmem:$0x10400] =	vst v63  }
0x478: {  	v60 =	vperm.xlane v49, v27;
	v59 =	vadd.s32 v2, v58;
	s10 =	sld [smem:$0x72E]  }
0x479: {  	[tilespmem:s0], [sflag:$0x3] =	stream.indirect_vreg.gather [hbm4b:s5+s2], $0x80, v52, vm0, $0xb8;
	[tilespmem:$0x10400] =	vst v63  }
0x47a: {  	v61 =	vadd.s32 v2, v60;
	v62 =	vperm.xlane v49, v6;
	s0 =	sld [smem:$0x735]  }
0x47b: {  	[tilespmem:s10], [sflag:$0x3] =	stream.indirect_vreg.gather [hbm4b:s5+s2], $0x80, v57, vm0, $0xb8;
	[tilespmem:$0x10400] =	vst v63  }
0x47c: {  	v56 =	vperm.xlane v49, v0;
	v63 =	vadd.s32 v2, v62;
	s10 =	sld [smem:$0x736]  }
0x47d: {  	[tilespmem:s0], [sflag:$0x3] =	stream.indirect_vreg.gather [hbm4b:s5+s2], $0x80, v59, vm0, $0xb8;
	[tilespmem:$0x10400] =	vst v63  }
0x47e: {  	v58 =	vperm.xlane v49, v7;
	v57 =	vadd.s32 v2, v56;
	s0 =	sld [smem:$0x737]  }
0x47f: {  	[tilespmem:s10], [sflag:$0x3] =	stream.indirect_vreg.gather [hbm4b:s5+s2], $0x80, v61, vm0, $0xb8;
	[tilespmem:$0x10400] =	vst v63  }
0x480: {  	v60 =	vperm.xlane v49, v8;
	v59 =	vadd.s32 v2, v58;
	s10 =	sld [smem:$0x738]  }
0x481: {  	[tilespmem:s0], [sflag:$0x3] =	stream.indirect_vreg.gather [hbm4b:s5+s2], $0x80, v63, vm0, $0xb8;
	[tilespmem:$0x10400] =	vst v63  }
0x482: {  	v62 =	vperm.xlane v49, v10;
	v61 =	vadd.s32 v2, v60;
	s0 =	sld [smem:$0x739]  }
0x483: {  	[tilespmem:s10], [sflag:$0x3] =	stream.indirect_vreg.gather [hbm4b:s5+s2], $0x80, v57, vm0, $0xb8;
	[tilespmem:$0x10400] =	vst v63  }
0x484: {  	v56 =	vperm.xlane v49, v11;
	v63 =	vadd.s32 v2, v62;
	s10 =	sld [smem:$0x73A]  }
0x485: {  	[tilespmem:s0], [sflag:$0x3] =	stream.indirect_vreg.gather [hbm4b:s5+s2], $0x80, v59, vm0, $0xb8;
	[tilespmem:$0x10400] =	vst v63  }
0x486: {  	v58 =	vperm.xlane v49, v12;
	v57 =	vadd.s32 v2, v56;
	s0 =	sld [smem:$0x73B]  }
0x487: {  	[tilespmem:s10], [sflag:$0x3] =	stream.indirect_vreg.gather [hbm4b:s5+s2], $0x80, v61, vm0, $0xb8;
	[tilespmem:$0x10400] =	vst v63  }
0x488: {  	v60 =	vperm.xlane v49, v13;
	v59 =	vadd.s32 v2, v58;
	s10 =	sld [smem:$0x73C]  }
0x489: {  	[tilespmem:s0], [sflag:$0x3] =	stream.indirect_vreg.gather [hbm4b:s5+s2], $0x80, v63, vm0, $0xb8;
	[tilespmem:$0x10400] =	vst v63  }
0x48a: {  	v62 =	vperm.xlane v49, v14;
	v61 =	vadd.s32 v2, v60;
	s0 =	sld [smem:$0x73D]  }
0x48b: {  	[tilespmem:s10], [sflag:$0x3] =	stream.indirect_vreg.gather [hbm4b:s5+s2], $0x80, v57, vm0, $0xb8;
	[tilespmem:$0x10400] =	vst v63  }
0x48c: {  	v49 =	vperm.xlane v49, v39;
	v63 =	vadd.s32 v2, v62;
	s10 =	sld [smem:$0x73E]  }
0x48d: {  	[tilespmem:s0], [sflag:$0x3] =	stream.indirect_vreg.gather [hbm4b:s5+s2], $0x80, v59, vm0, $0xb8;
	[tilespmem:$0x10400] =	vst v63  }
0x48e: {  	v49 =	vadd.s32 v2, v49;
	s0 =	sld [smem:$0x73F]  }
0x48f: {  	[tilespmem:s10], [sflag:$0x3] =	stream.indirect_vreg.gather [hbm4b:s5+s2], $0x80, v61, vm0, $0xb8;
	[tilespmem:$0x10400] =	vst v63  }
0x490: {  	s10 =	sld [smem:$0x740]  }
0x491: {  	[tilespmem:s0], [sflag:$0x3] =	stream.indirect_vreg.gather [hbm4b:s5+s2], $0x80, v63, vm0, $0xb8;
	[tilespmem:$0x10400] =	vst v63  }
0x492: {  	_ = 	snop  }
0x493: {  	[tilespmem:s10], [sflag:$0x3] =	stream.indirect_vreg.gather [hbm4b:s5+s2], $0x80, v49, vm0, $0xb8;
	[tilespmem:$0x10400] =	vst v63  }
0x494: {  	v49 =	vld [tilespmem:$0x110];
	_ =	sdelay $0x4  }
0x495: {  	v54 =	vshll.u32 v49, $0x7  }
0x496: {  	v49 =	vand.u32 $0x7, v49;
	v50 =	vand.u32 $0xFFFFFC00, v54  }
0x497: {  	v49 =	vor.u32 v49, v50  }
0x498: {  	v50 =	vperm.xlane v49, v1;
	_ =	sdelay $0x1  }
0x499: {  	v55 =	vperm.xlane v49, v3;
	v50 =	vadd.s32 v2, v50;
	_ =	sdelay $0x1  }
0x49a: {  	s0 =	sld [smem:$0x741];
	v56 =	vperm.xlane v49, v33;
	v51 =	vadd.s32 v2, v55;
	_ =	sdelay $0x1  }
0x49b: {  	s10 =	sld [smem:$0x742];
	v57 =	vperm.xlane v49, v4;
	v52 =	vadd.s32 v2, v56  }
0x49c: {  	[tilespmem:s0], [sflag:$0x3] =	stream.indirect_vreg.gather [hbm4b:s5+s2], $0x80, v50, vm0, $0xb8;
	[tilespmem:$0x10400] =	vst v63  }
0x49d: {  	v59 =	vperm.xlane v49, v5;
	v58 =	vadd.s32 v2, v57;
	s0 =	sld [smem:$0x729]  }
0x49e: {  	[tilespmem:s10], [sflag:$0x3] =	stream.indirect_vreg.gather [hbm4b:s5+s2], $0x80, v51, vm0, $0xb8;
	[tilespmem:$0x10400] =	vst v63  }
0x49f: {  	v61 =	vperm.xlane v49, v27;
	v60 =	vadd.s32 v2, v59;
	s10 =	sld [smem:$0x72A]  }
0x4a0: {  	[tilespmem:s0], [sflag:$0x3] =	stream.indirect_vreg.gather [hbm4b:s5+s2], $0x80, v52, vm0, $0xb8;
	[tilespmem:$0x10400] =	vst v63  }
0x4a1: {  	v63 =	vperm.xlane v49, v6;
	v62 =	vadd.s32 v2, v61;
	s0 =	sld [smem:$0x72B]  }
0x4a2: {  	[tilespmem:s10], [sflag:$0x3] =	stream.indirect_vreg.gather [hbm4b:s5+s2], $0x80, v58, vm0, $0xb8;
	[tilespmem:$0x10400] =	vst v63  }
0x4a3: {  	v56 =	vadd.s32 v2, v63;
	v57 =	vperm.xlane v49, v0;
	s10 =	sld [smem:$0x72C]  }
0x4a4: {  	[tilespmem:s0], [sflag:$0x3] =	stream.indirect_vreg.gather [hbm4b:s5+s2], $0x80, v60, vm0, $0xb8;
	[tilespmem:$0x10400] =	vst v63  }
0x4a5: {  	v59 =	vperm.xlane v49, v7;
	v58 =	vadd.s32 v2, v57;
	s0 =	sld [smem:$0x72D]  }
0x4a6: {  	[tilespmem:s10], [sflag:$0x3] =	stream.indirect_vreg.gather [hbm4b:s5+s2], $0x80, v62, vm0, $0xb8;
	[tilespmem:$0x10400] =	vst v63  }
0x4a7: {  	v61 =	vperm.xlane v49, v8;
	v60 =	vadd.s32 v2, v59;
	s10 =	sld [smem:$0x725]  }
0x4a8: {  	[tilespmem:s0], [sflag:$0x3] =	stream.indirect_vreg.gather [hbm4b:s5+s2], $0x80, v56, vm0, $0xb8;
	[tilespmem:$0x10400] =	vst v63  }
0x4a9: {  	v63 =	vperm.xlane v49, v10;
	v62 =	vadd.s32 v2, v61;
	s0 =	sld [smem:$0x726]  }
0x4aa: {  	[tilespmem:s10], [sflag:$0x3] =	stream.indirect_vreg.gather [hbm4b:s5+s2], $0x80, v58, vm0, $0xb8;
	[tilespmem:$0x10400] =	vst v63  }
0x4ab: {  	v57 =	vperm.xlane v49, v11;
	v56 =	vadd.s32 v2, v63;
	s10 =	sld [smem:$0x727]  }
0x4ac: {  	[tilespmem:s0], [sflag:$0x3] =	stream.indirect_vreg.gather [hbm4b:s5+s2], $0x80, v60, vm0, $0xb8;
	[tilespmem:$0x10400] =	vst v63  }
0x4ad: {  	v59 =	vperm.xlane v49, v12;
	v58 =	vadd.s32 v2, v57;
	s0 =	sld [smem:$0x743]  }
0x4ae: {  	[tilespmem:s10], [sflag:$0x3] =	stream.indirect_vreg.gather [hbm4b:s5+s2], $0x80, v62, vm0, $0xb8;
	[tilespmem:$0x10400] =	vst v63  }
0x4af: {  	v61 =	vperm.xlane v49, v13;
	v60 =	vadd.s32 v2, v59;
	s10 =	sld [smem:$0x744]  }
0x4b0: {  	[tilespmem:s0], [sflag:$0x3] =	stream.indirect_vreg.gather [hbm4b:s5+s2], $0x80, v56, vm0, $0xb8;
	[tilespmem:$0x10400] =	vst v63  }
0x4b1: {  	v63 =	vperm.xlane v49, v14;
	v62 =	vadd.s32 v2, v61;
	s0 =	sld [smem:$0x745]  }
0x4b2: {  	[tilespmem:s10], [sflag:$0x3] =	stream.indirect_vreg.gather [hbm4b:s5+s2], $0x80, v58, vm0, $0xb8;
	[tilespmem:$0x10400] =	vst v63  }
0x4b3: {  	v49 =	vperm.xlane v49, v39;
	v56 =	vadd.s32 v2, v63;
	s10 =	sld [smem:$0x746]  }
0x4b4: {  	[tilespmem:s0], [sflag:$0x3] =	stream.indirect_vreg.gather [hbm4b:s5+s2], $0x80, v60, vm0, $0xb8;
	[tilespmem:$0x10400] =	vst v63  }
0x4b5: {  	v49 =	vadd.s32 v2, v49;
	s0 =	sld [smem:$0x747]  }
0x4b6: {  	[tilespmem:s10], [sflag:$0x3] =	stream.indirect_vreg.gather [hbm4b:s5+s2], $0x80, v62, vm0, $0xb8;
	[tilespmem:$0x10400] =	vst v63  }
0x4b7: {  	s10 =	sld [smem:$0x748]  }
0x4b8: {  	[tilespmem:s0], [sflag:$0x3] =	stream.indirect_vreg.gather [hbm4b:s5+s2], $0x80, v56, vm0, $0xb8;
	[tilespmem:$0x10400] =	vst v63  }
0x4b9: {  	_ = 	snop  }
0x4ba: {  	[tilespmem:s10], [sflag:$0x3] =	stream.indirect_vreg.gather [hbm4b:s5+s2], $0x80, v49, vm0, $0xb8;
	[tilespmem:$0x10400] =	vst v63  }
0x4bb: {  	v49 =	vld [tilespmem:$0x120];
	_ =	sdelay $0x4  }
0x4bc: {  	v57 =	vshll.u32 v49, $0x7  }
0x4bd: {  	v49 =	vand.u32 $0x7, v49;
	v50 =	vand.u32 $0xFFFFFC00, v57  }
0x4be: {  	v49 =	vor.u32 v49, v50  }
0x4bf: {  	v50 =	vperm.xlane v49, v1;
	_ =	sdelay $0x1  }
0x4c0: {  	v58 =	vperm.xlane v49, v3;
	v50 =	vadd.s32 v2, v50;
	_ =	sdelay $0x1  }
0x4c1: {  	s0 =	sld [smem:$0x749];
	v59 =	vperm.xlane v49, v33;
	v51 =	vadd.s32 v2, v58;
	_ =	sdelay $0x1  }
0x4c2: {  	s10 =	sld [smem:$0x74A];
	v60 =	vperm.xlane v49, v4;
	v52 =	vadd.s32 v2, v59  }
0x4c3: {  	[tilespmem:s0], [sflag:$0x3] =	stream.indirect_vreg.gather [hbm4b:s5+s2], $0x80, v50, vm0, $0xb8;
	[tilespmem:$0x10400] =	vst v63  }
0x4c4: {  	v62 =	vperm.xlane v49, v5;
	v61 =	vadd.s32 v2, v60;
	s0 =	sld [smem:$0x74B]  }
0x4c5: {  	[tilespmem:s10], [sflag:$0x3] =	stream.indirect_vreg.gather [hbm4b:s5+s2], $0x80, v51, vm0, $0xb8;
	[tilespmem:$0x10400] =	vst v63  }
0x4c6: {  	v56 =	vperm.xlane v49, v27;
	v63 =	vadd.s32 v2, v62;
	s10 =	sld [smem:$0x74C]  }
0x4c7: {  	[tilespmem:s0], [sflag:$0x3] =	stream.indirect_vreg.gather [hbm4b:s5+s2], $0x80, v52, vm0, $0xb8;
	[tilespmem:$0x10400] =	vst v63  }
0x4c8: {  	v57 =	vadd.s32 v2, v56;
	v58 =	vperm.xlane v49, v6;
	s0 =	sld [smem:$0x74D]  }
0x4c9: {  	[tilespmem:s10], [sflag:$0x3] =	stream.indirect_vreg.gather [hbm4b:s5+s2], $0x80, v61, vm0, $0xb8;
	[tilespmem:$0x10400] =	vst v63  }
0x4ca: {  	v60 =	vperm.xlane v49, v0;
	v59 =	vadd.s32 v2, v58;
	s10 =	sld [smem:$0x724]  }
0x4cb: {  	[tilespmem:s0], [sflag:$0x3] =	stream.indirect_vreg.gather [hbm4b:s5+s2], $0x80, v63, vm0, $0xb8;
	[tilespmem:$0x10400] =	vst v63  }
0x4cc: {  	v62 =	vperm.xlane v49, v7;
	v61 =	vadd.s32 v2, v60;
	s0 =	sld [smem:$0x723]  }
0x4cd: {  	[tilespmem:s10], [sflag:$0x3] =	stream.indirect_vreg.gather [hbm4b:s5+s2], $0x80, v57, vm0, $0xb8;
	[tilespmem:$0x10400] =	vst v63  }
0x4ce: {  	v56 =	vperm.xlane v49, v8;
	v63 =	vadd.s32 v2, v62;
	s10 =	sld [smem:$0x722]  }
0x4cf: {  	[tilespmem:s0], [sflag:$0x3] =	stream.indirect_vreg.gather [hbm4b:s5+s2], $0x80, v59, vm0, $0xb8;
	[tilespmem:$0x10400] =	vst v63  }
0x4d0: {  	v57 =	vadd.s32 v2, v56;
	s0 =	sld [smem:$0x721]  }
0x4d1: {  	[tilespmem:s10], [sflag:$0x3] =	stream.indirect_vreg.gather [hbm4b:s5+s2], $0x80, v61, vm0, $0xb8;
	[tilespmem:$0x10400] =	vst v63  }
0x4d2: {  	v58 =	vperm.xlane v49, v10;
	s10 =	sld [smem:$0x720]  }
0x4d3: {  	[tilespmem:s0], [sflag:$0x3] =	stream.indirect_vreg.gather [hbm4b:s5+s2], $0x80, v63, vm0, $0xb8;
	[tilespmem:$0x10400] =	vst v63  }
0x4d4: {  	v51 =	vadd.s32 v2, v58;
	v59 =	vperm.xlane v49, v11  }
0x4d5: {  	[tilespmem:s10], [sflag:$0x3] =	stream.indirect_vreg.gather [hbm4b:s5+s2], $0x80, v57, vm0, $0xb8;
	[tilespmem:$0x10400] =	vst v63  }
0x4d6: {  	v60 =	vadd.s32 v2, v59;
	v61 =	vperm.xlane v49, v12;
	s0 =	sld [smem:$0x71F];
	_ =	sdelay $0x1  }
0x4d7: {  	v62 =	vperm.xlane v49, v13;
	v52 =	vadd.s32 v2, v61;
	s10 =	sld [smem:$0x71E]  }
0x4d8: {  	[tilespmem:s0], [sflag:$0x3] =	stream.indirect_vreg.gather [hbm4b:s5+s2], $0x80, v51, vm0, $0xb8;
	[tilespmem:$0x10400] =	vst v63  }
0x4d9: {  	v56 =	vperm.xlane v49, v14;
	v63 =	vadd.s32 v2, v62;
	s0 =	sld [smem:$0x71D]  }
0x4da: {  	[tilespmem:s10], [sflag:$0x3] =	stream.indirect_vreg.gather [hbm4b:s5+s2], $0x80, v60, vm0, $0xb8;
	[tilespmem:$0x10400] =	vst v63  }
0x4db: {  	v49 =	vperm.xlane v49, v39;
	v57 =	vadd.s32 v2, v56;
	s10 =	sld [smem:$0x71C]  }
0x4dc: {  	[tilespmem:s0], [sflag:$0x3] =	stream.indirect_vreg.gather [hbm4b:s5+s2], $0x80, v52, vm0, $0xb8;
	[tilespmem:$0x10400] =	vst v63  }
0x4dd: {  	v49 =	vadd.s32 v2, v49;
	s0 =	sld [smem:$0x71B]  }
0x4de: {  	[tilespmem:s10], [sflag:$0x3] =	stream.indirect_vreg.gather [hbm4b:s5+s2], $0x80, v63, vm0, $0xb8;
	[tilespmem:$0x10400] =	vst v63  }
0x4df: {  	s10 =	sld [smem:$0x71A]  }
0x4e0: {  	[tilespmem:s0], [sflag:$0x3] =	stream.indirect_vreg.gather [hbm4b:s5+s2], $0x80, v57, vm0, $0xb8;
	[tilespmem:$0x10400] =	vst v63  }
0x4e1: {  	_ = 	snop  }
0x4e2: {  	[tilespmem:s10], [sflag:$0x3] =	stream.indirect_vreg.gather [hbm4b:s5+s2], $0x80, v49, vm0, $0xb8;
	[tilespmem:$0x10400] =	vst v63  }
0x4e3: {  	v49 =	vld [tilespmem:$0x130];
	_ =	sdelay $0x4  }
0x4e4: {  	v58 =	vshll.u32 v49, $0x7  }
0x4e5: {  	v49 =	vand.u32 $0x7, v49;
	v50 =	vand.u32 $0xFFFFFC00, v58  }
0x4e6: {  	v49 =	vor.u32 v49, v50  }
0x4e7: {  	v50 =	vperm.xlane v49, v1;
	_ =	sdelay $0x1  }
0x4e8: {  	v59 =	vperm.xlane v49, v3;
	v50 =	vadd.s32 v2, v50;
	_ =	sdelay $0x1  }
0x4e9: {  	s0 =	sld [smem:$0x719];
	v60 =	vperm.xlane v49, v33;
	v51 =	vadd.s32 v2, v59;
	_ =	sdelay $0x1  }
0x4ea: {  	s10 =	sld [smem:$0x718];
	v61 =	vperm.xlane v49, v4;
	v52 =	vadd.s32 v2, v60  }
0x4eb: {  	[tilespmem:s0], [sflag:$0x3] =	stream.indirect_vreg.gather [hbm4b:s5+s2], $0x80, v50, vm0, $0xb8;
	[tilespmem:$0x10400] =	vst v63  }
0x4ec: {  	v63 =	vperm.xlane v49, v5;
	v62 =	vadd.s32 v2, v61;
	s0 =	sld [smem:$0x717]  }
0x4ed: {  	[tilespmem:s10], [sflag:$0x3] =	stream.indirect_vreg.gather [hbm4b:s5+s2], $0x80, v51, vm0, $0xb8;
	[tilespmem:$0x10400] =	vst v63  }
0x4ee: {  	v57 =	vperm.xlane v49, v27;
	v56 =	vadd.s32 v2, v63;
	s10 =	sld [smem:$0x716]  }
0x4ef: {  	[tilespmem:s0], [sflag:$0x3] =	stream.indirect_vreg.gather [hbm4b:s5+s2], $0x80, v52, vm0, $0xb8;
	[tilespmem:$0x10400] =	vst v63  }
0x4f0: {  	v58 =	vadd.s32 v2, v57;
	v59 =	vperm.xlane v49, v6;
	s0 =	sld [smem:$0x715]  }
0x4f1: {  	[tilespmem:s10], [sflag:$0x3] =	stream.indirect_vreg.gather [hbm4b:s5+s2], $0x80, v62, vm0, $0xb8;
	[tilespmem:$0x10400] =	vst v63  }
0x4f2: {  	v61 =	vperm.xlane v49, v0;
	v60 =	vadd.s32 v2, v59;
	s10 =	sld [smem:$0x714]  }
0x4f3: {  	[tilespmem:s0], [sflag:$0x3] =	stream.indirect_vreg.gather [hbm4b:s5+s2], $0x80, v56, vm0, $0xb8;
	[tilespmem:$0x10400] =	vst v63  }
0x4f4: {  	v63 =	vperm.xlane v49, v7;
	v62 =	vadd.s32 v2, v61;
	s0 =	sld [smem:$0x713]  }
0x4f5: {  	[tilespmem:s10], [sflag:$0x3] =	stream.indirect_vreg.gather [hbm4b:s5+s2], $0x80, v58, vm0, $0xb8;
	[tilespmem:$0x10400] =	vst v63  }
0x4f6: {  	v57 =	vperm.xlane v49, v8;
	v56 =	vadd.s32 v2, v63;
	s10 =	sld [smem:$0x712]  }
0x4f7: {  	[tilespmem:s0], [sflag:$0x3] =	stream.indirect_vreg.gather [hbm4b:s5+s2], $0x80, v60, vm0, $0xb8;
	[tilespmem:$0x10400] =	vst v63  }
0x4f8: {  	v59 =	vperm.xlane v49, v10;
	v58 =	vadd.s32 v2, v57;
	s0 =	sld [smem:$0x70E]  }
0x4f9: {  	[tilespmem:s10], [sflag:$0x3] =	stream.indirect_vreg.gather [hbm4b:s5+s2], $0x80, v62, vm0, $0xb8;
	[tilespmem:$0x10400] =	vst v63  }
0x4fa: {  	v61 =	vperm.xlane v49, v11;
	v60 =	vadd.s32 v2, v59;
	s10 =	sld [smem:$0x74E]  }
0x4fb: {  	[tilespmem:s0], [sflag:$0x3] =	stream.indirect_vreg.gather [hbm4b:s5+s2], $0x80, v56, vm0, $0xb8;
	[tilespmem:$0x10400] =	vst v63  }
0x4fc: {  	v63 =	vperm.xlane v49, v12;
	v62 =	vadd.s32 v2, v61;
	s0 =	sld [smem:$0x74F]  }
0x4fd: {  	[tilespmem:s10], [sflag:$0x3] =	stream.indirect_vreg.gather [hbm4b:s5+s2], $0x80, v58, vm0, $0xb8;
	[tilespmem:$0x10400] =	vst v63  }
0x4fe: {  	v57 =	vperm.xlane v49, v13;
	v56 =	vadd.s32 v2, v63;
	s10 =	sld [smem:$0x750]  }
0x4ff: {  	[tilespmem:s0], [sflag:$0x3] =	stream.indirect_vreg.gather [hbm4b:s5+s2], $0x80, v60, vm0, $0xb8;
	[tilespmem:$0x10400] =	vst v63  }
0x500: {  	v59 =	vperm.xlane v49, v14;
	v58 =	vadd.s32 v2, v57;
	s0 =	sld [smem:$0x751]  }
0x501: {  	[tilespmem:s10], [sflag:$0x3] =	stream.indirect_vreg.gather [hbm4b:s5+s2], $0x80, v62, vm0, $0xb8;
	[tilespmem:$0x10400] =	vst v63  }
0x502: {  	v49 =	vperm.xlane v49, v39;
	v60 =	vadd.s32 v2, v59;
	s10 =	sld [smem:$0x752]  }
0x503: {  	[tilespmem:s0], [sflag:$0x3] =	stream.indirect_vreg.gather [hbm4b:s5+s2], $0x80, v56, vm0, $0xb8;
	[tilespmem:$0x10400] =	vst v63  }
0x504: {  	v49 =	vadd.s32 v2, v49;
	s0 =	sld [smem:$0x72F]  }
0x505: {  	[tilespmem:s10], [sflag:$0x3] =	stream.indirect_vreg.gather [hbm4b:s5+s2], $0x80, v58, vm0, $0xb8;
	[tilespmem:$0x10400] =	vst v63  }
0x506: {  	s10 =	sld [smem:$0x730]  }
0x507: {  	[tilespmem:s0], [sflag:$0x3] =	stream.indirect_vreg.gather [hbm4b:s5+s2], $0x80, v60, vm0, $0xb8;
	[tilespmem:$0x10400] =	vst v63  }
0x508: {  	_ = 	snop  }
0x509: {  	[tilespmem:s10], [sflag:$0x3] =	stream.indirect_vreg.gather [hbm4b:s5+s2], $0x80, v49, vm0, $0xb8;
	[tilespmem:$0x10400] =	vst v63  }
0x50a: {  	v49 =	vld [tilespmem:$0x140];
	_ =	sdelay $0x4  }
0x50b: {  	v61 =	vshll.u32 v49, $0x7  }
0x50c: {  	v49 =	vand.u32 $0x7, v49;
	v50 =	vand.u32 $0xFFFFFC00, v61  }
0x50d: {  	v49 =	vor.u32 v49, v50  }
0x50e: {  	v50 =	vperm.xlane v49, v1;
	_ =	sdelay $0x1  }
0x50f: {  	v62 =	vperm.xlane v49, v3;
	v50 =	vadd.s32 v2, v50;
	_ =	sdelay $0x1  }
0x510: {  	s0 =	sld [smem:$0x731];
	v63 =	vperm.xlane v49, v33;
	v51 =	vadd.s32 v2, v62;
	_ =	sdelay $0x1  }
0x511: {  	s10 =	sld [smem:$0x732];
	v56 =	vperm.xlane v49, v4;
	v52 =	vadd.s32 v2, v63  }
0x512: {  	[tilespmem:s0], [sflag:$0x3] =	stream.indirect_vreg.gather [hbm4b:s5+s2], $0x80, v50, vm0, $0xb8;
	[tilespmem:$0x10400] =	vst v63  }
0x513: {  	v58 =	vperm.xlane v49, v5;
	v57 =	vadd.s32 v2, v56;
	s0 =	sld [smem:$0x733]  }
0x514: {  	[tilespmem:s10], [sflag:$0x3] =	stream.indirect_vreg.gather [hbm4b:s5+s2], $0x80, v51, vm0, $0xb8;
	[tilespmem:$0x10400] =	vst v63  }
0x515: {  	v60 =	vperm.xlane v49, v27;
	v59 =	vadd.s32 v2, v58;
	s10 =	sld [smem:$0x734]  }
0x516: {  	[tilespmem:s0], [sflag:$0x3] =	stream.indirect_vreg.gather [hbm4b:s5+s2], $0x80, v52, vm0, $0xb8;
	[tilespmem:$0x10400] =	vst v63  }
0x517: {  	v61 =	vadd.s32 v2, v60;
	v62 =	vperm.xlane v49, v6;
	s0 =	sld [smem:$0x753]  }
0x518: {  	[tilespmem:s10], [sflag:$0x3] =	stream.indirect_vreg.gather [hbm4b:s5+s2], $0x80, v57, vm0, $0xb8;
	[tilespmem:$0x10400] =	vst v63  }
0x519: {  	v56 =	vperm.xlane v49, v0;
	v63 =	vadd.s32 v2, v62;
	s10 =	sld [smem:$0x754]  }
0x51a: {  	[tilespmem:s0], [sflag:$0x3] =	stream.indirect_vreg.gather [hbm4b:s5+s2], $0x80, v59, vm0, $0xb8;
	[tilespmem:$0x10400] =	vst v63  }
0x51b: {  	v58 =	vperm.xlane v49, v7;
	v57 =	vadd.s32 v2, v56;
	s0 =	sld [smem:$0x755]  }
0x51c: {  	[tilespmem:s10], [sflag:$0x3] =	stream.indirect_vreg.gather [hbm4b:s5+s2], $0x80, v61, vm0, $0xb8;
	[tilespmem:$0x10400] =	vst v63  }
0x51d: {  	v60 =	vperm.xlane v49, v8;
	v59 =	vadd.s32 v2, v58;
	s10 =	sld [smem:$0x756]  }
0x51e: {  	[tilespmem:s0], [sflag:$0x3] =	stream.indirect_vreg.gather [hbm4b:s5+s2], $0x80, v63, vm0, $0xb8;
	[tilespmem:$0x10400] =	vst v63  }
0x51f: {  	v62 =	vperm.xlane v49, v10;
	v61 =	vadd.s32 v2, v60;
	s0 =	sld [smem:$0x757]  }
0x520: {  	[tilespmem:s10], [sflag:$0x3] =	stream.indirect_vreg.gather [hbm4b:s5+s2], $0x80, v57, vm0, $0xb8;
	[tilespmem:$0x10400] =	vst v63  }
0x521: {  	v56 =	vperm.xlane v49, v11;
	v63 =	vadd.s32 v2, v62;
	s10 =	sld [smem:$0x758]  }
0x522: {  	[tilespmem:s0], [sflag:$0x3] =	stream.indirect_vreg.gather [hbm4b:s5+s2], $0x80, v59, vm0, $0xb8;
	[tilespmem:$0x10400] =	vst v63  }
0x523: {  	v58 =	vperm.xlane v49, v12;
	v57 =	vadd.s32 v2, v56;
	s0 =	sld [smem:$0x759]  }
0x524: {  	[tilespmem:s10], [sflag:$0x3] =	stream.indirect_vreg.gather [hbm4b:s5+s2], $0x80, v61, vm0, $0xb8;
	[tilespmem:$0x10400] =	vst v63  }
0x525: {  	v60 =	vperm.xlane v49, v13;
	v59 =	vadd.s32 v2, v58;
	s10 =	sld [smem:$0x75A]  }
0x526: {  	[tilespmem:s0], [sflag:$0x3] =	stream.indirect_vreg.gather [hbm4b:s5+s2], $0x80, v63, vm0, $0xb8;
	[tilespmem:$0x10400] =	vst v63  }
0x527: {  	v62 =	vperm.xlane v49, v14;
	v61 =	vadd.s32 v2, v60;
	s0 =	sld [smem:$0x75B]  }
0x528: {  	[tilespmem:s10], [sflag:$0x3] =	stream.indirect_vreg.gather [hbm4b:s5+s2], $0x80, v57, vm0, $0xb8;
	[tilespmem:$0x10400] =	vst v63  }
0x529: {  	v49 =	vperm.xlane v49, v39;
	v63 =	vadd.s32 v2, v62;
	s10 =	sld [smem:$0x75C]  }
0x52a: {  	[tilespmem:s0], [sflag:$0x3] =	stream.indirect_vreg.gather [hbm4b:s5+s2], $0x80, v59, vm0, $0xb8;
	[tilespmem:$0x10400] =	vst v63  }
0x52b: {  	v49 =	vadd.s32 v2, v49;
	s0 =	sld [smem:$0x75D]  }
0x52c: {  	[tilespmem:s10], [sflag:$0x3] =	stream.indirect_vreg.gather [hbm4b:s5+s2], $0x80, v61, vm0, $0xb8;
	[tilespmem:$0x10400] =	vst v63  }
0x52d: {  	s10 =	sld [smem:$0x75E]  }
0x52e: {  	[tilespmem:s0], [sflag:$0x3] =	stream.indirect_vreg.gather [hbm4b:s5+s2], $0x80, v63, vm0, $0xb8;
	[tilespmem:$0x10400] =	vst v63  }
0x52f: {  	_ = 	snop  }
0x530: {  	[tilespmem:s10], [sflag:$0x3] =	stream.indirect_vreg.gather [hbm4b:s5+s2], $0x80, v49, vm0, $0xb8;
	[tilespmem:$0x10400] =	vst v63  }
0x531: {  	v49 =	vld [tilespmem:$0x150];
	_ =	sdelay $0x4  }
0x532: {  	v55 =	vshll.u32 v49, $0x7  }
0x533: {  	v49 =	vand.u32 $0x7, v49;
	v50 =	vand.u32 $0xFFFFFC00, v55  }
0x534: {  	v49 =	vor.u32 v49, v50  }
0x535: {  	v50 =	vperm.xlane v49, v1;
	_ =	sdelay $0x1  }
0x536: {  	v56 =	vperm.xlane v49, v3;
	v50 =	vadd.s32 v2, v50;
	_ =	sdelay $0x1  }
0x537: {  	s0 =	sld [smem:$0x75F];
	v57 =	vperm.xlane v49, v33;
	v51 =	vadd.s32 v2, v56;
	_ =	sdelay $0x1  }
0x538: {  	s10 =	sld [smem:$0x760];
	v58 =	vperm.xlane v49, v4;
	v52 =	vadd.s32 v2, v57  }
0x539: {  	[tilespmem:s0], [sflag:$0x3] =	stream.indirect_vreg.gather [hbm4b:s5+s2], $0x80, v50, vm0, $0xb8;
	[tilespmem:$0x10400] =	vst v63  }
0x53a: {  	v60 =	vperm.xlane v49, v5;
	v59 =	vadd.s32 v2, v58;
	s0 =	sld [smem:$0x761]  }
0x53b: {  	[tilespmem:s10], [sflag:$0x3] =	stream.indirect_vreg.gather [hbm4b:s5+s2], $0x80, v51, vm0, $0xb8;
	[tilespmem:$0x10400] =	vst v63  }
0x53c: {  	v62 =	vperm.xlane v49, v27;
	v61 =	vadd.s32 v2, v60;
	s10 =	sld [smem:$0x762]  }
0x53d: {  	[tilespmem:s0], [sflag:$0x3] =	stream.indirect_vreg.gather [hbm4b:s5+s2], $0x80, v52, vm0, $0xb8;
	[tilespmem:$0x10400] =	vst v63  }
0x53e: {  	v63 =	vadd.s32 v2, v62;
	v56 =	vperm.xlane v49, v6;
	s0 =	sld [smem:$0x763]  }
0x53f: {  	[tilespmem:s10], [sflag:$0x3] =	stream.indirect_vreg.gather [hbm4b:s5+s2], $0x80, v59, vm0, $0xb8;
	[tilespmem:$0x10400] =	vst v63  }
0x540: {  	v58 =	vperm.xlane v49, v0;
	v57 =	vadd.s32 v2, v56;
	s10 =	sld [smem:$0x764]  }
0x541: {  	[tilespmem:s0], [sflag:$0x3] =	stream.indirect_vreg.gather [hbm4b:s5+s2], $0x80, v61, vm0, $0xb8;
	[tilespmem:$0x10400] =	vst v63  }
0x542: {  	v60 =	vperm.xlane v49, v7;
	v59 =	vadd.s32 v2, v58;
	s0 =	sld [smem:$0x765]  }
0x543: {  	[tilespmem:s10], [sflag:$0x3] =	stream.indirect_vreg.gather [hbm4b:s5+s2], $0x80, v63, vm0, $0xb8;
	[tilespmem:$0x10400] =	vst v63  }
0x544: {  	v62 =	vperm.xlane v49, v8;
	v61 =	vadd.s32 v2, v60;
	s10 =	sld [smem:$0x766]  }
0x545: {  	[tilespmem:s0], [sflag:$0x3] =	stream.indirect_vreg.gather [hbm4b:s5+s2], $0x80, v57, vm0, $0xb8;
	[tilespmem:$0x10400] =	vst v63  }
0x546: {  	v56 =	vperm.xlane v49, v10;
	v63 =	vadd.s32 v2, v62;
	s0 =	sld [smem:$0x767]  }
0x547: {  	[tilespmem:s10], [sflag:$0x3] =	stream.indirect_vreg.gather [hbm4b:s5+s2], $0x80, v59, vm0, $0xb8;
	[tilespmem:$0x10400] =	vst v63  }
0x548: {  	v58 =	vperm.xlane v49, v11;
	v57 =	vadd.s32 v2, v56;
	s10 =	sld [smem:$0x768]  }
0x549: {  	[tilespmem:s0], [sflag:$0x3] =	stream.indirect_vreg.gather [hbm4b:s5+s2], $0x80, v61, vm0, $0xb8;
	[tilespmem:$0x10400] =	vst v63  }
0x54a: {  	v60 =	vperm.xlane v49, v12;
	v59 =	vadd.s32 v2, v58;
	s0 =	sld [smem:$0x769]  }
0x54b: {  	[tilespmem:s10], [sflag:$0x3] =	stream.indirect_vreg.gather [hbm4b:s5+s2], $0x80, v63, vm0, $0xb8;
	[tilespmem:$0x10400] =	vst v63  }
0x54c: {  	v62 =	vperm.xlane v49, v13;
	v61 =	vadd.s32 v2, v60;
	s10 =	sld [smem:$0x76A]  }
0x54d: {  	[tilespmem:s0], [sflag:$0x3] =	stream.indirect_vreg.gather [hbm4b:s5+s2], $0x80, v57, vm0, $0xb8;
	[tilespmem:$0x10400] =	vst v63  }
0x54e: {  	v56 =	vperm.xlane v49, v14;
	v63 =	vadd.s32 v2, v62;
	s0 =	sld [smem:$0x76B]  }
0x54f: {  	[tilespmem:s10], [sflag:$0x3] =	stream.indirect_vreg.gather [hbm4b:s5+s2], $0x80, v59, vm0, $0xb8;
	[tilespmem:$0x10400] =	vst v63  }
0x550: {  	v49 =	vperm.xlane v49, v39;
	v57 =	vadd.s32 v2, v56;
	s10 =	sld [smem:$0x76C]  }
0x551: {  	[tilespmem:s0], [sflag:$0x3] =	stream.indirect_vreg.gather [hbm4b:s5+s2], $0x80, v61, vm0, $0xb8;
	[tilespmem:$0x10400] =	vst v63  }
0x552: {  	v49 =	vadd.s32 v2, v49;
	s0 =	sld [smem:$0x76D]  }
0x553: {  	[tilespmem:s10], [sflag:$0x3] =	stream.indirect_vreg.gather [hbm4b:s5+s2], $0x80, v63, vm0, $0xb8;
	[tilespmem:$0x10400] =	vst v63  }
0x554: {  	s10 =	sld [smem:$0x76E]  }
0x555: {  	[tilespmem:s0], [sflag:$0x3] =	stream.indirect_vreg.gather [hbm4b:s5+s2], $0x80, v57, vm0, $0xb8;
	[tilespmem:$0x10400] =	vst v63  }
0x556: {  	_ = 	snop  }
0x557: {  	[tilespmem:s10], [sflag:$0x3] =	stream.indirect_vreg.gather [hbm4b:s5+s2], $0x80, v49, vm0, $0xb8;
	[tilespmem:$0x10400] =	vst v63  }
0x558: {  	v49 =	vld [tilespmem:$0x160];
	_ =	sdelay $0x4  }
0x559: {  	v58 =	vshll.u32 v49, $0x7  }
0x55a: {  	v49 =	vand.u32 $0x7, v49;
	v50 =	vand.u32 $0xFFFFFC00, v58  }
0x55b: {  	v49 =	vor.u32 v49, v50  }
0x55c: {  	v50 =	vperm.xlane v49, v1;
	_ =	sdelay $0x1  }
0x55d: {  	v59 =	vperm.xlane v49, v3;
	v50 =	vadd.s32 v2, v50;
	_ =	sdelay $0x1  }
0x55e: {  	s0 =	sld [smem:$0x76F];
	v60 =	vperm.xlane v49, v33;
	v51 =	vadd.s32 v2, v59;
	_ =	sdelay $0x1  }
0x55f: {  	s10 =	sld [smem:$0x770];
	v61 =	vperm.xlane v49, v4;
	v52 =	vadd.s32 v2, v60  }
0x560: {  	[tilespmem:s0], [sflag:$0x3] =	stream.indirect_vreg.gather [hbm4b:s5+s2], $0x80, v50, vm0, $0xb8;
	[tilespmem:$0x10400] =	vst v63  }
0x561: {  	v63 =	vperm.xlane v49, v5;
	v62 =	vadd.s32 v2, v61;
	s0 =	sld [smem:$0x771]  }
0x562: {  	[tilespmem:s10], [sflag:$0x3] =	stream.indirect_vreg.gather [hbm4b:s5+s2], $0x80, v51, vm0, $0xb8;
	[tilespmem:$0x10400] =	vst v63  }
0x563: {  	v57 =	vperm.xlane v49, v27;
	v56 =	vadd.s32 v2, v63;
	s10 =	sld [smem:$0x772]  }
0x564: {  	[tilespmem:s0], [sflag:$0x3] =	stream.indirect_vreg.gather [hbm4b:s5+s2], $0x80, v52, vm0, $0xb8;
	[tilespmem:$0x10400] =	vst v63  }
0x565: {  	v58 =	vadd.s32 v2, v57;
	v59 =	vperm.xlane v49, v6;
	s0 =	sld [smem:$0x773]  }
0x566: {  	[tilespmem:s10], [sflag:$0x3] =	stream.indirect_vreg.gather [hbm4b:s5+s2], $0x80, v62, vm0, $0xb8;
	[tilespmem:$0x10400] =	vst v63  }
0x567: {  	v61 =	vperm.xlane v49, v0;
	v60 =	vadd.s32 v2, v59;
	s10 =	sld [smem:$0x774]  }
0x568: {  	[tilespmem:s0], [sflag:$0x3] =	stream.indirect_vreg.gather [hbm4b:s5+s2], $0x80, v56, vm0, $0xb8;
	[tilespmem:$0x10400] =	vst v63  }
0x569: {  	v63 =	vperm.xlane v49, v7;
	v62 =	vadd.s32 v2, v61;
	s0 =	sld [smem:$0x775]  }
0x56a: {  	[tilespmem:s10], [sflag:$0x3] =	stream.indirect_vreg.gather [hbm4b:s5+s2], $0x80, v58, vm0, $0xb8;
	[tilespmem:$0x10400] =	vst v63  }
0x56b: {  	v57 =	vperm.xlane v49, v8;
	v56 =	vadd.s32 v2, v63;
	s10 =	sld [smem:$0x776]  }
0x56c: {  	[tilespmem:s0], [sflag:$0x3] =	stream.indirect_vreg.gather [hbm4b:s5+s2], $0x80, v60, vm0, $0xb8;
	[tilespmem:$0x10400] =	vst v63  }
0x56d: {  	v59 =	vperm.xlane v49, v10;
	v58 =	vadd.s32 v2, v57;
	s0 =	sld [smem:$0x777]  }
0x56e: {  	[tilespmem:s10], [sflag:$0x3] =	stream.indirect_vreg.gather [hbm4b:s5+s2], $0x80, v62, vm0, $0xb8;
	[tilespmem:$0x10400] =	vst v63  }
0x56f: {  	v61 =	vperm.xlane v49, v11;
	v60 =	vadd.s32 v2, v59;
	s10 =	sld [smem:$0x778]  }
0x570: {  	[tilespmem:s0], [sflag:$0x3] =	stream.indirect_vreg.gather [hbm4b:s5+s2], $0x80, v56, vm0, $0xb8;
	[tilespmem:$0x10400] =	vst v63  }
0x571: {  	v63 =	vperm.xlane v49, v12;
	v62 =	vadd.s32 v2, v61;
	s0 =	sld [smem:$0x779]  }
0x572: {  	[tilespmem:s10], [sflag:$0x3] =	stream.indirect_vreg.gather [hbm4b:s5+s2], $0x80, v58, vm0, $0xb8;
	[tilespmem:$0x10400] =	vst v63  }
0x573: {  	v57 =	vperm.xlane v49, v13;
	v56 =	vadd.s32 v2, v63;
	s10 =	sld [smem:$0x77A]  }
0x574: {  	[tilespmem:s0], [sflag:$0x3] =	stream.indirect_vreg.gather [hbm4b:s5+s2], $0x80, v60, vm0, $0xb8;
	[tilespmem:$0x10400] =	vst v63  }
0x575: {  	v59 =	vperm.xlane v49, v14;
	v58 =	vadd.s32 v2, v57;
	s0 =	sld [smem:$0x77B]  }
0x576: {  	[tilespmem:s10], [sflag:$0x3] =	stream.indirect_vreg.gather [hbm4b:s5+s2], $0x80, v62, vm0, $0xb8;
	[tilespmem:$0x10400] =	vst v63  }
0x577: {  	v49 =	vperm.xlane v49, v39;
	v60 =	vadd.s32 v2, v59;
	s10 =	sld [smem:$0x77C]  }
0x578: {  	[tilespmem:s0], [sflag:$0x3] =	stream.indirect_vreg.gather [hbm4b:s5+s2], $0x80, v56, vm0, $0xb8;
	[tilespmem:$0x10400] =	vst v63  }
0x579: {  	v49 =	vadd.s32 v2, v49;
	s0 =	sld [smem:$0x77D]  }
0x57a: {  	[tilespmem:s10], [sflag:$0x3] =	stream.indirect_vreg.gather [hbm4b:s5+s2], $0x80, v58, vm0, $0xb8;
	[tilespmem:$0x10400] =	vst v63  }
0x57b: {  	s10 =	sld [smem:$0x77E]  }
0x57c: {  	[tilespmem:s0], [sflag:$0x3] =	stream.indirect_vreg.gather [hbm4b:s5+s2], $0x80, v60, vm0, $0xb8;
	[tilespmem:$0x10400] =	vst v63  }
0x57d: {  	_ = 	snop  }
0x57e: {  	[tilespmem:s10], [sflag:$0x3] =	stream.indirect_vreg.gather [hbm4b:s5+s2], $0x80, v49, vm0, $0xb8;
	[tilespmem:$0x10400] =	vst v63  }
0x57f: {  	v49 =	vld [tilespmem:$0x170];
	_ =	sdelay $0x4  }
0x580: {  	v61 =	vshll.u32 v49, $0x7  }
0x581: {  	v49 =	vand.u32 $0x7, v49;
	v50 =	vand.u32 $0xFFFFFC00, v61  }
0x582: {  	v49 =	vor.u32 v49, v50  }
0x583: {  	v50 =	vperm.xlane v49, v1;
	_ =	sdelay $0x1  }
0x584: {  	v62 =	vperm.xlane v49, v3;
	v50 =	vadd.s32 v2, v50;
	_ =	sdelay $0x1  }
0x585: {  	s0 =	sld [smem:$0x77F];
	v63 =	vperm.xlane v49, v33;
	v51 =	vadd.s32 v2, v62;
	_ =	sdelay $0x1  }
0x586: {  	s10 =	sld [smem:$0x780];
	v56 =	vperm.xlane v49, v4;
	v52 =	vadd.s32 v2, v63  }
0x587: {  	[tilespmem:s0], [sflag:$0x3] =	stream.indirect_vreg.gather [hbm4b:s5+s2], $0x80, v50, vm0, $0xb8;
	[tilespmem:$0x10400] =	vst v63  }
0x588: {  	v58 =	vperm.xlane v49, v5;
	v57 =	vadd.s32 v2, v56;
	s0 =	sld [smem:$0x781]  }
0x589: {  	[tilespmem:s10], [sflag:$0x3] =	stream.indirect_vreg.gather [hbm4b:s5+s2], $0x80, v51, vm0, $0xb8;
	[tilespmem:$0x10400] =	vst v63  }
0x58a: {  	v60 =	vperm.xlane v49, v27;
	v59 =	vadd.s32 v2, v58;
	s10 =	sld [smem:$0x782]  }
0x58b: {  	[tilespmem:s0], [sflag:$0x3] =	stream.indirect_vreg.gather [hbm4b:s5+s2], $0x80, v52, vm0, $0xb8;
	[tilespmem:$0x10400] =	vst v63  }
0x58c: {  	v61 =	vadd.s32 v2, v60;
	v62 =	vperm.xlane v49, v6;
	s0 =	sld [smem:$0x783]  }
0x58d: {  	[tilespmem:s10], [sflag:$0x3] =	stream.indirect_vreg.gather [hbm4b:s5+s2], $0x80, v57, vm0, $0xb8;
	[tilespmem:$0x10400] =	vst v63  }
0x58e: {  	v56 =	vperm.xlane v49, v0;
	v63 =	vadd.s32 v2, v62;
	s10 =	sld [smem:$0x784]  }
0x58f: {  	[tilespmem:s0], [sflag:$0x3] =	stream.indirect_vreg.gather [hbm4b:s5+s2], $0x80, v59, vm0, $0xb8;
	[tilespmem:$0x10400] =	vst v63  }
0x590: {  	v58 =	vperm.xlane v49, v7;
	v57 =	vadd.s32 v2, v56;
	s0 =	sld [smem:$0x785]  }
0x591: {  	[tilespmem:s10], [sflag:$0x3] =	stream.indirect_vreg.gather [hbm4b:s5+s2], $0x80, v61, vm0, $0xb8;
	[tilespmem:$0x10400] =	vst v63  }
0x592: {  	v60 =	vperm.xlane v49, v8;
	v59 =	vadd.s32 v2, v58;
	s10 =	sld [smem:$0x786]  }
0x593: {  	[tilespmem:s0], [sflag:$0x3] =	stream.indirect_vreg.gather [hbm4b:s5+s2], $0x80, v63, vm0, $0xb8;
	[tilespmem:$0x10400] =	vst v63  }
0x594: {  	v62 =	vperm.xlane v49, v10;
	v61 =	vadd.s32 v2, v60;
	s0 =	sld [smem:$0x787]  }
0x595: {  	[tilespmem:s10], [sflag:$0x3] =	stream.indirect_vreg.gather [hbm4b:s5+s2], $0x80, v57, vm0, $0xb8;
	[tilespmem:$0x10400] =	vst v63  }
0x596: {  	v56 =	vperm.xlane v49, v11;
	v63 =	vadd.s32 v2, v62;
	s10 =	sld [smem:$0x788]  }
0x597: {  	[tilespmem:s0], [sflag:$0x3] =	stream.indirect_vreg.gather [hbm4b:s5+s2], $0x80, v59, vm0, $0xb8;
	[tilespmem:$0x10400] =	vst v63  }
0x598: {  	v58 =	vperm.xlane v49, v12;
	v57 =	vadd.s32 v2, v56;
	s0 =	sld [smem:$0x789]  }
0x599: {  	[tilespmem:s10], [sflag:$0x3] =	stream.indirect_vreg.gather [hbm4b:s5+s2], $0x80, v61, vm0, $0xb8;
	[tilespmem:$0x10400] =	vst v63  }
0x59a: {  	v60 =	vperm.xlane v49, v13;
	v59 =	vadd.s32 v2, v58;
	s10 =	sld [smem:$0x78A]  }
0x59b: {  	[tilespmem:s0], [sflag:$0x3] =	stream.indirect_vreg.gather [hbm4b:s5+s2], $0x80, v63, vm0, $0xb8;
	[tilespmem:$0x10400] =	vst v63  }
0x59c: {  	v62 =	vperm.xlane v49, v14;
	v61 =	vadd.s32 v2, v60;
	s0 =	sld [smem:$0x78B]  }
0x59d: {  	[tilespmem:s10], [sflag:$0x3] =	stream.indirect_vreg.gather [hbm4b:s5+s2], $0x80, v57, vm0, $0xb8;
	[tilespmem:$0x10400] =	vst v63  }
0x59e: {  	v49 =	vperm.xlane v49, v39;
	v63 =	vadd.s32 v2, v62;
	s10 =	sld [smem:$0x78C]  }
0x59f: {  	[tilespmem:s0], [sflag:$0x3] =	stream.indirect_vreg.gather [hbm4b:s5+s2], $0x80, v59, vm0, $0xb8;
	[tilespmem:$0x10400] =	vst v63  }
0x5a0: {  	v49 =	vadd.s32 v2, v49;
	s0 =	sld [smem:$0x78D]  }
0x5a1: {  	[tilespmem:s10], [sflag:$0x3] =	stream.indirect_vreg.gather [hbm4b:s5+s2], $0x80, v61, vm0, $0xb8;
	[tilespmem:$0x10400] =	vst v63  }
0x5a2: {  	s10 =	sld [smem:$0x78E]  }
0x5a3: {  	[tilespmem:s0], [sflag:$0x3] =	stream.indirect_vreg.gather [hbm4b:s5+s2], $0x80, v63, vm0, $0xb8;
	[tilespmem:$0x10400] =	vst v63  }
0x5a4: {  	_ = 	snop  }
0x5a5: {  	[tilespmem:s10], [sflag:$0x3] =	stream.indirect_vreg.gather [hbm4b:s5+s2], $0x80, v49, vm0, $0xb8;
	[tilespmem:$0x10400] =	vst v63  }
0x5a6: {  	v49 =	vld [tilespmem:$0x180];
	_ =	sdelay $0x4  }
0x5a7: {  	v55 =	vshll.u32 v49, $0x7  }
0x5a8: {  	v49 =	vand.u32 $0x7, v49;
	v50 =	vand.u32 $0xFFFFFC00, v55  }
0x5a9: {  	v49 =	vor.u32 v49, v50  }
0x5aa: {  	v50 =	vperm.xlane v49, v1;
	_ =	sdelay $0x1  }
0x5ab: {  	v56 =	vperm.xlane v49, v3;
	v50 =	vadd.s32 v2, v50;
	_ =	sdelay $0x1  }
0x5ac: {  	s0 =	sld [smem:$0x78F];
	v57 =	vperm.xlane v49, v33;
	v51 =	vadd.s32 v2, v56;
	_ =	sdelay $0x1  }
0x5ad: {  	s10 =	sld [smem:$0x790];
	v58 =	vperm.xlane v49, v4;
	v52 =	vadd.s32 v2, v57  }
0x5ae: {  	[tilespmem:s0], [sflag:$0x4] =	stream.indirect_vreg.gather [hbm4b:s6+s2], $0x80, v50, vm0, $0xb8;
	[tilespmem:$0x10400] =	vst v63  }
0x5af: {  	v60 =	vperm.xlane v49, v5;
	v59 =	vadd.s32 v2, v58;
	s0 =	sld [smem:$0x791]  }
0x5b0: {  	[tilespmem:s10], [sflag:$0x4] =	stream.indirect_vreg.gather [hbm4b:s6+s2], $0x80, v51, vm0, $0xb8;
	[tilespmem:$0x10400] =	vst v63  }
0x5b1: {  	v62 =	vperm.xlane v49, v27;
	v61 =	vadd.s32 v2, v60;
	s10 =	sld [smem:$0x792]  }
0x5b2: {  	[tilespmem:s0], [sflag:$0x4] =	stream.indirect_vreg.gather [hbm4b:s6+s2], $0x80, v52, vm0, $0xb8;
	[tilespmem:$0x10400] =	vst v63  }
0x5b3: {  	v63 =	vadd.s32 v2, v62;
	v56 =	vperm.xlane v49, v6;
	s0 =	sld [smem:$0x793]  }
0x5b4: {  	[tilespmem:s10], [sflag:$0x4] =	stream.indirect_vreg.gather [hbm4b:s6+s2], $0x80, v59, vm0, $0xb8;
	[tilespmem:$0x10400] =	vst v63  }
0x5b5: {  	v58 =	vperm.xlane v49, v0;
	v57 =	vadd.s32 v2, v56;
	s10 =	sld [smem:$0x794]  }
0x5b6: {  	[tilespmem:s0], [sflag:$0x4] =	stream.indirect_vreg.gather [hbm4b:s6+s2], $0x80, v61, vm0, $0xb8;
	[tilespmem:$0x10400] =	vst v63  }
0x5b7: {  	v60 =	vperm.xlane v49, v7;
	v59 =	vadd.s32 v2, v58;
	s0 =	sld [smem:$0x795]  }
0x5b8: {  	[tilespmem:s10], [sflag:$0x4] =	stream.indirect_vreg.gather [hbm4b:s6+s2], $0x80, v63, vm0, $0xb8;
	[tilespmem:$0x10400] =	vst v63  }
0x5b9: {  	v62 =	vperm.xlane v49, v8;
	v61 =	vadd.s32 v2, v60;
	s10 =	sld [smem:$0x796]  }
0x5ba: {  	[tilespmem:s0], [sflag:$0x4] =	stream.indirect_vreg.gather [hbm4b:s6+s2], $0x80, v57, vm0, $0xb8;
	[tilespmem:$0x10400] =	vst v63  }
0x5bb: {  	v56 =	vperm.xlane v49, v10;
	v63 =	vadd.s32 v2, v62;
	s0 =	sld [smem:$0x797]  }
0x5bc: {  	[tilespmem:s10], [sflag:$0x4] =	stream.indirect_vreg.gather [hbm4b:s6+s2], $0x80, v59, vm0, $0xb8;
	[tilespmem:$0x10400] =	vst v63  }
0x5bd: {  	v58 =	vperm.xlane v49, v11;
	v57 =	vadd.s32 v2, v56;
	s10 =	sld [smem:$0x798]  }
0x5be: {  	[tilespmem:s0], [sflag:$0x4] =	stream.indirect_vreg.gather [hbm4b:s6+s2], $0x80, v61, vm0, $0xb8;
	[tilespmem:$0x10400] =	vst v63  }
0x5bf: {  	v60 =	vperm.xlane v49, v12;
	v59 =	vadd.s32 v2, v58;
	s0 =	sld [smem:$0x799]  }
0x5c0: {  	[tilespmem:s10], [sflag:$0x4] =	stream.indirect_vreg.gather [hbm4b:s6+s2], $0x80, v63, vm0, $0xb8;
	[tilespmem:$0x10400] =	vst v63  }
0x5c1: {  	v62 =	vperm.xlane v49, v13;
	v61 =	vadd.s32 v2, v60;
	s10 =	sld [smem:$0x79A]  }
0x5c2: {  	[tilespmem:s0], [sflag:$0x4] =	stream.indirect_vreg.gather [hbm4b:s6+s2], $0x80, v57, vm0, $0xb8;
	[tilespmem:$0x10400] =	vst v63  }
0x5c3: {  	v56 =	vperm.xlane v49, v14;
	v63 =	vadd.s32 v2, v62;
	s0 =	sld [smem:$0x79B]  }
0x5c4: {  	[tilespmem:s10], [sflag:$0x4] =	stream.indirect_vreg.gather [hbm4b:s6+s2], $0x80, v59, vm0, $0xb8;
	[tilespmem:$0x10400] =	vst v63  }
0x5c5: {  	v49 =	vperm.xlane v49, v39;
	v57 =	vadd.s32 v2, v56;
	s10 =	sld [smem:$0x79C]  }
0x5c6: {  	[tilespmem:s0], [sflag:$0x4] =	stream.indirect_vreg.gather [hbm4b:s6+s2], $0x80, v61, vm0, $0xb8;
	[tilespmem:$0x10400] =	vst v63  }
0x5c7: {  	v49 =	vadd.s32 v2, v49;
	s0 =	sld [smem:$0x79D]  }
0x5c8: {  	[tilespmem:s10], [sflag:$0x4] =	stream.indirect_vreg.gather [hbm4b:s6+s2], $0x80, v63, vm0, $0xb8;
	[tilespmem:$0x10400] =	vst v63  }
0x5c9: {  	s10 =	sld [smem:$0x79E]  }
0x5ca: {  	[tilespmem:s0], [sflag:$0x4] =	stream.indirect_vreg.gather [hbm4b:s6+s2], $0x80, v57, vm0, $0xb8;
	[tilespmem:$0x10400] =	vst v63  }
0x5cb: {  	_ = 	snop  }
0x5cc: {  	[tilespmem:s10], [sflag:$0x4] =	stream.indirect_vreg.gather [hbm4b:s6+s2], $0x80, v49, vm0, $0xb8;
	[tilespmem:$0x10400] =	vst v63  }
0x5cd: {  	v49 =	vld [tilespmem:$0x190];
	_ =	sdelay $0x4  }
0x5ce: {  	v58 =	vshll.u32 v49, $0x7  }
0x5cf: {  	v49 =	vand.u32 $0x7, v49;
	v50 =	vand.u32 $0xFFFFFC00, v58  }
0x5d0: {  	v49 =	vor.u32 v49, v50  }
0x5d1: {  	v50 =	vperm.xlane v49, v1;
	_ =	sdelay $0x1  }
0x5d2: {  	v59 =	vperm.xlane v49, v3;
	v50 =	vadd.s32 v2, v50;
	_ =	sdelay $0x1  }
0x5d3: {  	s0 =	sld [smem:$0x79F];
	v60 =	vperm.xlane v49, v33;
	v51 =	vadd.s32 v2, v59;
	_ =	sdelay $0x1  }
0x5d4: {  	s10 =	sld [smem:$0x7A0];
	v61 =	vperm.xlane v49, v4;
	v52 =	vadd.s32 v2, v60  }
0x5d5: {  	[tilespmem:s0], [sflag:$0x4] =	stream.indirect_vreg.gather [hbm4b:s6+s2], $0x80, v50, vm0, $0xb8;
	[tilespmem:$0x10400] =	vst v63  }
0x5d6: {  	v63 =	vperm.xlane v49, v5;
	v62 =	vadd.s32 v2, v61;
	s0 =	sld [smem:$0x7A1]  }
0x5d7: {  	[tilespmem:s10], [sflag:$0x4] =	stream.indirect_vreg.gather [hbm4b:s6+s2], $0x80, v51, vm0, $0xb8;
	[tilespmem:$0x10400] =	vst v63  }
0x5d8: {  	v57 =	vperm.xlane v49, v27;
	v56 =	vadd.s32 v2, v63;
	s10 =	sld [smem:$0x7A2]  }
0x5d9: {  	[tilespmem:s0], [sflag:$0x4] =	stream.indirect_vreg.gather [hbm4b:s6+s2], $0x80, v52, vm0, $0xb8;
	[tilespmem:$0x10400] =	vst v63  }
0x5da: {  	v58 =	vadd.s32 v2, v57;
	v59 =	vperm.xlane v49, v6;
	s0 =	sld [smem:$0x7A3]  }
0x5db: {  	[tilespmem:s10], [sflag:$0x4] =	stream.indirect_vreg.gather [hbm4b:s6+s2], $0x80, v62, vm0, $0xb8;
	[tilespmem:$0x10400] =	vst v63  }
0x5dc: {  	v61 =	vperm.xlane v49, v0;
	v60 =	vadd.s32 v2, v59;
	s10 =	sld [smem:$0x7A4]  }
0x5dd: {  	[tilespmem:s0], [sflag:$0x4] =	stream.indirect_vreg.gather [hbm4b:s6+s2], $0x80, v56, vm0, $0xb8;
	[tilespmem:$0x10400] =	vst v63  }
0x5de: {  	v63 =	vperm.xlane v49, v7;
	v62 =	vadd.s32 v2, v61;
	s0 =	sld [smem:$0x7A5]  }
0x5df: {  	[tilespmem:s10], [sflag:$0x4] =	stream.indirect_vreg.gather [hbm4b:s6+s2], $0x80, v58, vm0, $0xb8;
	[tilespmem:$0x10400] =	vst v63  }
0x5e0: {  	v57 =	vperm.xlane v49, v8;
	v56 =	vadd.s32 v2, v63;
	s10 =	sld [smem:$0x7A6]  }
0x5e1: {  	[tilespmem:s0], [sflag:$0x4] =	stream.indirect_vreg.gather [hbm4b:s6+s2], $0x80, v60, vm0, $0xb8;
	[tilespmem:$0x10400] =	vst v63  }
0x5e2: {  	v59 =	vperm.xlane v49, v10;
	v58 =	vadd.s32 v2, v57;
	s0 =	sld [smem:$0x7A7]  }
0x5e3: {  	[tilespmem:s10], [sflag:$0x4] =	stream.indirect_vreg.gather [hbm4b:s6+s2], $0x80, v62, vm0, $0xb8;
	[tilespmem:$0x10400] =	vst v63  }
0x5e4: {  	v61 =	vperm.xlane v49, v11;
	v60 =	vadd.s32 v2, v59;
	s10 =	sld [smem:$0x7A8]  }
0x5e5: {  	[tilespmem:s0], [sflag:$0x4] =	stream.indirect_vreg.gather [hbm4b:s6+s2], $0x80, v56, vm0, $0xb8;
	[tilespmem:$0x10400] =	vst v63  }
0x5e6: {  	v63 =	vperm.xlane v49, v12;
	v62 =	vadd.s32 v2, v61;
	s0 =	sld [smem:$0x7A9]  }
0x5e7: {  	[tilespmem:s10], [sflag:$0x4] =	stream.indirect_vreg.gather [hbm4b:s6+s2], $0x80, v58, vm0, $0xb8;
	[tilespmem:$0x10400] =	vst v63  }
0x5e8: {  	v57 =	vperm.xlane v49, v13;
	v56 =	vadd.s32 v2, v63;
	s10 =	sld [smem:$0x7AA]  }
0x5e9: {  	[tilespmem:s0], [sflag:$0x4] =	stream.indirect_vreg.gather [hbm4b:s6+s2], $0x80, v60, vm0, $0xb8;
	[tilespmem:$0x10400] =	vst v63  }
0x5ea: {  	v59 =	vperm.xlane v49, v14;
	v58 =	vadd.s32 v2, v57;
	s0 =	sld [smem:$0x7AB]  }
0x5eb: {  	[tilespmem:s10], [sflag:$0x4] =	stream.indirect_vreg.gather [hbm4b:s6+s2], $0x80, v62, vm0, $0xb8;
	[tilespmem:$0x10400] =	vst v63  }
0x5ec: {  	v49 =	vperm.xlane v49, v39;
	v60 =	vadd.s32 v2, v59;
	s10 =	sld [smem:$0x7AC]  }
0x5ed: {  	[tilespmem:s0], [sflag:$0x4] =	stream.indirect_vreg.gather [hbm4b:s6+s2], $0x80, v56, vm0, $0xb8;
	[tilespmem:$0x10400] =	vst v63  }
0x5ee: {  	v49 =	vadd.s32 v2, v49;
	s0 =	sld [smem:$0x7AD]  }
0x5ef: {  	[tilespmem:s10], [sflag:$0x4] =	stream.indirect_vreg.gather [hbm4b:s6+s2], $0x80, v58, vm0, $0xb8;
	[tilespmem:$0x10400] =	vst v63  }
0x5f0: {  	s10 =	sld [smem:$0x7AE]  }
0x5f1: {  	[tilespmem:s0], [sflag:$0x4] =	stream.indirect_vreg.gather [hbm4b:s6+s2], $0x80, v60, vm0, $0xb8;
	[tilespmem:$0x10400] =	vst v63  }
0x5f2: {  	_ = 	snop  }
0x5f3: {  	[tilespmem:s10], [sflag:$0x4] =	stream.indirect_vreg.gather [hbm4b:s6+s2], $0x80, v49, vm0, $0xb8;
	[tilespmem:$0x10400] =	vst v63  }
0x5f4: {  	v49 =	vld [tilespmem:$0x1A0];
	_ =	sdelay $0x4  }
0x5f5: {  	v61 =	vshll.u32 v49, $0x7  }
0x5f6: {  	v49 =	vand.u32 $0x7, v49;
	v50 =	vand.u32 $0xFFFFFC00, v61  }
0x5f7: {  	v49 =	vor.u32 v49, v50  }
0x5f8: {  	v50 =	vperm.xlane v49, v1;
	_ =	sdelay $0x1  }
0x5f9: {  	v62 =	vperm.xlane v49, v3;
	v50 =	vadd.s32 v2, v50;
	_ =	sdelay $0x1  }
0x5fa: {  	s0 =	sld [smem:$0x7AF];
	v63 =	vperm.xlane v49, v33;
	v51 =	vadd.s32 v2, v62;
	_ =	sdelay $0x1  }
0x5fb: {  	s10 =	sld [smem:$0x7B0];
	v56 =	vperm.xlane v49, v4;
	v52 =	vadd.s32 v2, v63  }
0x5fc: {  	[tilespmem:s0], [sflag:$0x4] =	stream.indirect_vreg.gather [hbm4b:s6+s2], $0x80, v50, vm0, $0xb8;
	[tilespmem:$0x10400] =	vst v63  }
0x5fd: {  	v58 =	vperm.xlane v49, v5;
	v57 =	vadd.s32 v2, v56;
	s0 =	sld [smem:$0x7B1]  }
0x5fe: {  	[tilespmem:s10], [sflag:$0x4] =	stream.indirect_vreg.gather [hbm4b:s6+s2], $0x80, v51, vm0, $0xb8;
	[tilespmem:$0x10400] =	vst v63  }
0x5ff: {  	v60 =	vperm.xlane v49, v27;
	v59 =	vadd.s32 v2, v58;
	s10 =	sld [smem:$0x7B2]  }
0x600: {  	[tilespmem:s0], [sflag:$0x4] =	stream.indirect_vreg.gather [hbm4b:s6+s2], $0x80, v52, vm0, $0xb8;
	[tilespmem:$0x10400] =	vst v63  }
0x601: {  	v61 =	vadd.s32 v2, v60;
	v62 =	vperm.xlane v49, v6;
	s0 =	sld [smem:$0x7B3]  }
0x602: {  	[tilespmem:s10], [sflag:$0x4] =	stream.indirect_vreg.gather [hbm4b:s6+s2], $0x80, v57, vm0, $0xb8;
	[tilespmem:$0x10400] =	vst v63  }
0x603: {  	v56 =	vperm.xlane v49, v0;
	v63 =	vadd.s32 v2, v62;
	s10 =	sld [smem:$0x7B4]  }
0x604: {  	[tilespmem:s0], [sflag:$0x4] =	stream.indirect_vreg.gather [hbm4b:s6+s2], $0x80, v59, vm0, $0xb8;
	[tilespmem:$0x10400] =	vst v63  }
0x605: {  	v58 =	vperm.xlane v49, v7;
	v57 =	vadd.s32 v2, v56;
	s0 =	sld [smem:$0x7B5]  }
0x606: {  	[tilespmem:s10], [sflag:$0x4] =	stream.indirect_vreg.gather [hbm4b:s6+s2], $0x80, v61, vm0, $0xb8;
	[tilespmem:$0x10400] =	vst v63  }
0x607: {  	v60 =	vperm.xlane v49, v8;
	v59 =	vadd.s32 v2, v58;
	s10 =	sld [smem:$0x7B6]  }
0x608: {  	[tilespmem:s0], [sflag:$0x4] =	stream.indirect_vreg.gather [hbm4b:s6+s2], $0x80, v63, vm0, $0xb8;
	[tilespmem:$0x10400] =	vst v63  }
0x609: {  	v62 =	vperm.xlane v49, v10;
	v61 =	vadd.s32 v2, v60;
	s0 =	sld [smem:$0x7B7]  }
0x60a: {  	[tilespmem:s10], [sflag:$0x4] =	stream.indirect_vreg.gather [hbm4b:s6+s2], $0x80, v57, vm0, $0xb8;
	[tilespmem:$0x10400] =	vst v63  }
0x60b: {  	v56 =	vperm.xlane v49, v11;
	v63 =	vadd.s32 v2, v62;
	s10 =	sld [smem:$0x7B8]  }
0x60c: {  	[tilespmem:s0], [sflag:$0x4] =	stream.indirect_vreg.gather [hbm4b:s6+s2], $0x80, v59, vm0, $0xb8;
	[tilespmem:$0x10400] =	vst v63  }
0x60d: {  	v58 =	vperm.xlane v49, v12;
	v57 =	vadd.s32 v2, v56;
	s0 =	sld [smem:$0x7B9]  }
0x60e: {  	[tilespmem:s10], [sflag:$0x4] =	stream.indirect_vreg.gather [hbm4b:s6+s2], $0x80, v61, vm0, $0xb8;
	[tilespmem:$0x10400] =	vst v63  }
0x60f: {  	v60 =	vperm.xlane v49, v13;
	v59 =	vadd.s32 v2, v58;
	s10 =	sld [smem:$0x7BA]  }
0x610: {  	[tilespmem:s0], [sflag:$0x4] =	stream.indirect_vreg.gather [hbm4b:s6+s2], $0x80, v63, vm0, $0xb8;
	[tilespmem:$0x10400] =	vst v63  }
0x611: {  	v62 =	vperm.xlane v49, v14;
	v61 =	vadd.s32 v2, v60;
	s0 =	sld [smem:$0x7BB]  }
0x612: {  	[tilespmem:s10], [sflag:$0x4] =	stream.indirect_vreg.gather [hbm4b:s6+s2], $0x80, v57, vm0, $0xb8;
	[tilespmem:$0x10400] =	vst v63  }
0x613: {  	v49 =	vperm.xlane v49, v39;
	v63 =	vadd.s32 v2, v62;
	s10 =	sld [smem:$0x7BC]  }
0x614: {  	[tilespmem:s0], [sflag:$0x4] =	stream.indirect_vreg.gather [hbm4b:s6+s2], $0x80, v59, vm0, $0xb8;
	[tilespmem:$0x10400] =	vst v63  }
0x615: {  	v49 =	vadd.s32 v2, v49;
	s0 =	sld [smem:$0x7BD]  }
0x616: {  	[tilespmem:s10], [sflag:$0x4] =	stream.indirect_vreg.gather [hbm4b:s6+s2], $0x80, v61, vm0, $0xb8;
	[tilespmem:$0x10400] =	vst v63  }
0x617: {  	s10 =	sld [smem:$0x7BE]  }
0x618: {  	[tilespmem:s0], [sflag:$0x4] =	stream.indirect_vreg.gather [hbm4b:s6+s2], $0x80, v63, vm0, $0xb8;
	[tilespmem:$0x10400] =	vst v63  }
0x619: {  	_ = 	snop  }
0x61a: {  	[tilespmem:s10], [sflag:$0x4] =	stream.indirect_vreg.gather [hbm4b:s6+s2], $0x80, v49, vm0, $0xb8;
	[tilespmem:$0x10400] =	vst v63  }
0x61b: {  	v49 =	vld [tilespmem:$0x1B0];
	_ =	sdelay $0x4  }
0x61c: {  	v55 =	vshll.u32 v49, $0x7  }
0x61d: {  	v49 =	vand.u32 $0x7, v49;
	v50 =	vand.u32 $0xFFFFFC00, v55  }
0x61e: {  	v49 =	vor.u32 v49, v50  }
0x61f: {  	v50 =	vperm.xlane v49, v1;
	_ =	sdelay $0x1  }
0x620: {  	v56 =	vperm.xlane v49, v3;
	v50 =	vadd.s32 v2, v50;
	_ =	sdelay $0x1  }
0x621: {  	s0 =	sld [smem:$0x7BF];
	v57 =	vperm.xlane v49, v33;
	v51 =	vadd.s32 v2, v56;
	_ =	sdelay $0x1  }
0x622: {  	s10 =	sld [smem:$0x7C0];
	v58 =	vperm.xlane v49, v4;
	v52 =	vadd.s32 v2, v57  }
0x623: {  	[tilespmem:s0], [sflag:$0x4] =	stream.indirect_vreg.gather [hbm4b:s6+s2], $0x80, v50, vm0, $0xb8;
	[tilespmem:$0x10400] =	vst v63  }
0x624: {  	v60 =	vperm.xlane v49, v5;
	v59 =	vadd.s32 v2, v58;
	s0 =	sld [smem:$0x7C1]  }
0x625: {  	[tilespmem:s10], [sflag:$0x4] =	stream.indirect_vreg.gather [hbm4b:s6+s2], $0x80, v51, vm0, $0xb8;
	[tilespmem:$0x10400] =	vst v63  }
0x626: {  	v62 =	vperm.xlane v49, v27;
	v61 =	vadd.s32 v2, v60;
	s10 =	sld [smem:$0x7C2]  }
0x627: {  	[tilespmem:s0], [sflag:$0x4] =	stream.indirect_vreg.gather [hbm4b:s6+s2], $0x80, v52, vm0, $0xb8;
	[tilespmem:$0x10400] =	vst v63  }
0x628: {  	v63 =	vadd.s32 v2, v62;
	v56 =	vperm.xlane v49, v6;
	s0 =	sld [smem:$0x7C3]  }
0x629: {  	[tilespmem:s10], [sflag:$0x4] =	stream.indirect_vreg.gather [hbm4b:s6+s2], $0x80, v59, vm0, $0xb8;
	[tilespmem:$0x10400] =	vst v63  }
0x62a: {  	v58 =	vperm.xlane v49, v0;
	v57 =	vadd.s32 v2, v56;
	s10 =	sld [smem:$0x7C4]  }
0x62b: {  	[tilespmem:s0], [sflag:$0x4] =	stream.indirect_vreg.gather [hbm4b:s6+s2], $0x80, v61, vm0, $0xb8;
	[tilespmem:$0x10400] =	vst v63  }
0x62c: {  	v60 =	vperm.xlane v49, v7;
	v59 =	vadd.s32 v2, v58;
	s0 =	sld [smem:$0x7C5]  }
0x62d: {  	[tilespmem:s10], [sflag:$0x4] =	stream.indirect_vreg.gather [hbm4b:s6+s2], $0x80, v63, vm0, $0xb8;
	[tilespmem:$0x10400] =	vst v63  }
0x62e: {  	v62 =	vperm.xlane v49, v8;
	v61 =	vadd.s32 v2, v60;
	s10 =	sld [smem:$0x7C6]  }
0x62f: {  	[tilespmem:s0], [sflag:$0x4] =	stream.indirect_vreg.gather [hbm4b:s6+s2], $0x80, v57, vm0, $0xb8;
	[tilespmem:$0x10400] =	vst v63  }
0x630: {  	v56 =	vperm.xlane v49, v10;
	v63 =	vadd.s32 v2, v62;
	s0 =	sld [smem:$0x7C7]  }
0x631: {  	[tilespmem:s10], [sflag:$0x4] =	stream.indirect_vreg.gather [hbm4b:s6+s2], $0x80, v59, vm0, $0xb8;
	[tilespmem:$0x10400] =	vst v63  }
0x632: {  	v58 =	vperm.xlane v49, v11;
	v57 =	vadd.s32 v2, v56;
	s10 =	sld [smem:$0x7C8]  }
0x633: {  	[tilespmem:s0], [sflag:$0x4] =	stream.indirect_vreg.gather [hbm4b:s6+s2], $0x80, v61, vm0, $0xb8;
	[tilespmem:$0x10400] =	vst v63  }
0x634: {  	v60 =	vperm.xlane v49, v12;
	v59 =	vadd.s32 v2, v58;
	s0 =	sld [smem:$0x7C9]  }
0x635: {  	[tilespmem:s10], [sflag:$0x4] =	stream.indirect_vreg.gather [hbm4b:s6+s2], $0x80, v63, vm0, $0xb8;
	[tilespmem:$0x10400] =	vst v63  }
0x636: {  	v62 =	vperm.xlane v49, v13;
	v61 =	vadd.s32 v2, v60;
	s10 =	sld [smem:$0x7CA]  }
0x637: {  	[tilespmem:s0], [sflag:$0x4] =	stream.indirect_vreg.gather [hbm4b:s6+s2], $0x80, v57, vm0, $0xb8;
	[tilespmem:$0x10400] =	vst v63  }
0x638: {  	v56 =	vperm.xlane v49, v14;
	v63 =	vadd.s32 v2, v62;
	s0 =	sld [smem:$0x7CB]  }
0x639: {  	[tilespmem:s10], [sflag:$0x4] =	stream.indirect_vreg.gather [hbm4b:s6+s2], $0x80, v59, vm0, $0xb8;
	[tilespmem:$0x10400] =	vst v63  }
0x63a: {  	v49 =	vperm.xlane v49, v39;
	v57 =	vadd.s32 v2, v56;
	s10 =	sld [smem:$0x7CC]  }
0x63b: {  	[tilespmem:s0], [sflag:$0x4] =	stream.indirect_vreg.gather [hbm4b:s6+s2], $0x80, v61, vm0, $0xb8;
	[tilespmem:$0x10400] =	vst v63  }
0x63c: {  	v49 =	vadd.s32 v2, v49;
	s0 =	sld [smem:$0x7CD]  }
0x63d: {  	[tilespmem:s10], [sflag:$0x4] =	stream.indirect_vreg.gather [hbm4b:s6+s2], $0x80, v63, vm0, $0xb8;
	[tilespmem:$0x10400] =	vst v63  }
0x63e: {  	s10 =	sld [smem:$0x7CE]  }
0x63f: {  	[tilespmem:s0], [sflag:$0x4] =	stream.indirect_vreg.gather [hbm4b:s6+s2], $0x80, v57, vm0, $0xb8;
	[tilespmem:$0x10400] =	vst v63  }
0x640: {  	_ = 	snop  }
0x641: {  	[tilespmem:s10], [sflag:$0x4] =	stream.indirect_vreg.gather [hbm4b:s6+s2], $0x80, v49, vm0, $0xb8;
	[tilespmem:$0x10400] =	vst v63  }
0x642: {  	v49 =	vld [tilespmem:$0x1C0];
	_ =	sdelay $0x4  }
0x643: {  	v58 =	vshll.u32 v49, $0x7  }
0x644: {  	v49 =	vand.u32 $0x7, v49;
	v50 =	vand.u32 $0xFFFFFC00, v58  }
0x645: {  	v49 =	vor.u32 v49, v50  }
0x646: {  	v50 =	vperm.xlane v49, v1;
	_ =	sdelay $0x1  }
0x647: {  	v59 =	vperm.xlane v49, v3;
	v50 =	vadd.s32 v2, v50;
	_ =	sdelay $0x1  }
0x648: {  	s0 =	sld [smem:$0x7CF];
	v60 =	vperm.xlane v49, v33;
	v51 =	vadd.s32 v2, v59;
	_ =	sdelay $0x1  }
0x649: {  	s10 =	sld [smem:$0x7D0];
	v61 =	vperm.xlane v49, v4;
	v52 =	vadd.s32 v2, v60  }
0x64a: {  	[tilespmem:s0], [sflag:$0x4] =	stream.indirect_vreg.gather [hbm4b:s6+s2], $0x80, v50, vm0, $0xb8;
	[tilespmem:$0x10400] =	vst v63  }
0x64b: {  	v63 =	vperm.xlane v49, v5;
	v62 =	vadd.s32 v2, v61;
	s0 =	sld [smem:$0x7D1]  }
0x64c: {  	[tilespmem:s10], [sflag:$0x4] =	stream.indirect_vreg.gather [hbm4b:s6+s2], $0x80, v51, vm0, $0xb8;
	[tilespmem:$0x10400] =	vst v63  }
0x64d: {  	v57 =	vperm.xlane v49, v27;
	v56 =	vadd.s32 v2, v63;
	s10 =	sld [smem:$0x7D2]  }
0x64e: {  	[tilespmem:s0], [sflag:$0x4] =	stream.indirect_vreg.gather [hbm4b:s6+s2], $0x80, v52, vm0, $0xb8;
	[tilespmem:$0x10400] =	vst v63  }
0x64f: {  	v58 =	vadd.s32 v2, v57;
	v59 =	vperm.xlane v49, v6;
	s0 =	sld [smem:$0x7D3]  }
0x650: {  	[tilespmem:s10], [sflag:$0x4] =	stream.indirect_vreg.gather [hbm4b:s6+s2], $0x80, v62, vm0, $0xb8;
	[tilespmem:$0x10400] =	vst v63  }
0x651: {  	v61 =	vperm.xlane v49, v0;
	v60 =	vadd.s32 v2, v59;
	s10 =	sld [smem:$0x7D4]  }
0x652: {  	[tilespmem:s0], [sflag:$0x4] =	stream.indirect_vreg.gather [hbm4b:s6+s2], $0x80, v56, vm0, $0xb8;
	[tilespmem:$0x10400] =	vst v63  }
0x653: {  	v63 =	vperm.xlane v49, v7;
	v62 =	vadd.s32 v2, v61;
	s0 =	sld [smem:$0x7D5]  }
0x654: {  	[tilespmem:s10], [sflag:$0x4] =	stream.indirect_vreg.gather [hbm4b:s6+s2], $0x80, v58, vm0, $0xb8;
	[tilespmem:$0x10400] =	vst v63  }
0x655: {  	v57 =	vperm.xlane v49, v8;
	v56 =	vadd.s32 v2, v63;
	s10 =	sld [smem:$0x7D6]  }
0x656: {  	[tilespmem:s0], [sflag:$0x4] =	stream.indirect_vreg.gather [hbm4b:s6+s2], $0x80, v60, vm0, $0xb8;
	[tilespmem:$0x10400] =	vst v63  }
0x657: {  	v59 =	vperm.xlane v49, v10;
	v58 =	vadd.s32 v2, v57;
	s0 =	sld [smem:$0x7D7]  }
0x658: {  	[tilespmem:s10], [sflag:$0x4] =	stream.indirect_vreg.gather [hbm4b:s6+s2], $0x80, v62, vm0, $0xb8;
	[tilespmem:$0x10400] =	vst v63  }
0x659: {  	v61 =	vperm.xlane v49, v11;
	v60 =	vadd.s32 v2, v59;
	s10 =	sld [smem:$0x7D8]  }
0x65a: {  	[tilespmem:s0], [sflag:$0x4] =	stream.indirect_vreg.gather [hbm4b:s6+s2], $0x80, v56, vm0, $0xb8;
	[tilespmem:$0x10400] =	vst v63  }
0x65b: {  	v63 =	vperm.xlane v49, v12;
	v62 =	vadd.s32 v2, v61;
	s0 =	sld [smem:$0x7D9]  }
0x65c: {  	[tilespmem:s10], [sflag:$0x4] =	stream.indirect_vreg.gather [hbm4b:s6+s2], $0x80, v58, vm0, $0xb8;
	[tilespmem:$0x10400] =	vst v63  }
0x65d: {  	v57 =	vperm.xlane v49, v13;
	v56 =	vadd.s32 v2, v63;
	s10 =	sld [smem:$0x7DA]  }
0x65e: {  	[tilespmem:s0], [sflag:$0x4] =	stream.indirect_vreg.gather [hbm4b:s6+s2], $0x80, v60, vm0, $0xb8;
	[tilespmem:$0x10400] =	vst v63  }
0x65f: {  	v59 =	vperm.xlane v49, v14;
	v58 =	vadd.s32 v2, v57;
	s0 =	sld [smem:$0x7DB]  }
0x660: {  	[tilespmem:s10], [sflag:$0x4] =	stream.indirect_vreg.gather [hbm4b:s6+s2], $0x80, v62, vm0, $0xb8;
	[tilespmem:$0x10400] =	vst v63  }
0x661: {  	v49 =	vperm.xlane v49, v39;
	v60 =	vadd.s32 v2, v59;
	s10 =	sld [smem:$0x7DC]  }
0x662: {  	[tilespmem:s0], [sflag:$0x4] =	stream.indirect_vreg.gather [hbm4b:s6+s2], $0x80, v56, vm0, $0xb8;
	[tilespmem:$0x10400] =	vst v63  }
0x663: {  	v49 =	vadd.s32 v2, v49;
	s0 =	sld [smem:$0x7DD]  }
0x664: {  	[tilespmem:s10], [sflag:$0x4] =	stream.indirect_vreg.gather [hbm4b:s6+s2], $0x80, v58, vm0, $0xb8;
	[tilespmem:$0x10400] =	vst v63  }
0x665: {  	s10 =	sld [smem:$0x7DE]  }
0x666: {  	[tilespmem:s0], [sflag:$0x4] =	stream.indirect_vreg.gather [hbm4b:s6+s2], $0x80, v60, vm0, $0xb8;
	[tilespmem:$0x10400] =	vst v63  }
0x667: {  	_ = 	snop  }
0x668: {  	[tilespmem:s10], [sflag:$0x4] =	stream.indirect_vreg.gather [hbm4b:s6+s2], $0x80, v49, vm0, $0xb8;
	[tilespmem:$0x10400] =	vst v63  }
0x669: {  	v49 =	vld [tilespmem:$0x1D0];
	_ =	sdelay $0x4  }
0x66a: {  	v61 =	vshll.u32 v49, $0x7  }
0x66b: {  	v49 =	vand.u32 $0x7, v49;
	v50 =	vand.u32 $0xFFFFFC00, v61  }
0x66c: {  	v49 =	vor.u32 v49, v50  }
0x66d: {  	v50 =	vperm.xlane v49, v1;
	_ =	sdelay $0x1  }
0x66e: {  	v62 =	vperm.xlane v49, v3;
	v50 =	vadd.s32 v2, v50;
	_ =	sdelay $0x1  }
0x66f: {  	s0 =	sld [smem:$0x7DF];
	v63 =	vperm.xlane v49, v33;
	v51 =	vadd.s32 v2, v62;
	_ =	sdelay $0x1  }
0x670: {  	s10 =	sld [smem:$0x7E0];
	v56 =	vperm.xlane v49, v4;
	v52 =	vadd.s32 v2, v63  }
0x671: {  	[tilespmem:s0], [sflag:$0x4] =	stream.indirect_vreg.gather [hbm4b:s6+s2], $0x80, v50, vm0, $0xb8;
	[tilespmem:$0x10400] =	vst v63  }
0x672: {  	v58 =	vperm.xlane v49, v5;
	v57 =	vadd.s32 v2, v56;
	s0 =	sld [smem:$0x7E1]  }
0x673: {  	[tilespmem:s10], [sflag:$0x4] =	stream.indirect_vreg.gather [hbm4b:s6+s2], $0x80, v51, vm0, $0xb8;
	[tilespmem:$0x10400] =	vst v63  }
0x674: {  	v60 =	vperm.xlane v49, v27;
	v59 =	vadd.s32 v2, v58;
	s10 =	sld [smem:$0x7E2]  }
0x675: {  	[tilespmem:s0], [sflag:$0x4] =	stream.indirect_vreg.gather [hbm4b:s6+s2], $0x80, v52, vm0, $0xb8;
	[tilespmem:$0x10400] =	vst v63  }
0x676: {  	v61 =	vadd.s32 v2, v60;
	v62 =	vperm.xlane v49, v6;
	s0 =	sld [smem:$0x7E3]  }
0x677: {  	[tilespmem:s10], [sflag:$0x4] =	stream.indirect_vreg.gather [hbm4b:s6+s2], $0x80, v57, vm0, $0xb8;
	[tilespmem:$0x10400] =	vst v63  }
0x678: {  	v56 =	vperm.xlane v49, v0;
	v63 =	vadd.s32 v2, v62;
	s10 =	sld [smem:$0x7E4]  }
0x679: {  	[tilespmem:s0], [sflag:$0x4] =	stream.indirect_vreg.gather [hbm4b:s6+s2], $0x80, v59, vm0, $0xb8;
	[tilespmem:$0x10400] =	vst v63  }
0x67a: {  	v58 =	vperm.xlane v49, v7;
	v57 =	vadd.s32 v2, v56;
	s0 =	sld [smem:$0x7E5]  }
0x67b: {  	[tilespmem:s10], [sflag:$0x4] =	stream.indirect_vreg.gather [hbm4b:s6+s2], $0x80, v61, vm0, $0xb8;
	[tilespmem:$0x10400] =	vst v63  }
0x67c: {  	v60 =	vperm.xlane v49, v8;
	v59 =	vadd.s32 v2, v58;
	s10 =	sld [smem:$0x7E6]  }
0x67d: {  	[tilespmem:s0], [sflag:$0x4] =	stream.indirect_vreg.gather [hbm4b:s6+s2], $0x80, v63, vm0, $0xb8;
	[tilespmem:$0x10400] =	vst v63  }
0x67e: {  	v62 =	vperm.xlane v49, v10;
	v61 =	vadd.s32 v2, v60;
	s0 =	sld [smem:$0x7E7]  }
0x67f: {  	[tilespmem:s10], [sflag:$0x4] =	stream.indirect_vreg.gather [hbm4b:s6+s2], $0x80, v57, vm0, $0xb8;
	[tilespmem:$0x10400] =	vst v63  }
0x680: {  	v56 =	vperm.xlane v49, v11;
	v63 =	vadd.s32 v2, v62;
	s10 =	sld [smem:$0x7E8]  }
0x681: {  	[tilespmem:s0], [sflag:$0x4] =	stream.indirect_vreg.gather [hbm4b:s6+s2], $0x80, v59, vm0, $0xb8;
	[tilespmem:$0x10400] =	vst v63  }
0x682: {  	v58 =	vperm.xlane v49, v12;
	v57 =	vadd.s32 v2, v56;
	s0 =	sld [smem:$0x7E9]  }
0x683: {  	[tilespmem:s10], [sflag:$0x4] =	stream.indirect_vreg.gather [hbm4b:s6+s2], $0x80, v61, vm0, $0xb8;
	[tilespmem:$0x10400] =	vst v63  }
0x684: {  	v60 =	vperm.xlane v49, v13;
	v59 =	vadd.s32 v2, v58;
	s10 =	sld [smem:$0x7EA]  }
0x685: {  	[tilespmem:s0], [sflag:$0x4] =	stream.indirect_vreg.gather [hbm4b:s6+s2], $0x80, v63, vm0, $0xb8;
	[tilespmem:$0x10400] =	vst v63  }
0x686: {  	v62 =	vperm.xlane v49, v14;
	v61 =	vadd.s32 v2, v60;
	s0 =	sld [smem:$0x7EB]  }
0x687: {  	[tilespmem:s10], [sflag:$0x4] =	stream.indirect_vreg.gather [hbm4b:s6+s2], $0x80, v57, vm0, $0xb8;
	[tilespmem:$0x10400] =	vst v63  }
0x688: {  	v49 =	vperm.xlane v49, v39;
	v63 =	vadd.s32 v2, v62;
	s10 =	sld [smem:$0x7EC]  }
0x689: {  	[tilespmem:s0], [sflag:$0x4] =	stream.indirect_vreg.gather [hbm4b:s6+s2], $0x80, v59, vm0, $0xb8;
	[tilespmem:$0x10400] =	vst v63  }
0x68a: {  	v49 =	vadd.s32 v2, v49;
	s0 =	sld [smem:$0x7ED]  }
0x68b: {  	[tilespmem:s10], [sflag:$0x4] =	stream.indirect_vreg.gather [hbm4b:s6+s2], $0x80, v61, vm0, $0xb8;
	[tilespmem:$0x10400] =	vst v63  }
0x68c: {  	s10 =	sld [smem:$0x7EE]  }
0x68d: {  	[tilespmem:s0], [sflag:$0x4] =	stream.indirect_vreg.gather [hbm4b:s6+s2], $0x80, v63, vm0, $0xb8;
	[tilespmem:$0x10400] =	vst v63  }
0x68e: {  	_ = 	snop  }
0x68f: {  	[tilespmem:s10], [sflag:$0x4] =	stream.indirect_vreg.gather [hbm4b:s6+s2], $0x80, v49, vm0, $0xb8;
	[tilespmem:$0x10400] =	vst v63  }
0x690: {  	v49 =	vld [tilespmem:$0x1E0];
	_ =	sdelay $0x4  }
0x691: {  	v54 =	vshll.u32 v49, $0x7  }
0x692: {  	v49 =	vand.u32 $0x7, v49;
	v50 =	vand.u32 $0xFFFFFC00, v54  }
0x693: {  	v49 =	vor.u32 v49, v50  }
0x694: {  	v50 =	vperm.xlane v49, v1;
	_ =	sdelay $0x1  }
0x695: {  	v55 =	vperm.xlane v49, v3;
	v50 =	vadd.s32 v2, v50;
	_ =	sdelay $0x1  }
0x696: {  	s0 =	sld [smem:$0x7EF];
	v56 =	vperm.xlane v49, v33;
	v51 =	vadd.s32 v2, v55;
	_ =	sdelay $0x1  }
0x697: {  	s10 =	sld [smem:$0x7F0];
	v57 =	vperm.xlane v49, v4;
	v52 =	vadd.s32 v2, v56  }
0x698: {  	[tilespmem:s0], [sflag:$0x4] =	stream.indirect_vreg.gather [hbm4b:s6+s2], $0x80, v50, vm0, $0xb8;
	[tilespmem:$0x10400] =	vst v63  }
0x699: {  	v59 =	vperm.xlane v49, v5;
	v58 =	vadd.s32 v2, v57;
	s0 =	sld [smem:$0x7F1]  }
0x69a: {  	[tilespmem:s10], [sflag:$0x4] =	stream.indirect_vreg.gather [hbm4b:s6+s2], $0x80, v51, vm0, $0xb8;
	[tilespmem:$0x10400] =	vst v63  }
0x69b: {  	v61 =	vperm.xlane v49, v27;
	v60 =	vadd.s32 v2, v59;
	s10 =	sld [smem:$0x7F2]  }
0x69c: {  	[tilespmem:s0], [sflag:$0x4] =	stream.indirect_vreg.gather [hbm4b:s6+s2], $0x80, v52, vm0, $0xb8;
	[tilespmem:$0x10400] =	vst v63  }
0x69d: {  	v63 =	vperm.xlane v49, v6;
	v62 =	vadd.s32 v2, v61;
	s0 =	sld [smem:$0x7F3]  }
0x69e: {  	[tilespmem:s10], [sflag:$0x4] =	stream.indirect_vreg.gather [hbm4b:s6+s2], $0x80, v58, vm0, $0xb8;
	[tilespmem:$0x10400] =	vst v63  }
0x69f: {  	v56 =	vadd.s32 v2, v63;
	v57 =	vperm.xlane v49, v0;
	s10 =	sld [smem:$0x7F4]  }
0x6a0: {  	[tilespmem:s0], [sflag:$0x4] =	stream.indirect_vreg.gather [hbm4b:s6+s2], $0x80, v60, vm0, $0xb8;
	[tilespmem:$0x10400] =	vst v63  }
0x6a1: {  	v59 =	vperm.xlane v49, v7;
	v58 =	vadd.s32 v2, v57;
	s0 =	sld [smem:$0x7F5]  }
0x6a2: {  	[tilespmem:s10], [sflag:$0x4] =	stream.indirect_vreg.gather [hbm4b:s6+s2], $0x80, v62, vm0, $0xb8;
	[tilespmem:$0x10400] =	vst v63  }
0x6a3: {  	v61 =	vperm.xlane v49, v8;
	v60 =	vadd.s32 v2, v59;
	s10 =	sld [smem:$0x7F6]  }
0x6a4: {  	[tilespmem:s0], [sflag:$0x4] =	stream.indirect_vreg.gather [hbm4b:s6+s2], $0x80, v56, vm0, $0xb8;
	[tilespmem:$0x10400] =	vst v63  }
0x6a5: {  	v63 =	vperm.xlane v49, v10;
	v62 =	vadd.s32 v2, v61;
	s0 =	sld [smem:$0x7F7]  }
0x6a6: {  	[tilespmem:s10], [sflag:$0x4] =	stream.indirect_vreg.gather [hbm4b:s6+s2], $0x80, v58, vm0, $0xb8;
	[tilespmem:$0x10400] =	vst v63  }
0x6a7: {  	v57 =	vperm.xlane v49, v11;
	v56 =	vadd.s32 v2, v63;
	s10 =	sld [smem:$0x7F8]  }
0x6a8: {  	[tilespmem:s0], [sflag:$0x4] =	stream.indirect_vreg.gather [hbm4b:s6+s2], $0x80, v60, vm0, $0xb8;
	[tilespmem:$0x10400] =	vst v63  }
0x6a9: {  	v59 =	vperm.xlane v49, v12;
	v58 =	vadd.s32 v2, v57;
	s0 =	sld [smem:$0x7F9]  }
0x6aa: {  	[tilespmem:s10], [sflag:$0x4] =	stream.indirect_vreg.gather [hbm4b:s6+s2], $0x80, v62, vm0, $0xb8;
	[tilespmem:$0x10400] =	vst v63  }
0x6ab: {  	v61 =	vperm.xlane v49, v13;
	v60 =	vadd.s32 v2, v59;
	s10 =	sld [smem:$0x7FA]  }
0x6ac: {  	[tilespmem:s0], [sflag:$0x4] =	stream.indirect_vreg.gather [hbm4b:s6+s2], $0x80, v56, vm0, $0xb8;
	[tilespmem:$0x10400] =	vst v63  }
0x6ad: {  	v63 =	vperm.xlane v49, v14;
	v62 =	vadd.s32 v2, v61;
	s0 =	sld [smem:$0x7FB]  }
0x6ae: {  	[tilespmem:s10], [sflag:$0x4] =	stream.indirect_vreg.gather [hbm4b:s6+s2], $0x80, v58, vm0, $0xb8;
	[tilespmem:$0x10400] =	vst v63  }
0x6af: {  	v49 =	vperm.xlane v49, v39;
	v56 =	vadd.s32 v2, v63;
	s10 =	sld [smem:$0x7FC]  }
0x6b0: {  	[tilespmem:s0], [sflag:$0x4] =	stream.indirect_vreg.gather [hbm4b:s6+s2], $0x80, v60, vm0, $0xb8;
	[tilespmem:$0x10400] =	vst v63  }
0x6b1: {  	v49 =	vadd.s32 v2, v49;
	s0 =	sld [smem:$0x7FD]  }
0x6b2: {  	[tilespmem:s10], [sflag:$0x4] =	stream.indirect_vreg.gather [hbm4b:s6+s2], $0x80, v62, vm0, $0xb8;
	[tilespmem:$0x10400] =	vst v63  }
0x6b3: {  	_ = 	snop  }
0x6b4: {  	[tilespmem:s0], [sflag:$0x4] =	stream.indirect_vreg.gather [hbm4b:s6+s2], $0x80, v56, vm0, $0xb8;
	[tilespmem:$0x10400] =	vst v63  }
0x6b5: {  	_ = 	snop  }
0x6b6: {  	[tilespmem:s26], [sflag:$0x4] =	stream.indirect_vreg.gather [hbm4b:s6+s2], $0x80, v49, vm0, $0xb8;
	[tilespmem:$0x10400] =	vst v63  }
0x6b7: {  	v49 =	vld [tilespmem:$0x1F0];
	_ =	sdelay $0x4  }
0x6b8: {  	v57 =	vshll.u32 v49, $0x7  }
0x6b9: {  	v49 =	vand.u32 $0x7, v49;
	v50 =	vand.u32 $0xFFFFFC00, v57  }
0x6ba: {  	v49 =	vor.u32 v49, v50  }
0x6bb: {  	v50 =	vperm.xlane v49, v1;
	_ =	sdelay $0x1  }
0x6bc: {  	v58 =	vperm.xlane v49, v3;
	v50 =	vadd.s32 v2, v50;
	_ =	sdelay $0x1  }
0x6bd: {  	v59 =	vperm.xlane v49, v33;
	v51 =	vadd.s32 v2, v58;
	_ =	sdelay $0x1  }
0x6be: {  	v60 =	vperm.xlane v49, v4;
	v52 =	vadd.s32 v2, v59  }
0x6bf: {  	[tilespmem:s28], [sflag:$0x4] =	stream.indirect_vreg.gather [hbm4b:s6+s2], $0x80, v50, vm0, $0xb8;
	[tilespmem:$0x10400] =	vst v63  }
0x6c0: {  	v62 =	vperm.xlane v49, v5;
	v61 =	vadd.s32 v2, v60  }
0x6c1: {  	[tilespmem:s29], [sflag:$0x4] =	stream.indirect_vreg.gather [hbm4b:s6+s2], $0x80, v51, vm0, $0xb8;
	[tilespmem:$0x10400] =	vst v63  }
0x6c2: {  	v56 =	vperm.xlane v49, v27;
	v63 =	vadd.s32 v2, v62  }
0x6c3: {  	[tilespmem:s14], [sflag:$0x4] =	stream.indirect_vreg.gather [hbm4b:s6+s2], $0x80, v52, vm0, $0xb8;
	[tilespmem:$0x10400] =	vst v63  }
0x6c4: {  	v57 =	vadd.s32 v2, v56;
	v58 =	vperm.xlane v49, v6  }
0x6c5: {  	[tilespmem:s21], [sflag:$0x4] =	stream.indirect_vreg.gather [hbm4b:s6+s2], $0x80, v61, vm0, $0xb8;
	[tilespmem:$0x10400] =	vst v63  }
0x6c6: {  	v60 =	vperm.xlane v49, v0;
	v59 =	vadd.s32 v2, v58  }
0x6c7: {  	[tilespmem:s22], [sflag:$0x4] =	stream.indirect_vreg.gather [hbm4b:s6+s2], $0x80, v63, vm0, $0xb8;
	[tilespmem:$0x10400] =	vst v63  }
0x6c8: {  	v62 =	vperm.xlane v49, v7;
	v61 =	vadd.s32 v2, v60  }
0x6c9: {  	[tilespmem:s23], [sflag:$0x4] =	stream.indirect_vreg.gather [hbm4b:s6+s2], $0x80, v57, vm0, $0xb8;
	[tilespmem:$0x10400] =	vst v63  }
0x6ca: {  	v56 =	vperm.xlane v49, v8;
	v63 =	vadd.s32 v2, v62  }
0x6cb: {  	[tilespmem:s25], [sflag:$0x4] =	stream.indirect_vreg.gather [hbm4b:s6+s2], $0x80, v59, vm0, $0xb8;
	[tilespmem:$0x10400] =	vst v63  }
0x6cc: {  	v58 =	vperm.xlane v49, v10;
	v57 =	vadd.s32 v2, v56  }
0x6cd: {  	[tilespmem:s24], [sflag:$0x4] =	stream.indirect_vreg.gather [hbm4b:s6+s2], $0x80, v61, vm0, $0xb8;
	[tilespmem:$0x10400] =	vst v63  }
0x6ce: {  	s10 =	simm.s32 $0xFE00;
	v60 =	vperm.xlane v49, v11;
	v59 =	vadd.s32 v2, v58  }
0x6cf: {  	[tilespmem:s10], [sflag:$0x4] =	stream.indirect_vreg.gather [hbm4b:s6+s2], $0x80, v63, vm0, $0xb8;
	[tilespmem:$0x10400] =	vst v63  }
0x6d0: {  	v62 =	vperm.xlane v49, v12;
	v61 =	vadd.s32 v2, v60  }
0x6d1: {  	[tilespmem:s20], [sflag:$0x4] =	stream.indirect_vreg.gather [hbm4b:s6+s2], $0x80, v57, vm0, $0xb8;
	[tilespmem:$0x10400] =	vst v63  }
0x6d2: {  	v56 =	vperm.xlane v49, v13;
	v63 =	vadd.s32 v2, v62  }
0x6d3: {  	[tilespmem:s16], [sflag:$0x4] =	stream.indirect_vreg.gather [hbm4b:s6+s2], $0x80, v59, vm0, $0xb8;
	[tilespmem:$0x10400] =	vst v63  }
0x6d4: {  	v58 =	vperm.xlane v49, v14;
	v57 =	vadd.s32 v2, v56  }
0x6d5: {  	[tilespmem:s18], [sflag:$0x4] =	stream.indirect_vreg.gather [hbm4b:s6+s2], $0x80, v61, vm0, $0xb8;
	[tilespmem:$0x10400] =	vst v63  }
0x6d6: {  	v49 =	vperm.xlane v49, v39;
	v59 =	vadd.s32 v2, v58  }
0x6d7: {  	[tilespmem:s19], [sflag:$0x4] =	stream.indirect_vreg.gather [hbm4b:s6+s2], $0x80, v63, vm0, $0xb8;
	[tilespmem:$0x10400] =	vst v63  }
0x6d8: {  	v49 =	vadd.s32 v2, v49  }
0x6d9: {  	[tilespmem:s17], [sflag:$0x4] =	stream.indirect_vreg.gather [hbm4b:s6+s2], $0x80, v57, vm0, $0xb8;
	[tilespmem:$0x10400] =	vst v63  }
0x6da: {  	_ = 	snop  }
0x6db: {  	[tilespmem:s15], [sflag:$0x4] =	stream.indirect_vreg.gather [hbm4b:s6+s2], $0x80, v59, vm0, $0xb8;
	[tilespmem:$0x10400] =	vst v63  }
0x6dc: {  	_ = 	snop  }
0x6dd: {  	[tilespmem:s11], [sflag:$0x4] =	stream.indirect_vreg.gather [hbm4b:s6+s2], $0x80, v49, vm0, $0xb8;
	[tilespmem:$0x10400] =	vst v63  }
0x6de: {  	_ =	swait.ge [sflag:s12], $0x4000  }
0x6df: {  	[sflag:s12] =	ssyncset.done $0x0  }
0x6e0: {  	[sflag:s12] =	ssyncadd.s32 $0xFFFFC000  }
0x6e1: {  	v60 =	vld.idx.msk [tilespmem:v9+s9+$0x0], $0xffff;
	_ =	sdelay $0x4  }
0x6e2: {  	[tilespmem:$0x10200] =	vst v60  }
0x6e3: {  	v49 =	vld.idx.msk [tilespmem:v15+s9+$0x0], $0xffff;
	_ =	sdelay $0x4  }
0x6e4: {  	[tilespmem:$0x10210] =	vst v49  }
0x6e5: {  	v49 =	vld.idx.msk [tilespmem:v16+s9+$0x0], $0xffff;
	_ =	sdelay $0x4  }
0x6e6: {  	[tilespmem:$0x10220] =	vst v49  }
0x6e7: {  	v49 =	vld.idx.msk [tilespmem:v17+s9+$0x0], $0xffff;
	_ =	sdelay $0x4  }
0x6e8: {  	[tilespmem:$0x10230] =	vst v49  }
0x6e9: {  	v49 =	vld.idx.msk [tilespmem:v18+s9+$0x0], $0xffff;
	_ =	sdelay $0x4  }
0x6ea: {  	[tilespmem:$0x10240] =	vst v49  }
0x6eb: {  	v49 =	vld.idx.msk [tilespmem:v19+s9+$0x0], $0xffff;
	_ =	sdelay $0x4  }
0x6ec: {  	[tilespmem:$0x10250] =	vst v49  }
0x6ed: {  	v49 =	vld.idx.msk [tilespmem:v20+s9+$0x0], $0xffff;
	_ =	sdelay $0x4  }
0x6ee: {  	[tilespmem:$0x10260] =	vst v49  }
0x6ef: {  	v49 =	vld.idx.msk [tilespmem:v21+s9+$0x0], $0xffff;
	_ =	sdelay $0x4  }
0x6f0: {  	[tilespmem:$0x10270] =	vst v49  }
0x6f1: {  	_ =	swait.ge [sflag:s13], $0x4000  }
0x6f2: {  	[sflag:s13] =	ssyncset.done $0x0  }
0x6f3: {  	[sflag:s13] =	ssyncadd.s32 $0xFFFFC000  }
0x6f4: {  	v61 =	vld.idx.msk [tilespmem:v22+s9+$0x0], $0xffff;
	_ =	sdelay $0x4  }
0x6f5: {  	[tilespmem:$0x10280] =	vst v61  }
0x6f6: {  	v49 =	vld.idx.msk [tilespmem:v23+s9+$0x0], $0xffff;
	_ =	sdelay $0x4  }
0x6f7: {  	[tilespmem:$0x10290] =	vst v49  }
0x6f8: {  	v49 =	vld.idx.msk [tilespmem:v24+s9+$0x0], $0xffff;
	_ =	sdelay $0x4  }
0x6f9: {  	[tilespmem:$0x102A0] =	vst v49  }
0x6fa: {  	v49 =	vld.idx.msk [tilespmem:v25+s9+$0x0], $0xffff;
	_ =	sdelay $0x4  }
0x6fb: {  	[tilespmem:$0x102B0] =	vst v49  }
0x6fc: {  	v49 =	vld.idx.msk [tilespmem:v26+s9+$0x0], $0xffff;
	_ =	sdelay $0x4  }
0x6fd: {  	[tilespmem:$0x102C0] =	vst v49  }
0x6fe: {  	v49 =	vld.idx.msk [tilespmem:v28+s9+$0x0], $0xffff;
	_ =	sdelay $0x4  }
0x6ff: {  	[tilespmem:$0x102D0] =	vst v49  }
0x700: {  	v49 =	vld.idx.msk [tilespmem:v29+s9+$0x0], $0xffff;
	_ =	sdelay $0x4  }
0x701: {  	[tilespmem:$0x102E0] =	vst v49  }
0x702: {  	v49 =	vld.idx.msk [tilespmem:v30+s9+$0x0], $0xffff;
	_ =	sdelay $0x4  }
0x703: {  	[tilespmem:$0x102F0] =	vst v49  }
0x704: {  	_ =	swait.ge [sflag:s30], $0x4000  }
0x705: {  	[sflag:s30] =	ssyncset.done $0x0  }
0x706: {  	[sflag:s30] =	ssyncadd.s32 $0xFFFFC000  }
0x707: {  	v62 =	vld.idx.msk [tilespmem:v31+s9+$0x0], $0xffff;
	_ =	sdelay $0x4  }
0x708: {  	[tilespmem:$0x10300] =	vst v62  }
0x709: {  	v49 =	vld.idx.msk [tilespmem:v32+s9+$0x0], $0xffff;
	_ =	sdelay $0x4  }
0x70a: {  	[tilespmem:$0x10310] =	vst v49  }
0x70b: {  	v49 =	vld.idx.msk [tilespmem:v34+s9+$0x0], $0xffff;
	_ =	sdelay $0x4  }
0x70c: {  	[tilespmem:$0x10320] =	vst v49  }
0x70d: {  	v49 =	vld.idx.msk [tilespmem:v35+s9+$0x0], $0xffff;
	_ =	sdelay $0x4  }
0x70e: {  	[tilespmem:$0x10330] =	vst v49  }
0x70f: {  	v49 =	vld.idx.msk [tilespmem:v36+s9+$0x0], $0xffff;
	_ =	sdelay $0x4  }
0x710: {  	[tilespmem:$0x10340] =	vst v49  }
0x711: {  	v49 =	vld.idx.msk [tilespmem:v37+s9+$0x0], $0xffff;
	_ =	sdelay $0x4  }
0x712: {  	[tilespmem:$0x10350] =	vst v49  }
0x713: {  	v49 =	vld.idx.msk [tilespmem:v38+s9+$0x0], $0xffff;
	_ =	sdelay $0x4  }
0x714: {  	[tilespmem:$0x10360] =	vst v49  }
0x715: {  	v49 =	vld.idx.msk [tilespmem:v40+s9+$0x0], $0xffff;
	_ =	sdelay $0x4  }
0x716: {  	[tilespmem:$0x10370] =	vst v49  }
0x717: {  	_ =	swait.ge [sflag:s31], $0x4000  }
0x718: {  	[sflag:s31] =	ssyncset.done $0x0  }
0x719: {  	[sflag:s31] =	ssyncadd.s32 $0xFFFFC000  }
0x71a: {  	v63 =	vld.idx.msk [tilespmem:v41+s9+$0x0], $0xffff;
	_ =	sdelay $0x4  }
0x71b: {  	[tilespmem:$0x10380] =	vst v63  }
0x71c: {  	v49 =	vld.idx.msk [tilespmem:v42+s9+$0x0], $0xffff;
	_ =	sdelay $0x4  }
0x71d: {  	[tilespmem:$0x10390] =	vst v49  }
0x71e: {  	v49 =	vld.idx.msk [tilespmem:v43+s9+$0x0], $0xffff;
	_ =	sdelay $0x4  }
0x71f: {  	[tilespmem:$0x103A0] =	vst v49  }
0x720: {  	v49 =	vld.idx.msk [tilespmem:v44+s9+$0x0], $0xffff;
	_ =	sdelay $0x4  }
0x721: {  	[tilespmem:$0x103B0] =	vst v49  }
0x722: {  	v49 =	vld.idx.msk [tilespmem:v45+s9+$0x0], $0xffff;
	_ =	sdelay $0x4  }
0x723: {  	[tilespmem:$0x103C0] =	vst v49  }
0x724: {  	v49 =	vld.idx.msk [tilespmem:v46+s9+$0x0], $0xffff;
	_ =	sdelay $0x4  }
0x725: {  	[tilespmem:$0x103D0] =	vst v49  }
0x726: {  	v49 =	vld.idx.msk [tilespmem:v47+s9+$0x0], $0xffff;
	_ =	sdelay $0x4  }
0x727: {  	[tilespmem:$0x103E0] =	vst v49  }
0x728: {  	v49 =	vld.idx.msk [tilespmem:v48+s9+$0x0], $0xffff;
	_ =	sdelay $0x3  }
0x729: {  	p0 =	sne.s32 s7, $0x1  }
.Ltmp0:
0x72a: {  	s10 =	rddreg [dreg:$0x5];
	[tilespmem:$0x103F0] =	vst v49;
	(pc) =	sbr.rel @p0 .LBB2_1-.Ltmp0, $4  }
0x72b: {  	[hbm4b:s10+s2] =	stream.linear.scatter [tilespmem:s1], [sflag:$0x5], $0x200, $0x38;
	[tilespmem:$0x10400] =	vst v63  }
0x72c: {  	_ =	swait.ge [sflag:s8], $0x200  }
0x72d: {  	[sflag:s8] =	ssyncset.done $0x0  }
0x72e: {  	s7 =	sadd.s32 $0xFFFFFFFF, s7;
	[sflag:s8] =	ssyncadd.s32 $0xFFFFFE00  }
0x72f: {  	_ =	sfence.sel $0x180000  }
0x730: {  	[bflag:$0x0] =	sbarrier.arrive $0xFFFF  }
0x731: {  	_ =	strace $0x90000047  }
0x732: {  	s0 =	stileid.u32;
	[bflag:$0x2] =	sbarrier.arrive $0xFFFF  }
0x733: {  	p0 =	sne.s32 s0, $0x0;
	s0 =	rddreg [dreg:$0x3]  }
0x734: {  	s0 =	sadd.s32 @!p0 $0x100000, s0  }
0x735: {  	[sflag:s0] =	ssyncadd.tile.s32 @!p0 $0x1;
	_ =	shalt  }
.Lfunc_end2:
_tile_overlayer_lowered:
.L_overlay_start_2:
0x736: {  	(tag) =	ssettag $0x2  }
0x737: {  	s0 =	rddreg [dreg:$0x0];
	s2 =	stileid.u32  }
0x738: {  	s1 =	rddreg [dreg:$0x1];
	p0 =	sne.s32 s2, $0x0  }
0x739: {  	s3 =	rddreg [dreg:$0x2];
	[bflag:$0x3] =	sbarrier.arrive $0xFFFF;
	s2 =	simm.s32 @!p0 $0x1C05  }
0x73a: {  	[timem:s3], [sflag:s2] =	dma.local @!p0 [hbm:s0], s1  }
0x73b: {  	s0 =	simm.s32 @!p0 $0x5  }
0x73c: {  	_ =	swait.ge @!p0 [sflag:s0], s1  }
0x73d: {  	s1 =	ssub.s32 @!p0 $0x0, s1;
	[sflag:s0] =	ssyncset.done @!p0 $0x0  }
0x73e: {  	[sflag:s0] =	ssyncadd.s32 @!p0 s1  }
0x73f: {  	[bflag:$0x3] =	sbarrier.arrive $0xFFFF  }
0x740: {  	_ =	shalt  }

</sc_bundles>
